<compile_context>
chip_gen: v7x
topology: tpu7x:2x2x1
jax: 0.10.2.dev20260603
libtpu: 0.0.44.dev20260713+nightly
codegen_flags: <defaults>
</compile_context>

<pallas_src>
import functools

import jax
import jax.numpy as jnp
from jax import lax
from jax.experimental import pallas as pl
from jax.experimental.pallas import tpu as pltpu
from jax.experimental.pallas import tpu_sc as plsc

N = 10000
D = 128
H1 = 256
H2 = 128
RW = 5
DIN = D + RW

BM_HOP = 200
BM_MLP = 1000


def _hop_mm_kernel(hop_ref, y_ref, z_ref, s1_ref, s2_ref):
    h = hop_ref[...].astype(jnp.bfloat16)
    z = jax.lax.dot_general(h, y_ref[...], (((1,), (0,)), ((), ())),
                            preferred_element_type=jnp.float32)
    z_ref[...] = z

    @pl.when(pl.program_id(0) == 0)
    def _():
        s1_ref[...] = jnp.zeros_like(s1_ref)
        s2_ref[...] = jnp.zeros_like(s2_ref)

    s1_ref[...] += jnp.sum(z, axis=0, keepdims=True)
    s2_ref[...] += jnp.sum(z * z, axis=0, keepdims=True)


def _hop_mm(hop, y_bf16):
    return pl.pallas_call(
        _hop_mm_kernel,
        grid=(N // BM_HOP,),
        in_specs=[pl.BlockSpec((BM_HOP, N), lambda i: (i, 0)),
                  pl.BlockSpec((N, H1), lambda i: (0, 0))],
        out_specs=[pl.BlockSpec((BM_HOP, H1), lambda i: (i, 0)),
                   pl.BlockSpec((1, H1), lambda i: (0, 0)),
                   pl.BlockSpec((1, H1), lambda i: (0, 0))],
        out_shape=[jax.ShapeDtypeStruct((N, H1), jnp.float32),
                   jax.ShapeDtypeStruct((1, H1), jnp.float32),
                   jax.ShapeDtypeStruct((1, H1), jnp.float32)],
    )(hop, y_bf16)


def _yprep_kernel(xc_ref, w_ref, y_ref, s1_ref, s2_ref):
    y = jax.lax.dot_general(xc_ref[...], w_ref[0], (((1,), (0,)), ((), ())),
                            preferred_element_type=jnp.float32)
    y_ref[0] = y.astype(jnp.bfloat16)

    @pl.when(pl.program_id(1) == 0)
    def _():
        s1_ref[...] = jnp.zeros_like(s1_ref)
        s2_ref[...] = jnp.zeros_like(s2_ref)

    s1_ref[...] += jnp.sum(y, axis=0, keepdims=True)[None]
    s2_ref[...] += jnp.sum(y * y, axis=0, keepdims=True)[None]


def _yprep(xc_bf16, w1s_bf16):
    return pl.pallas_call(
        _yprep_kernel,
        grid=(4, N // BM_MLP),
        in_specs=[pl.BlockSpec((BM_MLP, DIN), lambda b, i: (i, 0)),
                  pl.BlockSpec((1, DIN, H1), lambda b, i: (b, 0, 0))],
        out_specs=[pl.BlockSpec((1, BM_MLP, H1), lambda b, i: (b, i, 0)),
                   pl.BlockSpec((1, 1, H1), lambda b, i: (b, 0, 0)),
                   pl.BlockSpec((1, 1, H1), lambda b, i: (b, 0, 0))],
        out_shape=[jax.ShapeDtypeStruct((4, N, H1), jnp.bfloat16),
                   jax.ShapeDtypeStruct((4, 1, H1), jnp.float32),
                   jax.ShapeDtypeStruct((4, 1, H1), jnp.float32)],
    )(xc_bf16, w1s_bf16)


def _passb_kernel(a_ref, m_ref, inv_ref, g_ref, be_ref, w2_ref,
                  b_ref, s1_ref, s2_ref):
    a = a_ref[...].astype(jnp.float32)
    h = (a - m_ref[...]) * inv_ref[...] * g_ref[...] + be_ref[...]
    h = jnp.maximum(h, 0.0).astype(jnp.bfloat16)
    b = jax.lax.dot_general(h, w2_ref[...], (((1,), (0,)), ((), ())),
                            preferred_element_type=jnp.float32)
    b_ref[...] = b

    @pl.when(pl.program_id(0) == 0)
    def _():
        s1_ref[...] = jnp.zeros_like(s1_ref)
        s2_ref[...] = jnp.zeros_like(s2_ref)

    s1_ref[...] += jnp.sum(b, axis=0, keepdims=True)
    s2_ref[...] += jnp.sum(b * b, axis=0, keepdims=True)


def _passb(a, m1, inv1, g1, be1, w2_bf16):
    return pl.pallas_call(
        _passb_kernel,
        grid=(N // BM_MLP,),
        in_specs=[pl.BlockSpec((BM_MLP, H1), lambda i: (i, 0)),
                  pl.BlockSpec((1, H1), lambda i: (0, 0)),
                  pl.BlockSpec((1, H1), lambda i: (0, 0)),
                  pl.BlockSpec((1, H1), lambda i: (0, 0)),
                  pl.BlockSpec((1, H1), lambda i: (0, 0)),
                  pl.BlockSpec((H1, H2), lambda i: (0, 0))],
        out_specs=[pl.BlockSpec((BM_MLP, H2), lambda i: (i, 0)),
                   pl.BlockSpec((1, H2), lambda i: (0, 0)),
                   pl.BlockSpec((1, H2), lambda i: (0, 0))],
        out_shape=[jax.ShapeDtypeStruct((N, H2), jnp.float32),
                   jax.ShapeDtypeStruct((1, H2), jnp.float32),
                   jax.ShapeDtypeStruct((1, H2), jnp.float32)],
    )(a, m1, inv1, g1, be1, w2_bf16)


def _passc_kernel(b0, b1, b2, b3, m_ref, inv_ref, g_ref, be_ref, w3_ref,
                  bias_ref, aggp_ref, degp_ref, b3g_ref, o_ref):
    dis = _dis_block(degp_ref)
    o_ref[:, :H2] = jnp.maximum(_psum(aggp_ref, 0) * dis + b3g_ref[...], 0.0)
    acc = bias_ref[...] * jnp.ones((b0.shape[0], 1), jnp.float32)
    for i, bref in enumerate((b0, b1, b2, b3)):
        h = (bref[...] - m_ref[i]) * inv_ref[i] * g_ref[i] + be_ref[i]
        h = jnp.maximum(h, 0.0).astype(jnp.bfloat16)
        acc += jax.lax.dot_general(h, w3_ref[i], (((1,), (0,)), ((), ())),
                                   preferred_element_type=jnp.float32)
    o_ref[:, H2:] = acc


def _passc(bs, m2s, inv2s, g2s, be2s, w3s_bf16, bias_sum, agg3, degp, b3g):
    vec = lambda: pl.BlockSpec((4, 1, H2), lambda i: (0, 0, 0))
    return pl.pallas_call(
        _passc_kernel,
        grid=(N // BM_MLP,),
        in_specs=[pl.BlockSpec((BM_MLP, H2), lambda i: (i, 0))] * 4
                 + [vec(), vec(), vec(), vec(),
                    pl.BlockSpec((4, H2, H2), lambda i: (0, 0, 0)),
                    pl.BlockSpec((1, H2), lambda i: (0, 0)),
                    pl.BlockSpec((2, 1, BM_MLP, 128), lambda i: (0, 0, i, 0)),
                    pl.BlockSpec((2, BM_MLP, 16), lambda i: (0, i, 0)),
                    pl.BlockSpec((1, H2), lambda i: (0, 0))],
        out_specs=pl.BlockSpec((BM_MLP, 2 * H2), lambda i: (i, 0)),
        out_shape=jax.ShapeDtypeStruct((N, 2 * H2), jnp.float32),
    )(*bs, m2s, inv2s, g2s, be2s, w3s_bf16, bias_sum, agg3, degp, b3g)


def _finalize_stats(s1, s2):
    m = s1 / N
    v = jnp.maximum(s2 / N - m * m, 0.0)
    return m, jax.lax.rsqrt(v + 1e-5)



N_PAD = 10240
STRIPE = N_PAD // 16
K_E = 128
E_TOT = 320000 + N
PER_TILE = 10752
NB = 1
Q = PER_TILE // NB
CQ = Q // K_E
E_PAD = 32 * PER_TILE
K_DEG = 256
_SC_MESH = dict(core_axis_name="c", subcore_axis_name="s")


def _deg_sc(dst_pad):
    @functools.partial(
        pl.kernel,
        out_type=jax.ShapeDtypeStruct((2, N_PAD, 16), jnp.float32),
        mesh=plsc.VectorSubcoreMesh(**_SC_MESH),
        compiler_params=pltpu.CompilerParams(use_tc_tiling_on_sc=False),
        scratch_types=[
            pltpu.VMEM((K_DEG,), jnp.int32),
            pltpu.VMEM((K_DEG, 16), jnp.float32),
            pltpu.VMEM_SHARED((N_PAD, 16), jnp.float32),
            pltpu.VMEM((STRIPE, 16), jnp.float32),
        ],
    )
    def k(dst_hbm, out, dbuf, ones_v, acc, zbuf):
        cid = lax.axis_index("c")
        sid = lax.axis_index("s")
        wid = cid * 16 + sid
        def fill(i, carry):
            ones_v[i, pl.ds(0, 16)] = jnp.ones((16,), jnp.float32)
            return carry
        lax.fori_loop(0, K_DEG, fill, 0)
        def zf(i, carry):
            zbuf[i, pl.ds(0, 16)] = jnp.zeros((16,), jnp.float32)
            return carry
        lax.fori_loop(0, STRIPE, zf, 0)
        pltpu.sync_copy(zbuf, acc.at[pl.ds(sid * STRIPE, STRIPE)])
        plsc.subcore_barrier()

        def chunk(c, carry):
            pltpu.sync_copy(
                dst_hbm.at[pl.ds(wid * PER_TILE + c * K_DEG, K_DEG)], dbuf)
            pltpu.sync_copy(ones_v, acc.at[dbuf], add=True)
            return carry
        lax.fori_loop(0, PER_TILE // K_DEG, chunk, 0)
        plsc.subcore_barrier()
        pltpu.sync_copy(acc.at[pl.ds(sid * STRIPE, STRIPE)],
                        out.at[cid, pl.ds(sid * STRIPE, STRIPE)])

    return k(dst_pad)


def _gcn_agg_sc(src_pad, dst_pad, tabs, zer):
    nt = len(tabs)

    @functools.partial(
        pl.kernel,
        out_type=jax.ShapeDtypeStruct((2, nt, N_PAD, 128), jnp.bfloat16),
        mesh=plsc.VectorSubcoreMesh(**_SC_MESH),
        compiler_params=pltpu.CompilerParams(use_tc_tiling_on_sc=False),
        scratch_types=[
            pltpu.VMEM((Q,), jnp.int32),
            pltpu.VMEM((Q,), jnp.int32),
            pltpu.VMEM((2 * K_E, 128), jnp.bfloat16),
            pltpu.VMEM_SHARED((N_PAD, 128), jnp.bfloat16),
            pltpu.VMEM_SHARED((N_PAD, 128), jnp.bfloat16),
            pltpu.SemaphoreType.DMA,
            pltpu.SemaphoreType.DMA,
            pltpu.SemaphoreType.DMA,
            pltpu.SemaphoreType.DMA,
        ],
    )
    def k(src_hbm, dst_hbm, zer_hbm, *rest):
        tab_refs = rest[:nt]
        out = rest[nt]
        sidx, didx, rows, acc, tsp, sem0, sem1, sem2, sem3 = rest[nt + 1:]
        sems = (sem0, sem1)
        ssems = (sem2, sem3)
        cid = lax.axis_index("c")
        sid = lax.axis_index("s")
        wid = cid * 16 + sid
        ebase = wid * PER_TILE

        for t in range(nt):
            pltpu.sync_copy(tab_refs[t].at[pl.ds(sid * STRIPE, STRIPE)],
                            tsp.at[pl.ds(sid * STRIPE, STRIPE)])
            pltpu.sync_copy(zer_hbm, acc.at[pl.ds(sid * STRIPE, STRIPE)])
            plsc.subcore_barrier()
            tab = tsp

            for n in range(NB):
                qbase = ebase + n * Q
                pltpu.sync_copy(src_hbm.at[pl.ds(qbase, Q)], sidx)
                pltpu.sync_copy(dst_hbm.at[pl.ds(qbase, Q)], didx)
                pltpu.async_copy(tab.at[sidx.at[pl.ds(0, K_E)]],
                                 rows.at[pl.ds(0, K_E)], sems[0])

                def pair(j, carry):
                    for b in (0, 1):
                        c = 2 * j + b
                        nxt = 1 - b
                        pltpu.make_async_copy(
                            tab.at[sidx.at[pl.ds(c * K_E, K_E)]],
                            rows.at[pl.ds(b * K_E, K_E)], sems[b]).wait()
                        pltpu.async_copy(rows.at[pl.ds(b * K_E, K_E)],
                                         acc.at[didx.at[pl.ds(c * K_E, K_E)]],
                                         ssems[b], add=True)
                        if b == 0:
                            @pl.when(j >= 1)
                            def _():
                                pltpu.make_async_copy(
                                    rows.at[pl.ds(K_E, K_E)],
                                    acc.at[didx.at[pl.ds((c - 1) * K_E, K_E)]],
                                    ssems[1]).wait()
                            pltpu.async_copy(
                                tab.at[sidx.at[pl.ds((c + 1) * K_E, K_E)]],
                                rows.at[pl.ds(K_E, K_E)], sems[1])
                        else:
                            pltpu.make_async_copy(
                                rows.at[pl.ds(0, K_E)],
                                acc.at[didx.at[pl.ds((c - 1) * K_E, K_E)]],
                                ssems[0]).wait()
                            @pl.when(c + 1 < CQ)
                            def _():
                                pltpu.async_copy(
                                    tab.at[sidx.at[pl.ds((c + 1) * K_E, K_E)]],
                                    rows.at[pl.ds(0, K_E)], sems[0])
                    return carry
                lax.fori_loop(0, CQ // 2, pair, 0)
                pltpu.make_async_copy(
                    rows.at[pl.ds(K_E, K_E)],
                    acc.at[didx.at[pl.ds((CQ - 1) * K_E, K_E)]],
                    ssems[1]).wait()

            plsc.subcore_barrier()
            pltpu.sync_copy(acc.at[pl.ds(sid * STRIPE, STRIPE)],
                            out.at[cid, t, pl.ds(sid * STRIPE, STRIPE)])
            plsc.subcore_barrier()

    return k(src_pad, dst_pad, zer, *tabs)


def _dis_block(degp):
    deg = degp[0, :, :1] + degp[1, :, :1]
    return jax.lax.rsqrt(jnp.maximum(deg, 1e-12))


def _psum(aggp_ref, c):
    return (aggp_ref[0, c].astype(jnp.float32)
            + aggp_ref[1, c].astype(jnp.float32))


def _prep1_kernel(x_ref, degp_ref, o_ref):
    o_ref[...] = (x_ref[...] * _dis_block(degp_ref)).astype(jnp.bfloat16)


def _prep2_kernel(aggp_ref, degp_ref, w1_ref, b1_ref, w2_ref, o_ref):
    dis = _dis_block(degp_ref)
    p = _psum(aggp_ref, 0) * dis
    h = jax.lax.dot_general(p, w1_ref[...], (((1,), (0,)), ((), ())),
                            preferred_element_type=jnp.float32) + b1_ref[...]
    h = jnp.maximum(h, 0.0)
    o_ref[...] = (jax.lax.dot_general(
        h, w2_ref[...], (((1,), (0,)), ((), ())),
        preferred_element_type=jnp.float32) * dis).astype(jnp.bfloat16)


def _prep23_kernel(nc, aggp_ref, degp_ref, w_ref, bias_ref, o_ref):
    dis = _dis_block(degp_ref)
    hs = []
    for c in range(nc):
        p = _psum(aggp_ref, c)
        hs.append(jnp.maximum(p * dis + bias_ref[:, c * 128:(c + 1) * 128],
                              0.0))
    h = jnp.concatenate(hs, axis=1) if nc > 1 else hs[0]
    o_ref[...] = (jax.lax.dot_general(
        h, w_ref[...], (((1,), (0,)), ((), ())),
        preferred_element_type=jnp.float32) * dis).astype(o_ref.dtype)


_BMG = 2000


def _gcn_tc_specs(nc, hw):
    return [pl.BlockSpec((2, nc, _BMG, 128), lambda i: (0, 0, i, 0)),
            pl.BlockSpec((2, _BMG, 16), lambda i: (0, i, 0)),
            pl.BlockSpec(hw, lambda i: (0, 0)),
            pl.BlockSpec((1, 128 * nc), lambda i: (0, 0))]


def _gcn(x, src, dst, degp, params, partners):
    zer = jnp.zeros((STRIPE, 128), jnp.bfloat16)

    t1 = pl.pallas_call(
        _prep1_kernel,
        grid=(N // _BMG,),
        in_specs=[pl.BlockSpec((_BMG, D), lambda i: (i, 0)),
                  pl.BlockSpec((2, _BMG, 16), lambda i: (0, i, 0))],
        out_specs=pl.BlockSpec((_BMG, 128), lambda i: (i, 0)),
        out_shape=jax.ShapeDtypeStruct((N_PAD, 128), jnp.bfloat16),
    )(x, degp)
    agg1 = _gcn_agg_sc(src, dst, [t1], zer)
    agg1, z1 = lax.optimization_barrier((agg1, partners[0]()))

    xw2 = pl.pallas_call(
        _prep2_kernel,
        grid=(N // _BMG,),
        in_specs=[pl.BlockSpec((2, 1, _BMG, 128), lambda i: (0, 0, i, 0)),
                  pl.BlockSpec((2, _BMG, 16), lambda i: (0, i, 0)),
                  pl.BlockSpec((D, H1), lambda i: (0, 0)),
                  pl.BlockSpec((1, H1), lambda i: (0, 0)),
                  pl.BlockSpec((H1, H2), lambda i: (0, 0))],
        out_specs=pl.BlockSpec((_BMG, 128), lambda i: (i, 0)),
        out_shape=jax.ShapeDtypeStruct((N_PAD, 128), jnp.bfloat16),
    )(agg1, degp, params['gcn1']['W'], params['gcn1']['b'][None],
      params['gcn2']['W'])
    agg2 = _gcn_agg_sc(src, dst, [xw2], zer)
    agg2, z2 = lax.optimization_barrier((agg2, partners[1]()))

    xw3 = pl.pallas_call(
        functools.partial(_prep23_kernel, 1),
        grid=(N // _BMG,),
        in_specs=_gcn_tc_specs(1, (H2, H2)),
        out_specs=pl.BlockSpec((_BMG, 128), lambda i: (i, 0)),
        out_shape=jax.ShapeDtypeStruct((N_PAD, 128), jnp.bfloat16),
    )(agg2, degp, params['gcn3']['W'], params['gcn2']['b'][None])
    agg3 = _gcn_agg_sc(src, dst, [xw3], zer)
    agg3, z3 = lax.optimization_barrier((agg3, partners[2]()))
    return agg3, (z1, z2, z3)


def kernel(x, edges, walk_feats, hop1, hop2, hop3, params):
    xc = jnp.concatenate([x, walk_feats[:, :RW]], axis=1).astype(jnp.bfloat16)
    w1s = jnp.stack([params['sub%d' % i]['W1'] for i in range(4)]
                    ).astype(jnp.bfloat16)

    loops = jnp.arange(N, dtype=jnp.int32)
    fill_s = jnp.full((E_PAD - E_TOT,), N, jnp.int32)
    fill_d = jnp.full((32 * PER_TILE - E_TOT,), N, jnp.int32)
    src = jnp.concatenate([edges[0], loops, fill_s])
    dst = jnp.concatenate([edges[1], loops, fill_d])

    degp = _deg_sc(dst)
    degp, (ys, ys1, ys2) = lax.optimization_barrier(
        (degp, tuple(_yprep(xc, w1s))))

    partners = [functools.partial(_hop_mm, hop, ys[i + 1])
                for i, hop in enumerate((hop1, hop2, hop3))]
    agg3, (z1, z2, z3) = _gcn(x, src, dst, degp, params, partners)

    zs, zs1, zs2 = [None] * 4, [ys1[0]] * 4, [ys2[0]] * 4
    zs[0] = ys[0].astype(jnp.float32)
    for i, z in enumerate((z1, z2, z3)):
        zs[i + 1], zs1[i + 1], zs2[i + 1] = z

    bs, bs1, bs2 = [None] * 4, [None] * 4, [None] * 4
    for i in range(4):
        p = params['sub%d' % i]
        m1, inv1 = _finalize_stats(zs1[i], zs2[i])
        bs[i], bs1[i], bs2[i] = _passb(
            zs[i], m1, inv1, p['g1'][None], p['be1'][None],
            p['W2'].astype(jnp.bfloat16))

    m2s, inv2s = [], []
    for i in range(4):
        m2, inv2 = _finalize_stats(bs1[i], bs2[i])
        m2s.append(m2)
        inv2s.append(inv2)
    m2s = jnp.stack(m2s)
    inv2s = jnp.stack(inv2s)
    g2s = jnp.stack([params['sub%d' % i]['g2'][None] for i in range(4)])
    be2s = jnp.stack([params['sub%d' % i]['be2'][None] for i in range(4)])
    w3s = jnp.stack([params['sub%d' % i]['W3'] for i in range(4)]
                    ).astype(jnp.bfloat16)
    bias_sum = sum(params['sub%d' % i]['b3'] for i in range(4))[None]
    return _passc(bs, m2s, inv2s, g2s, be2s, w3s, bias_sum,
                  agg3, degp, params['gcn3']['b'][None])

# --- scband reference (transcript-rebuilt; emitter-appended) ---
"""Pipeline reference for scband-model-70961449664567 (READ-ONLY COPY).

The authoritative reference and input builder live on the scoring server;
editing this copy changes nothing except your own understanding.
"""

import jax, jax.numpy as jnp
import numpy as np

N = 10000
E = 320000
D = 128
H1 = 256
H2 = 128
RW = 5


def _glorot(key, shape):
    s = jnp.sqrt(6.0 / (shape[0] + shape[1]))
    return jax.random.uniform(key, shape, jnp.float32, -s, s)


def setup_inputs(seed: int = 0) -> dict:
    key = jax.random.key(seed)
    ks = iter(jax.random.split(key, 64))
    x = jax.random.normal(next(ks), (N, D), dtype=jnp.float32)
    edges = jax.random.randint(next(ks), (2, E), 0, N, dtype=jnp.int32)
    walk_feats = jax.random.normal(next(ks), (N, RW), dtype=jnp.float32)
    hop1 = jax.random.uniform(next(ks), (N, N), dtype=jnp.float32)
    hop2 = jax.random.uniform(next(ks), (N, N), dtype=jnp.float32)
    hop3 = jax.random.uniform(next(ks), (N, N), dtype=jnp.float32)
    params = {}
    params['gcn1'] = {'W': _glorot(next(ks), (D, H1)), 'b': jnp.zeros((H1,), jnp.float32)}
    params['gcn2'] = {'W': _glorot(next(ks), (H1, H2)), 'b': jnp.zeros((H2,), jnp.float32)}
    params['gcn3'] = {'W': _glorot(next(ks), (H2, H2)), 'b': jnp.zeros((H2,), jnp.float32)}
    din = D + RW
    for i in range(4):
        params['sub%d' % i] = {
            'W1': _glorot(next(ks), (din, H1)), 'b1': jnp.zeros((H1,), jnp.float32),
            'g1': jnp.ones((H1,), jnp.float32), 'be1': jnp.zeros((H1,), jnp.float32),
            'W2': _glorot(next(ks), (H1, H2)), 'b2': jnp.zeros((H2,), jnp.float32),
            'g2': jnp.ones((H2,), jnp.float32), 'be2': jnp.zeros((H2,), jnp.float32),
            'W3': _glorot(next(ks), (H2, H2)), 'b3': jnp.zeros((H2,), jnp.float32),
        }
    return {'x': x, 'edges': edges, 'walk_feats': walk_feats,
            'hop1': hop1, 'hop2': hop2, 'hop3': hop3, 'params': params}


def _gcn_conv(x, src, dst, norm, W, b):
    xw = x @ W
    msg = xw[src] * norm[:, None]
    out = jax.ops.segment_sum(msg, dst, num_segments=N)
    return out + b


def _bn(h, g, be):
    m = jnp.mean(h, axis=0)
    v = jnp.var(h, axis=0)
    return (h - m) / jnp.sqrt(v + 1e-5) * g + be


def _sub_mlp(X, p):
    h = X @ p['W1'] + p['b1']
    h = jax.nn.relu(_bn(h, p['g1'], p['be1']))
    h = h @ p['W2'] + p['b2']
    h = jax.nn.relu(_bn(h, p['g2'], p['be2']))
    return h @ p['W3'] + p['b3']


def reference(x, edges, walk_feats, hop1, hop2, hop3, params):
    loops = jnp.arange(N, dtype=edges.dtype)
    src = jnp.concatenate([edges[0], loops])
    dst = jnp.concatenate([edges[1], loops])
    deg = jax.ops.segment_sum(jnp.ones_like(dst, dtype=x.dtype), dst, num_segments=N)
    dis = jnp.where(deg > 0, jax.lax.rsqrt(jnp.maximum(deg, 1e-12)), 0.0)
    norm = dis[src] * dis[dst]
    # GNN branch (3 GCN layers with ReLU)
    h = jax.nn.relu(_gcn_conv(x, src, dst, norm, params['gcn1']['W'], params['gcn1']['b']))
    h = jax.nn.relu(_gcn_conv(h, src, dst, norm, params['gcn2']['W'], params['gcn2']['b']))
    h = jax.nn.relu(_gcn_conv(h, src, dst, norm, params['gcn3']['W'], params['gcn3']['b']))
    # Subgraph branch
    X = jnp.concatenate([x, walk_feats[:, :RW]], axis=1)
    s = (_sub_mlp(X, params['sub0'])
         + _sub_mlp(hop1 @ X, params['sub1'])
         + _sub_mlp(hop2 @ X, params['sub2'])
         + _sub_mlp(hop3 @ X, params['sub3']))
    return jnp.concatenate([h, s], axis=1)

if __name__ == "__main__":
    import jax
    _d = setup_inputs()
    print(jax.jit(kernel)(*tuple(_d.values())))

</pallas_src>

<mosaic_0001>
#map = affine_map<(d0, d1) -> (0)>
#map1 = affine_map<(d0, d1) -> (0, 0, 0)>
module attributes {stable_mosaic.version = 14 : i64} {
  func.func @k(%arg0: i32, %arg1: i32, %arg2: memref<344064xi32, #tpu.memory_space<hbm>>, %arg3: memref<2x10240x16xf32, #tpu.memory_space<hbm>>, %arg4: memref<256xi32, #tpu.memory_space<vmem>>, %arg5: memref<256x16xf32, #tpu.memory_space<vmem>>, %arg6: memref<10240x16xf32, #tpu.memory_space<vmem_shared>>, %arg7: memref<640x16xf32, #tpu.memory_space<vmem>>) attributes {dimension_semantics = [#tpu.dimension_semantics<core_parallel>, #tpu.dimension_semantics<subcore_parallel>], iteration_bounds = array<i64: 2, 16>, scalar_prefetch = 0 : i64, scratch_operands = 4 : i64, tpu.core_type = #tpu.core_type<sc_vector_subcore>, window_params = [{transform_indices = #map}, {transform_indices = #map1}]} {
    %mul3A = arith.constant 16 : i32
    %mul3A_0 = arith.muli %arg0, %mul3A : i32
    %add3A = arith.addi %mul3A_0, %arg1 : i32
    %scan3A = arith.constant 0 : i32
    %scan3A_1 = arith.constant 0 : i32
    %scan3A_2 = arith.constant 256 : i32
    %scan3A_3 = arith.addi %scan3A_1, %scan3A_2 : i32
    %scan3A_4 = arith.constant 1 : i32
    scf.for %scan3A_25 = %scan3A_1 to %scan3A_3 step %scan3A_4  : i32 {
      %broadcast_in_dim3A = arith.constant 1.000000e+00 : f32
      %broadcast_in_dim3A_26 = vector.broadcast %broadcast_in_dim3A : f32 to vector<16xf32>
      %swap3A = arith.index_cast %scan3A_25 : i32 to index
      %swap3A_27 = arith.constant 0 : index
      %swap3A_28 = tpu.vector_load %arg5[%swap3A, %swap3A_27] {strides = array<i32>} : memref<256x16xf32, #tpu.memory_space<vmem>>, vector<1x16xf32>,
      %swap3A_29 = vector.shape_cast %swap3A_28 : vector<1x16xf32> to vector<16xf32>
      %swap3A_30 = vector.shape_cast %broadcast_in_dim3A_26 : vector<16xf32> to vector<1x16xf32>
      tpu.vector_store %arg5[%swap3A, %swap3A_27], %swap3A_30 {strides = array<i32>} : memref<256x16xf32, #tpu.memory_space<vmem>>, vector<1x16xf32>,
    }
    %scan3A_5 = arith.constant 256 : i32
    %scan3A_6 = arith.constant 0 : i32
    %scan3A_7 = arith.constant 0 : i32
    %scan3A_8 = arith.constant 640 : i32
    %scan3A_9 = arith.addi %scan3A_7, %scan3A_8 : i32
    %scan3A_10 = arith.constant 1 : i32
    scf.for %scan3A_25 = %scan3A_7 to %scan3A_9 step %scan3A_10  : i32 {
      %broadcast_in_dim3A = arith.constant 0.000000e+00 : f32
      %broadcast_in_dim3A_26 = vector.broadcast %broadcast_in_dim3A : f32 to vector<16xf32>
      %swap3A = arith.index_cast %scan3A_25 : i32 to index
      %swap3A_27 = arith.constant 0 : index
      %swap3A_28 = tpu.vector_load %arg7[%swap3A, %swap3A_27] {strides = array<i32>} : memref<640x16xf32, #tpu.memory_space<vmem>>, vector<1x16xf32>,
      %swap3A_29 = vector.shape_cast %swap3A_28 : vector<1x16xf32> to vector<16xf32>
      %swap3A_30 = vector.shape_cast %broadcast_in_dim3A_26 : vector<16xf32> to vector<1x16xf32>
      tpu.vector_store %arg7[%swap3A, %swap3A_27], %swap3A_30 {strides = array<i32>} : memref<640x16xf32, #tpu.memory_space<vmem>>, vector<1x16xf32>,
    }
    %scan3A_11 = arith.constant 640 : i32
    %mul3A_12 = arith.constant 640 : i32
    %mul3A_13 = arith.muli %arg1, %mul3A_12 : i32
    "tpu.region"() ({
      %run_scoped3A = tpu.sem_alloc : memref<!tpu.dma_semaphore, #tpu.memory_space<semaphore_mem>>
      %dma_start3A = arith.constant 0 : i32
      %dma_start3A_25 = tpu.memref_slice %arg6[%mul3A_13, %dma_start3A] : memref<10240x16xf32, #tpu.memory_space<vmem_shared>> -> memref<640x16xf32, #tpu.memory_space<vmem_shared>>
      %dma_start3A_26 = arith.constant 0 : i32
      %dma_start3A_27 = tpu.memref_slice %arg6[%mul3A_13, %dma_start3A_26] : memref<10240x16xf32, #tpu.memory_space<vmem_shared>> -> memref<640x16xf32, #tpu.memory_space<vmem_shared>>
      tpu.enqueue_dma source(%arg7 : memref<640x16xf32, #tpu.memory_space<vmem>>) target(%dma_start3A_27 : memref<640x16xf32, #tpu.memory_space<vmem_shared>>) target_semaphore(%run_scoped3A : memref<!tpu.dma_semaphore, #tpu.memory_space<semaphore_mem>>)
      %dma_wait3A = arith.constant 0 : i32
      %dma_wait3A_28 = tpu.memref_slice %arg6[%mul3A_13, %dma_wait3A] : memref<10240x16xf32, #tpu.memory_space<vmem_shared>> -> memref<640x16xf32, #tpu.memory_space<vmem_shared>>
      %dma_wait3A_29 = arith.constant 0 : i32
      %dma_wait3A_30 = tpu.memref_slice %arg6[%mul3A_13, %dma_wait3A_29] : memref<10240x16xf32, #tpu.memory_space<vmem_shared>> -> memref<640x16xf32, #tpu.memory_space<vmem_shared>>
      tpu.wait_dma2 semaphore(%run_scoped3A : memref<!tpu.dma_semaphore, #tpu.memory_space<semaphore_mem>>) src(%arg7 : memref<640x16xf32, #tpu.memory_space<vmem>>) dst(%dma_wait3A_30 : memref<640x16xf32, #tpu.memory_space<vmem_shared>>)
      tpu.yield
    }) : () -> ()
    %barrier3A = arith.constant 0 : index
    tpu.barrier barrier_id(%barrier3A)
    %scan3A_14 = arith.constant 0 : i32
    %scan3A_15 = arith.constant 0 : i32
    %scan3A_16 = arith.constant 42 : i32
    %scan3A_17 = arith.addi %scan3A_15, %scan3A_16 : i32
    %scan3A_18 = arith.constant 1 : i32
    scf.for %scan3A_25 = %scan3A_15 to %scan3A_17 step %scan3A_18  : i32 {
      %mul3A_26 = arith.constant 10752 : i32
      %mul3A_27 = arith.muli %add3A, %mul3A_26 : i32
      %mul3A_28 = arith.constant 256 : i32
      %mul3A_29 = arith.muli %scan3A_25, %mul3A_28 : i32
      %add3A_30 = arith.addi %mul3A_27, %mul3A_29 : i32
      "tpu.region"() ({
        %run_scoped3A = tpu.sem_alloc : memref<!tpu.dma_semaphore, #tpu.memory_space<semaphore_mem>>
        %dma_start3A = tpu.memref_slice %arg2[%add3A_30] : memref<344064xi32, #tpu.memory_space<hbm>> -> memref<256xi32, #tpu.memory_space<hbm>>
        %dma_start3A_31 = tpu.memref_slice %arg2[%add3A_30] : memref<344064xi32, #tpu.memory_space<hbm>> -> memref<256xi32, #tpu.memory_space<hbm>>
        tpu.enqueue_dma source(%dma_start3A_31 : memref<256xi32, #tpu.memory_space<hbm>>) target(%arg4 : memref<256xi32, #tpu.memory_space<vmem>>) target_semaphore(%run_scoped3A : memref<!tpu.dma_semaphore, #tpu.memory_space<semaphore_mem>>)
        %dma_wait3A = tpu.memref_slice %arg2[%add3A_30] : memref<344064xi32, #tpu.memory_space<hbm>> -> memref<256xi32, #tpu.memory_space<hbm>>
        %dma_wait3A_32 = tpu.memref_slice %arg2[%add3A_30] : memref<344064xi32, #tpu.memory_space<hbm>> -> memref<256xi32, #tpu.memory_space<hbm>>
        tpu.wait_dma2 semaphore(%run_scoped3A : memref<!tpu.dma_semaphore, #tpu.memory_space<semaphore_mem>>) src(%dma_wait3A_32 : memref<256xi32, #tpu.memory_space<hbm>>) dst(%arg4 : memref<256xi32, #tpu.memory_space<vmem>>)
        tpu.yield
      }) : () -> ()
      "tpu.region"() ({
        %run_scoped3A = tpu.sem_alloc : memref<!tpu.dma_semaphore, #tpu.memory_space<semaphore_mem>>
        %dma_start3A = arith.constant 0 : i32
        %dma_start3A_31 = arith.constant 0 : i32
        %dma_start3A_32 = tpu.memref_slice %arg6[%dma_start3A, %dma_start3A_31] : memref<10240x16xf32, #tpu.memory_space<vmem_shared>> -> memref<10240x16xf32, #tpu.memory_space<vmem_shared>>
        tpu.enqueue_indirect_dma source(%arg5 : memref<256x16xf32, #tpu.memory_space<vmem>>) target(%dma_start3A_32 : memref<10240x16xf32, #tpu.memory_space<vmem_shared>>) offsets(%arg4 : memref<256xi32, #tpu.memory_space<vmem>>) semaphore(%run_scoped3A : memref<!tpu.dma_semaphore, #tpu.memory_space<semaphore_mem>>) {add = true}
        %dma_wait3A = arith.constant 0 : i32
        %dma_wait3A_33 = arith.constant 0 : i32
        %dma_wait3A_34 = tpu.memref_slice %arg6[%dma_wait3A, %dma_wait3A_33] : memref<10240x16xf32, #tpu.memory_space<vmem_shared>> -> memref<10240x16xf32, #tpu.memory_space<vmem_shared>>
        tpu.wait_indirect_dma semaphore(%run_scoped3A : memref<!tpu.dma_semaphore, #tpu.memory_space<semaphore_mem>>) src(%arg5 : memref<256x16xf32, #tpu.memory_space<vmem>>) dst(%dma_wait3A_34 : memref<10240x16xf32, #tpu.memory_space<vmem_shared>>)
        tpu.yield
      }) : () -> ()
    }
    %scan3A_19 = arith.constant 42 : i32
    %barrier3A_20 = arith.constant 0 : index
    tpu.barrier barrier_id(%barrier3A_20)
    %mul3A_21 = arith.constant 640 : i32
    %mul3A_22 = arith.muli %arg1, %mul3A_21 : i32
    %mul3A_23 = arith.constant 640 : i32
    %mul3A_24 = arith.muli %arg1, %mul3A_23 : i32
    "tpu.region"() ({
      %run_scoped3A = tpu.sem_alloc : memref<!tpu.dma_semaphore, #tpu.memory_space<semaphore_mem>>
      %dma_start3A = arith.constant 0 : i32
      %dma_start3A_25 = tpu.memref_slice %arg3[%arg0, %mul3A_24, %dma_start3A] : memref<2x10240x16xf32, #tpu.memory_space<hbm>> -> memref<1x640x16xf32, #tpu.memory_space<hbm>>
      %dma_start3A_26 = tpu.memref_squeeze %dma_start3A_25 : memref<1x640x16xf32, #tpu.memory_space<hbm>> -> memref<640x16xf32, #tpu.memory_space<hbm>>
      %dma_start3A_27 = arith.constant 0 : i32
      %dma_start3A_28 = tpu.memref_slice %arg6[%mul3A_22, %dma_start3A_27] : memref<10240x16xf32, #tpu.memory_space<vmem_shared>> -> memref<640x16xf32, #tpu.memory_space<vmem_shared>>
      tpu.enqueue_dma source(%dma_start3A_28 : memref<640x16xf32, #tpu.memory_space<vmem_shared>>) target(%dma_start3A_26 : memref<640x16xf32, #tpu.memory_space<hbm>>) target_semaphore(%run_scoped3A : memref<!tpu.dma_semaphore, #tpu.memory_space<semaphore_mem>>)
      %dma_wait3A = arith.constant 0 : i32
      %dma_wait3A_29 = tpu.memref_slice %arg3[%arg0, %mul3A_24, %dma_wait3A] : memref<2x10240x16xf32, #tpu.memory_space<hbm>> -> memref<1x640x16xf32, #tpu.memory_space<hbm>>
      %dma_wait3A_30 = tpu.memref_squeeze %dma_wait3A_29 : memref<1x640x16xf32, #tpu.memory_space<hbm>> -> memref<640x16xf32, #tpu.memory_space<hbm>>
      %dma_wait3A_31 = arith.constant 0 : i32
      %dma_wait3A_32 = tpu.memref_slice %arg6[%mul3A_22, %dma_wait3A_31] : memref<10240x16xf32, #tpu.memory_space<vmem_shared>> -> memref<640x16xf32, #tpu.memory_space<vmem_shared>>
      tpu.wait_dma2 semaphore(%run_scoped3A : memref<!tpu.dma_semaphore, #tpu.memory_space<semaphore_mem>>) src(%dma_wait3A_32 : memref<640x16xf32, #tpu.memory_space<vmem_shared>>) dst(%dma_wait3A_30 : memref<640x16xf32, #tpu.memory_space<hbm>>)
      tpu.yield
    }) : () -> ()
    return
  }
}

#map = affine_map<(d0, d1) -> (0)>
#map1 = affine_map<(d0, d1) -> (0, 0)>
#map2 = affine_map<(d0, d1) -> (0, 0, 0, 0)>
module attributes {stable_mosaic.version = 14 : i64} {
  func.func @k(%arg0: i32, %arg1: i32, %arg2: memref<344064xi32, #tpu.memory_space<hbm>>, %arg3: memref<344064xi32, #tpu.memory_space<hbm>>, %arg4: memref<640x128xbf16, #tpu.memory_space<hbm>>, %arg5: memref<10240x128xbf16, #tpu.memory_space<hbm>>, %arg6: memref<2x1x10240x128xbf16, #tpu.memory_space<hbm>>, %arg7: memref<10752xi32, #tpu.memory_space<vmem>>, %arg8: memref<10752xi32, #tpu.memory_space<vmem>>, %arg9: memref<256x128xbf16, #tpu.memory_space<vmem>>, %arg10: memref<10240x128xbf16, #tpu.memory_space<vmem_shared>>, %arg11: memref<10240x128xbf16, #tpu.memory_space<vmem_shared>>, %arg12: memref<!tpu.dma_semaphore, #tpu.memory_space<semaphore_mem>>, %arg13: memref<!tpu.dma_semaphore, #tpu.memory_space<semaphore_mem>>, %arg14: memref<!tpu.dma_semaphore, #tpu.memory_space<semaphore_mem>>, %arg15: memref<!tpu.dma_semaphore, #tpu.memory_space<semaphore_mem>>) attributes {dimension_semantics = [#tpu.dimension_semantics<core_parallel>, #tpu.dimension_semantics<subcore_parallel>], iteration_bounds = array<i64: 2, 16>, scalar_prefetch = 0 : i64, scratch_operands = 9 : i64, tpu.core_type = #tpu.core_type<sc_vector_subcore>, window_params = [{transform_indices = #map}, {transform_indices = #map}, {transform_indices = #map1}, {transform_indices = #map1}, {transform_indices = #map2}]} {
    %mul3A = arith.constant 16 : i32
    %mul3A_0 = arith.muli %arg0, %mul3A : i32
    %add3A = arith.addi %mul3A_0, %arg1 : i32
    %mul3A_1 = arith.constant 10752 : i32
    %mul3A_2 = arith.muli %add3A, %mul3A_1 : i32
    %mul3A_3 = arith.constant 640 : i32
    %mul3A_4 = arith.muli %arg1, %mul3A_3 : i32
    %mul3A_5 = arith.constant 640 : i32
    %mul3A_6 = arith.muli %arg1, %mul3A_5 : i32
    "tpu.region"() ({
      %run_scoped3A_36 = tpu.sem_alloc : memref<!tpu.dma_semaphore, #tpu.memory_space<semaphore_mem>>
      %dma_start3A_37 = arith.constant 0 : i32
      %dma_start3A_38 = tpu.memref_slice %arg11[%mul3A_6, %dma_start3A_37] : memref<10240x128xbf16, #tpu.memory_space<vmem_shared>> -> memref<640x128xbf16, #tpu.memory_space<vmem_shared>>
      %dma_start3A_39 = arith.constant 0 : i32
      %dma_start3A_40 = tpu.memref_slice %arg5[%mul3A_4, %dma_start3A_39] : memref<10240x128xbf16, #tpu.memory_space<hbm>> -> memref<640x128xbf16, #tpu.memory_space<hbm>>
      tpu.enqueue_dma source(%dma_start3A_40 : memref<640x128xbf16, #tpu.memory_space<hbm>>) target(%dma_start3A_38 : memref<640x128xbf16, #tpu.memory_space<vmem_shared>>) target_semaphore(%run_scoped3A_36 : memref<!tpu.dma_semaphore, #tpu.memory_space<semaphore_mem>>)
      %dma_wait3A_41 = arith.constant 0 : i32
      %dma_wait3A_42 = tpu.memref_slice %arg11[%mul3A_6, %dma_wait3A_41] : memref<10240x128xbf16, #tpu.memory_space<vmem_shared>> -> memref<640x128xbf16, #tpu.memory_space<vmem_shared>>
      %dma_wait3A_43 = arith.constant 0 : i32
      %dma_wait3A_44 = tpu.memref_slice %arg5[%mul3A_4, %dma_wait3A_43] : memref<10240x128xbf16, #tpu.memory_space<hbm>> -> memref<640x128xbf16, #tpu.memory_space<hbm>>
      tpu.wait_dma2 semaphore(%run_scoped3A_36 : memref<!tpu.dma_semaphore, #tpu.memory_space<semaphore_mem>>) src(%dma_wait3A_44 : memref<640x128xbf16, #tpu.memory_space<hbm>>) dst(%dma_wait3A_42 : memref<640x128xbf16, #tpu.memory_space<vmem_shared>>)
      tpu.yield
    }) : () -> ()
    %mul3A_7 = arith.constant 640 : i32
    %mul3A_8 = arith.muli %arg1, %mul3A_7 : i32
    "tpu.region"() ({
      %run_scoped3A_36 = tpu.sem_alloc : memref<!tpu.dma_semaphore, #tpu.memory_space<semaphore_mem>>
      %dma_start3A_37 = arith.constant 0 : i32
      %dma_start3A_38 = tpu.memref_slice %arg10[%mul3A_8, %dma_start3A_37] : memref<10240x128xbf16, #tpu.memory_space<vmem_shared>> -> memref<640x128xbf16, #tpu.memory_space<vmem_shared>>
      tpu.enqueue_dma source(%arg4 : memref<640x128xbf16, #tpu.memory_space<hbm>>) target(%dma_start3A_38 : memref<640x128xbf16, #tpu.memory_space<vmem_shared>>) target_semaphore(%run_scoped3A_36 : memref<!tpu.dma_semaphore, #tpu.memory_space<semaphore_mem>>)
      %dma_wait3A_39 = arith.constant 0 : i32
      %dma_wait3A_40 = tpu.memref_slice %arg10[%mul3A_8, %dma_wait3A_39] : memref<10240x128xbf16, #tpu.memory_space<vmem_shared>> -> memref<640x128xbf16, #tpu.memory_space<vmem_shared>>
      tpu.wait_dma2 semaphore(%run_scoped3A_36 : memref<!tpu.dma_semaphore, #tpu.memory_space<semaphore_mem>>) src(%arg4 : memref<640x128xbf16, #tpu.memory_space<hbm>>) dst(%dma_wait3A_40 : memref<640x128xbf16, #tpu.memory_space<vmem_shared>>)
      tpu.yield
    }) : () -> ()
    %barrier3A = arith.constant 0 : index
    tpu.barrier barrier_id(%barrier3A)
    %add3A_9 = arith.constant 0 : i32
    %add3A_10 = arith.addi %mul3A_2, %add3A_9 : i32
    "tpu.region"() ({
      %run_scoped3A_36 = tpu.sem_alloc : memref<!tpu.dma_semaphore, #tpu.memory_space<semaphore_mem>>
      %dma_start3A_37 = tpu.memref_slice %arg2[%add3A_10] : memref<344064xi32, #tpu.memory_space<hbm>> -> memref<10752xi32, #tpu.memory_space<hbm>>
      %dma_start3A_38 = tpu.memref_slice %arg2[%add3A_10] : memref<344064xi32, #tpu.memory_space<hbm>> -> memref<10752xi32, #tpu.memory_space<hbm>>
      tpu.enqueue_dma source(%dma_start3A_38 : memref<10752xi32, #tpu.memory_space<hbm>>) target(%arg7 : memref<10752xi32, #tpu.memory_space<vmem>>) target_semaphore(%run_scoped3A_36 : memref<!tpu.dma_semaphore, #tpu.memory_space<semaphore_mem>>)
      %dma_wait3A_39 = tpu.memref_slice %arg2[%add3A_10] : memref<344064xi32, #tpu.memory_space<hbm>> -> memref<10752xi32, #tpu.memory_space<hbm>>
      %dma_wait3A_40 = tpu.memref_slice %arg2[%add3A_10] : memref<344064xi32, #tpu.memory_space<hbm>> -> memref<10752xi32, #tpu.memory_space<hbm>>
      tpu.wait_dma2 semaphore(%run_scoped3A_36 : memref<!tpu.dma_semaphore, #tpu.memory_space<semaphore_mem>>) src(%dma_wait3A_40 : memref<10752xi32, #tpu.memory_space<hbm>>) dst(%arg7 : memref<10752xi32, #tpu.memory_space<vmem>>)
      tpu.yield
    }) : () -> ()
    "tpu.region"() ({
      %run_scoped3A_36 = tpu.sem_alloc : memref<!tpu.dma_semaphore, #tpu.memory_space<semaphore_mem>>
      %dma_start3A_37 = tpu.memref_slice %arg3[%add3A_10] : memref<344064xi32, #tpu.memory_space<hbm>> -> memref<10752xi32, #tpu.memory_space<hbm>>
      %dma_start3A_38 = tpu.memref_slice %arg3[%add3A_10] : memref<344064xi32, #tpu.memory_space<hbm>> -> memref<10752xi32, #tpu.memory_space<hbm>>
      tpu.enqueue_dma source(%dma_start3A_38 : memref<10752xi32, #tpu.memory_space<hbm>>) target(%arg8 : memref<10752xi32, #tpu.memory_space<vmem>>) target_semaphore(%run_scoped3A_36 : memref<!tpu.dma_semaphore, #tpu.memory_space<semaphore_mem>>)
      %dma_wait3A_39 = tpu.memref_slice %arg3[%add3A_10] : memref<344064xi32, #tpu.memory_space<hbm>> -> memref<10752xi32, #tpu.memory_space<hbm>>
      %dma_wait3A_40 = tpu.memref_slice %arg3[%add3A_10] : memref<344064xi32, #tpu.memory_space<hbm>> -> memref<10752xi32, #tpu.memory_space<hbm>>
      tpu.wait_dma2 semaphore(%run_scoped3A_36 : memref<!tpu.dma_semaphore, #tpu.memory_space<semaphore_mem>>) src(%dma_wait3A_40 : memref<10752xi32, #tpu.memory_space<hbm>>) dst(%arg8 : memref<10752xi32, #tpu.memory_space<vmem>>)
      tpu.yield
    }) : () -> ()
    %dma_start3A = arith.constant 0 : i32
    %dma_start3A_11 = arith.constant 0 : i32
    %dma_start3A_12 = tpu.memref_slice %arg9[%dma_start3A, %dma_start3A_11] : memref<256x128xbf16, #tpu.memory_space<vmem>> -> memref<128x128xbf16, #tpu.memory_space<vmem>>
    %dma_start3A_13 = arith.constant 0 : i32
    %dma_start3A_14 = tpu.memref_slice %arg7[%dma_start3A_13] : memref<10752xi32, #tpu.memory_space<vmem>> -> memref<128xi32, #tpu.memory_space<vmem>>
    %dma_start3A_15 = arith.constant 0 : i32
    %dma_start3A_16 = arith.constant 0 : i32
    %dma_start3A_17 = tpu.memref_slice %arg11[%dma_start3A_15, %dma_start3A_16] : memref<10240x128xbf16, #tpu.memory_space<vmem_shared>> -> memref<10240x128xbf16, #tpu.memory_space<vmem_shared>>
    tpu.enqueue_indirect_dma source(%dma_start3A_17 : memref<10240x128xbf16, #tpu.memory_space<vmem_shared>>) target(%dma_start3A_12 : memref<128x128xbf16, #tpu.memory_space<vmem>>) offsets(%dma_start3A_14 : memref<128xi32, #tpu.memory_space<vmem>>) semaphore(%arg12 : memref<!tpu.dma_semaphore, #tpu.memory_space<semaphore_mem>>)
    %scan3A = arith.constant 0 : i32
    %scan3A_18 = arith.constant 0 : i32
    %scan3A_19 = arith.constant 42 : i32
    %scan3A_20 = arith.addi %scan3A_18, %scan3A_19 : i32
    %scan3A_21 = arith.constant 1 : i32
    scf.for %scan3A_36 = %scan3A_18 to %scan3A_20 step %scan3A_21  : i32 {
      %mul3A_37 = arith.constant 2 : i32
      %mul3A_38 = arith.muli %mul3A_37, %scan3A_36 : i32
      %add3A_39 = arith.constant 0 : i32
      %add3A_40 = arith.addi %mul3A_38, %add3A_39 : i32
      %mul3A_41 = arith.constant 128 : i32
      %mul3A_42 = arith.muli %add3A_40, %mul3A_41 : i32
      %dma_wait3A_43 = arith.constant 0 : i32
      %dma_wait3A_44 = arith.constant 0 : i32
      %dma_wait3A_45 = tpu.memref_slice %arg9[%dma_wait3A_43, %dma_wait3A_44] : memref<256x128xbf16, #tpu.memory_space<vmem>> -> memref<128x128xbf16, #tpu.memory_space<vmem>>
      %dma_wait3A_46 = tpu.memref_slice %arg7[%mul3A_42] : memref<10752xi32, #tpu.memory_space<vmem>> -> memref<128xi32, #tpu.memory_space<vmem>>
      %dma_wait3A_47 = arith.constant 0 : i32
      %dma_wait3A_48 = arith.constant 0 : i32
      %dma_wait3A_49 = tpu.memref_slice %arg11[%dma_wait3A_47, %dma_wait3A_48] : memref<10240x128xbf16, #tpu.memory_space<vmem_shared>> -> memref<10240x128xbf16, #tpu.memory_space<vmem_shared>>
      tpu.wait_indirect_dma semaphore(%arg12 : memref<!tpu.dma_semaphore, #tpu.memory_space<semaphore_mem>>) src(%dma_wait3A_49 : memref<10240x128xbf16, #tpu.memory_space<vmem_shared>>) dst(%dma_wait3A_45 : memref<128x128xbf16, #tpu.memory_space<vmem>>)
      %mul3A_50 = arith.constant 128 : i32
      %mul3A_51 = arith.muli %add3A_40, %mul3A_50 : i32
      %dma_start3A_52 = arith.constant 0 : i32
      %dma_start3A_53 = arith.constant 0 : i32
      %dma_start3A_54 = tpu.memref_slice %arg9[%dma_start3A_52, %dma_start3A_53] : memref<256x128xbf16, #tpu.memory_space<vmem>> -> memref<128x128xbf16, #tpu.memory_space<vmem>>
      %dma_start3A_55 = tpu.memref_slice %arg8[%mul3A_51] : memref<10752xi32, #tpu.memory_space<vmem>> -> memref<128xi32, #tpu.memory_space<vmem>>
      %dma_start3A_56 = arith.constant 0 : i32
      %dma_start3A_57 = arith.constant 0 : i32
      %dma_start3A_58 = tpu.memref_slice %arg10[%dma_start3A_56, %dma_start3A_57] : memref<10240x128xbf16, #tpu.memory_space<vmem_shared>> -> memref<10240x128xbf16, #tpu.memory_space<vmem_shared>>
      tpu.enqueue_indirect_dma source(%dma_start3A_54 : memref<128x128xbf16, #tpu.memory_space<vmem>>) target(%dma_start3A_58 : memref<10240x128xbf16, #tpu.memory_space<vmem_shared>>) offsets(%dma_start3A_55 : memref<128xi32, #tpu.memory_space<vmem>>) semaphore(%arg14 : memref<!tpu.dma_semaphore, #tpu.memory_space<semaphore_mem>>) {add = true}
      %ge3A = arith.constant 1 : i32
      %ge3A_59 = arith.cmpi sge, %scan3A_36, %ge3A : i32
      %convert_element_type3A = arith.extui %ge3A_59 : i1 to i32
      %cond3A = arith.constant 0 : i32
      %cond3A_60 = arith.cmpi ne, %convert_element_type3A, %cond3A : i32
      scf.if %cond3A_60 {
        %sub3A_110 = arith.constant 1 : i32
        %sub3A_111 = arith.subi %add3A_40, %sub3A_110 : i32
        %mul3A_112 = arith.constant 128 : i32
        %mul3A_113 = arith.muli %sub3A_111, %mul3A_112 : i32
        %dma_wait3A_114 = arith.constant 128 : i32
        %dma_wait3A_115 = arith.constant 0 : i32
        %dma_wait3A_116 = tpu.memref_slice %arg9[%dma_wait3A_114, %dma_wait3A_115] : memref<256x128xbf16, #tpu.memory_space<vmem>> -> memref<128x128xbf16, #tpu.memory_space<vmem>>
        %dma_wait3A_117 = tpu.memref_slice %arg8[%mul3A_113] : memref<10752xi32, #tpu.memory_space<vmem>> -> memref<128xi32, #tpu.memory_space<vmem>>
        %dma_wait3A_118 = arith.constant 0 : i32
        %dma_wait3A_119 = arith.constant 0 : i32
        %dma_wait3A_120 = tpu.memref_slice %arg10[%dma_wait3A_118, %dma_wait3A_119] : memref<10240x128xbf16, #tpu.memory_space<vmem_shared>> -> memref<10240x128xbf16, #tpu.memory_space<vmem_shared>>
        tpu.wait_indirect_dma semaphore(%arg15 : memref<!tpu.dma_semaphore, #tpu.memory_space<semaphore_mem>>) src(%dma_wait3A_116 : memref<128x128xbf16, #tpu.memory_space<vmem>>) dst(%dma_wait3A_120 : memref<10240x128xbf16, #tpu.memory_space<vmem_shared>>)
      } else {
      }
      %add3A_61 = arith.constant 1 : i32
      %add3A_62 = arith.addi %add3A_40, %add3A_61 : i32
      %mul3A_63 = arith.constant 128 : i32
      %mul3A_64 = arith.muli %add3A_62, %mul3A_63 : i32
      %dma_start3A_65 = arith.constant 128 : i32
      %dma_start3A_66 = arith.constant 0 : i32
      %dma_start3A_67 = tpu.memref_slice %arg9[%dma_start3A_65, %dma_start3A_66] : memref<256x128xbf16, #tpu.memory_space<vmem>> -> memref<128x128xbf16, #tpu.memory_space<vmem>>
      %dma_start3A_68 = tpu.memref_slice %arg7[%mul3A_64] : memref<10752xi32, #tpu.memory_space<vmem>> -> memref<128xi32, #tpu.memory_space<vmem>>
      %dma_start3A_69 = arith.constant 0 : i32
      %dma_start3A_70 = arith.constant 0 : i32
      %dma_start3A_71 = tpu.memref_slice %arg11[%dma_start3A_69, %dma_start3A_70] : memref<10240x128xbf16, #tpu.memory_space<vmem_shared>> -> memref<10240x128xbf16, #tpu.memory_space<vmem_shared>>
      tpu.enqueue_indirect_dma source(%dma_start3A_71 : memref<10240x128xbf16, #tpu.memory_space<vmem_shared>>) target(%dma_start3A_67 : memref<128x128xbf16, #tpu.memory_space<vmem>>) offsets(%dma_start3A_68 : memref<128xi32, #tpu.memory_space<vmem>>) semaphore(%arg13 : memref<!tpu.dma_semaphore, #tpu.memory_space<semaphore_mem>>)
      %mul3A_72 = arith.constant 2 : i32
      %mul3A_73 = arith.muli %mul3A_72, %scan3A_36 : i32
      %add3A_74 = arith.constant 1 : i32
      %add3A_75 = arith.addi %mul3A_73, %add3A_74 : i32
      %mul3A_76 = arith.constant 128 : i32
      %mul3A_77 = arith.muli %add3A_75, %mul3A_76 : i32
      %dma_wait3A_78 = arith.constant 128 : i32
      %dma_wait3A_79 = arith.constant 0 : i32
      %dma_wait3A_80 = tpu.memref_slice %arg9[%dma_wait3A_78, %dma_wait3A_79] : memref<256x128xbf16, #tpu.memory_space<vmem>> -> memref<128x128xbf16, #tpu.memory_space<vmem>>
      %dma_wait3A_81 = tpu.memref_slice %arg7[%mul3A_77] : memref<10752xi32, #tpu.memory_space<vmem>> -> memref<128xi32, #tpu.memory_space<vmem>>
      %dma_wait3A_82 = arith.constant 0 : i32
      %dma_wait3A_83 = arith.constant 0 : i32
      %dma_wait3A_84 = tpu.memref_slice %arg11[%dma_wait3A_82, %dma_wait3A_83] : memref<10240x128xbf16, #tpu.memory_space<vmem_shared>> -> memref<10240x128xbf16, #tpu.memory_space<vmem_shared>>
      tpu.wait_indirect_dma semaphore(%arg13 : memref<!tpu.dma_semaphore, #tpu.memory_space<semaphore_mem>>) src(%dma_wait3A_84 : memref<10240x128xbf16, #tpu.memory_space<vmem_shared>>) dst(%dma_wait3A_80 : memref<128x128xbf16, #tpu.memory_space<vmem>>)
      %mul3A_85 = arith.constant 128 : i32
      %mul3A_86 = arith.muli %add3A_75, %mul3A_85 : i32
      %dma_start3A_87 = arith.constant 128 : i32
      %dma_start3A_88 = arith.constant 0 : i32
      %dma_start3A_89 = tpu.memref_slice %arg9[%dma_start3A_87, %dma_start3A_88] : memref<256x128xbf16, #tpu.memory_space<vmem>> -> memref<128x128xbf16, #tpu.memory_space<vmem>>
      %dma_start3A_90 = tpu.memref_slice %arg8[%mul3A_86] : memref<10752xi32, #tpu.memory_space<vmem>> -> memref<128xi32, #tpu.memory_space<vmem>>
      %dma_start3A_91 = arith.constant 0 : i32
      %dma_start3A_92 = arith.constant 0 : i32
      %dma_start3A_93 = tpu.memref_slice %arg10[%dma_start3A_91, %dma_start3A_92] : memref<10240x128xbf16, #tpu.memory_space<vmem_shared>> -> memref<10240x128xbf16, #tpu.memory_space<vmem_shared>>
      tpu.enqueue_indirect_dma source(%dma_start3A_89 : memref<128x128xbf16, #tpu.memory_space<vmem>>) target(%dma_start3A_93 : memref<10240x128xbf16, #tpu.memory_space<vmem_shared>>) offsets(%dma_start3A_90 : memref<128xi32, #tpu.memory_space<vmem>>) semaphore(%arg15 : memref<!tpu.dma_semaphore, #tpu.memory_space<semaphore_mem>>) {add = true}
      %sub3A = arith.constant 1 : i32
      %sub3A_94 = arith.subi %add3A_75, %sub3A : i32
      %mul3A_95 = arith.constant 128 : i32
      %mul3A_96 = arith.muli %sub3A_94, %mul3A_95 : i32
      %dma_wait3A_97 = arith.constant 0 : i32
      %dma_wait3A_98 = arith.constant 0 : i32
      %dma_wait3A_99 = tpu.memref_slice %arg9[%dma_wait3A_97, %dma_wait3A_98] : memref<256x128xbf16, #tpu.memory_space<vmem>> -> memref<128x128xbf16, #tpu.memory_space<vmem>>
      %dma_wait3A_100 = tpu.memref_slice %arg8[%mul3A_96] : memref<10752xi32, #tpu.memory_space<vmem>> -> memref<128xi32, #tpu.memory_space<vmem>>
      %dma_wait3A_101 = arith.constant 0 : i32
      %dma_wait3A_102 = arith.constant 0 : i32
      %dma_wait3A_103 = tpu.memref_slice %arg10[%dma_wait3A_101, %dma_wait3A_102] : memref<10240x128xbf16, #tpu.memory_space<vmem_shared>> -> memref<10240x128xbf16, #tpu.memory_space<vmem_shared>>
      tpu.wait_indirect_dma semaphore(%arg14 : memref<!tpu.dma_semaphore, #tpu.memory_space<semaphore_mem>>) src(%dma_wait3A_99 : memref<128x128xbf16, #tpu.memory_space<vmem>>) dst(%dma_wait3A_103 : memref<10240x128xbf16, #tpu.memory_space<vmem_shared>>)
      %add3A_104 = arith.constant 1 : i32
      %add3A_105 = arith.addi %add3A_75, %add3A_104 : i32
      %lt3A = arith.constant 84 : i32
      %lt3A_106 = arith.cmpi slt, %add3A_105, %lt3A : i32
      %convert_element_type3A_107 = arith.extui %lt3A_106 : i1 to i32
      %cond3A_108 = arith.constant 0 : i32
      %cond3A_109 = arith.cmpi ne, %convert_element_type3A_107, %cond3A_108 : i32
      scf.if %cond3A_109 {
        %add3A_110 = arith.constant 1 : i32
        %add3A_111 = arith.addi %add3A_75, %add3A_110 : i32
        %mul3A_112 = arith.constant 128 : i32
        %mul3A_113 = arith.muli %add3A_111, %mul3A_112 : i32
        %dma_start3A_114 = arith.constant 0 : i32
        %dma_start3A_115 = arith.constant 0 : i32
        %dma_start3A_116 = tpu.memref_slice %arg9[%dma_start3A_114, %dma_start3A_115] : memref<256x128xbf16, #tpu.memory_space<vmem>> -> memref<128x128xbf16, #tpu.memory_space<vmem>>
        %dma_start3A_117 = tpu.memref_slice %arg7[%mul3A_113] : memref<10752xi32, #tpu.memory_space<vmem>> -> memref<128xi32, #tpu.memory_space<vmem>>
        %dma_start3A_118 = arith.constant 0 : i32
        %dma_start3A_119 = arith.constant 0 : i32
        %dma_start3A_120 = tpu.memref_slice %arg11[%dma_start3A_118, %dma_start3A_119] : memref<10240x128xbf16, #tpu.memory_space<vmem_shared>> -> memref<10240x128xbf16, #tpu.memory_space<vmem_shared>>
        tpu.enqueue_indirect_dma source(%dma_start3A_120 : memref<10240x128xbf16, #tpu.memory_space<vmem_shared>>) target(%dma_start3A_116 : memref<128x128xbf16, #tpu.memory_space<vmem>>) offsets(%dma_start3A_117 : memref<128xi32, #tpu.memory_space<vmem>>) semaphore(%arg12 : memref<!tpu.dma_semaphore, #tpu.memory_space<semaphore_mem>>)
      } else {
      }
    }
    %scan3A_22 = arith.constant 42 : i32
    %dma_wait3A = arith.constant 128 : i32
    %dma_wait3A_23 = arith.constant 0 : i32
    %dma_wait3A_24 = tpu.memref_slice %arg9[%dma_wait3A, %dma_wait3A_23] : memref<256x128xbf16, #tpu.memory_space<vmem>> -> memref<128x128xbf16, #tpu.memory_space<vmem>>
    %dma_wait3A_25 = arith.constant 10624 : i32
    %dma_wait3A_26 = tpu.memref_slice %arg8[%dma_wait3A_25] : memref<10752xi32, #tpu.memory_space<vmem>> -> memref<128xi32, #tpu.memory_space<vmem>>
    %dma_wait3A_27 = arith.constant 0 : i32
    %dma_wait3A_28 = arith.constant 0 : i32
    %dma_wait3A_29 = tpu.memref_slice %arg10[%dma_wait3A_27, %dma_wait3A_28] : memref<10240x128xbf16, #tpu.memory_space<vmem_shared>> -> memref<10240x128xbf16, #tpu.memory_space<vmem_shared>>
    tpu.wait_indirect_dma semaphore(%arg15 : memref<!tpu.dma_semaphore, #tpu.memory_space<semaphore_mem>>) src(%dma_wait3A_24 : memref<128x128xbf16, #tpu.memory_space<vmem>>) dst(%dma_wait3A_29 : memref<10240x128xbf16, #tpu.memory_space<vmem_shared>>)
    %barrier3A_30 = arith.constant 0 : index
    tpu.barrier barrier_id(%barrier3A_30)
    %mul3A_31 = arith.constant 640 : i32
    %mul3A_32 = arith.muli %arg1, %mul3A_31 : i32
    %mul3A_33 = arith.constant 640 : i32
    %mul3A_34 = arith.muli %arg1, %mul3A_33 : i32
    %run_scoped3A = arith.constant 0 : i32
    "tpu.region"() ({
      %run_scoped3A_36 = tpu.sem_alloc : memref<!tpu.dma_semaphore, #tpu.memory_space<semaphore_mem>>
      %dma_start3A_37 = arith.constant 0 : i32
      %dma_start3A_38 = tpu.memref_slice %arg6[%arg0, %run_scoped3A, %mul3A_34, %dma_start3A_37] : memref<2x1x10240x128xbf16, #tpu.memory_space<hbm>> -> memref<1x1x640x128xbf16, #tpu.memory_space<hbm>>
      %dma_start3A_39 = tpu.memref_squeeze %dma_start3A_38 : memref<1x1x640x128xbf16, #tpu.memory_space<hbm>> -> memref<640x128xbf16, #tpu.memory_space<hbm>>
      %dma_start3A_40 = arith.constant 0 : i32
      %dma_start3A_41 = tpu.memref_slice %arg10[%mul3A_32, %dma_start3A_40] : memref<10240x128xbf16, #tpu.memory_space<vmem_shared>> -> memref<640x128xbf16, #tpu.memory_space<vmem_shared>>
      tpu.enqueue_dma source(%dma_start3A_41 : memref<640x128xbf16, #tpu.memory_space<vmem_shared>>) target(%dma_start3A_39 : memref<640x128xbf16, #tpu.memory_space<hbm>>) target_semaphore(%run_scoped3A_36 : memref<!tpu.dma_semaphore, #tpu.memory_space<semaphore_mem>>)
      %dma_wait3A_42 = arith.constant 0 : i32
      %dma_wait3A_43 = tpu.memref_slice %arg6[%arg0, %run_scoped3A, %mul3A_34, %dma_wait3A_42] : memref<2x1x10240x128xbf16, #tpu.memory_space<hbm>> -> memref<1x1x640x128xbf16, #tpu.memory_space<hbm>>
      %dma_wait3A_44 = tpu.memref_squeeze %dma_wait3A_43 : memref<1x1x640x128xbf16, #tpu.memory_space<hbm>> -> memref<640x128xbf16, #tpu.memory_space<hbm>>
      %dma_wait3A_45 = arith.constant 0 : i32
      %dma_wait3A_46 = tpu.memref_slice %arg10[%mul3A_32, %dma_wait3A_45] : memref<10240x128xbf16, #tpu.memory_space<vmem_shared>> -> memref<640x128xbf16, #tpu.memory_space<vmem_shared>>
      tpu.wait_dma2 semaphore(%run_scoped3A_36 : memref<!tpu.dma_semaphore, #tpu.memory_space<semaphore_mem>>) src(%dma_wait3A_46 : memref<640x128xbf16, #tpu.memory_space<vmem_shared>>) dst(%dma_wait3A_44 : memref<640x128xbf16, #tpu.memory_space<hbm>>)
      tpu.yield
    }) : () -> ()
    %barrier3A_35 = arith.constant 0 : index
    tpu.barrier barrier_id(%barrier3A_35)
    return
  }
}

#map = affine_map<(d0, d1) -> (0)>
#map1 = affine_map<(d0, d1) -> (0, 0)>
#map2 = affine_map<(d0, d1) -> (0, 0, 0, 0)>
module attributes {stable_mosaic.version = 14 : i64} {
  func.func @k(%arg0: i32, %arg1: i32, %arg2: memref<344064xi32, #tpu.memory_space<hbm>>, %arg3: memref<344064xi32, #tpu.memory_space<hbm>>, %arg4: memref<640x128xbf16, #tpu.memory_space<hbm>>, %arg5: memref<10240x128xbf16, #tpu.memory_space<hbm>>, %arg6: memref<2x1x10240x128xbf16, #tpu.memory_space<hbm>>, %arg7: memref<10752xi32, #tpu.memory_space<vmem>>, %arg8: memref<10752xi32, #tpu.memory_space<vmem>>, %arg9: memref<256x128xbf16, #tpu.memory_space<vmem>>, %arg10: memref<10240x128xbf16, #tpu.memory_space<vmem_shared>>, %arg11: memref<10240x128xbf16, #tpu.memory_space<vmem_shared>>, %arg12: memref<!tpu.dma_semaphore, #tpu.memory_space<semaphore_mem>>, %arg13: memref<!tpu.dma_semaphore, #tpu.memory_space<semaphore_mem>>, %arg14: memref<!tpu.dma_semaphore, #tpu.memory_space<semaphore_mem>>, %arg15: memref<!tpu.dma_semaphore, #tpu.memory_space<semaphore_mem>>) attributes {dimension_semantics = [#tpu.dimension_semantics<core_parallel>, #tpu.dimension_semantics<subcore_parallel>], iteration_bounds = array<i64: 2, 16>, scalar_prefetch = 0 : i64, scratch_operands = 9 : i64, tpu.core_type = #tpu.core_type<sc_vector_subcore>, window_params = [{transform_indices = #map}, {transform_indices = #map}, {transform_indices = #map1}, {transform_indices = #map1}, {transform_indices = #map2}]} {
    %mul3A = arith.constant 16 : i32
    %mul3A_0 = arith.muli %arg0, %mul3A : i32
    %add3A = arith.addi %mul3A_0, %arg1 : i32
    %mul3A_1 = arith.constant 10752 : i32
    %mul3A_2 = arith.muli %add3A, %mul3A_1 : i32
    %mul3A_3 = arith.constant 640 : i32
    %mul3A_4 = arith.muli %arg1, %mul3A_3 : i32
    %mul3A_5 = arith.constant 640 : i32
    %mul3A_6 = arith.muli %arg1, %mul3A_5 : i32
    "tpu.region"() ({
      %run_scoped3A_36 = tpu.sem_alloc : memref<!tpu.dma_semaphore, #tpu.memory_space<semaphore_mem>>
      %dma_start3A_37 = arith.constant 0 : i32
      %dma_start3A_38 = tpu.memref_slice %arg11[%mul3A_6, %dma_start3A_37] : memref<10240x128xbf16, #tpu.memory_space<vmem_shared>> -> memref<640x128xbf16, #tpu.memory_space<vmem_shared>>
      %dma_start3A_39 = arith.constant 0 : i32
      %dma_start3A_40 = tpu.memref_slice %arg5[%mul3A_4, %dma_start3A_39] : memref<10240x128xbf16, #tpu.memory_space<hbm>> -> memref<640x128xbf16, #tpu.memory_space<hbm>>
      tpu.enqueue_dma source(%dma_start3A_40 : memref<640x128xbf16, #tpu.memory_space<hbm>>) target(%dma_start3A_38 : memref<640x128xbf16, #tpu.memory_space<vmem_shared>>) target_semaphore(%run_scoped3A_36 : memref<!tpu.dma_semaphore, #tpu.memory_space<semaphore_mem>>)
      %dma_wait3A_41 = arith.constant 0 : i32
      %dma_wait3A_42 = tpu.memref_slice %arg11[%mul3A_6, %dma_wait3A_41] : memref<10240x128xbf16, #tpu.memory_space<vmem_shared>> -> memref<640x128xbf16, #tpu.memory_space<vmem_shared>>
      %dma_wait3A_43 = arith.constant 0 : i32
      %dma_wait3A_44 = tpu.memref_slice %arg5[%mul3A_4, %dma_wait3A_43] : memref<10240x128xbf16, #tpu.memory_space<hbm>> -> memref<640x128xbf16, #tpu.memory_space<hbm>>
      tpu.wait_dma2 semaphore(%run_scoped3A_36 : memref<!tpu.dma_semaphore, #tpu.memory_space<semaphore_mem>>) src(%dma_wait3A_44 : memref<640x128xbf16, #tpu.memory_space<hbm>>) dst(%dma_wait3A_42 : memref<640x128xbf16, #tpu.memory_space<vmem_shared>>)
      tpu.yield
    }) : () -> ()
    %mul3A_7 = arith.constant 640 : i32
    %mul3A_8 = arith.muli %arg1, %mul3A_7 : i32
    "tpu.region"() ({
      %run_scoped3A_36 = tpu.sem_alloc : memref<!tpu.dma_semaphore, #tpu.memory_space<semaphore_mem>>
      %dma_start3A_37 = arith.constant 0 : i32
      %dma_start3A_38 = tpu.memref_slice %arg10[%mul3A_8, %dma_start3A_37] : memref<10240x128xbf16, #tpu.memory_space<vmem_shared>> -> memref<640x128xbf16, #tpu.memory_space<vmem_shared>>
      tpu.enqueue_dma source(%arg4 : memref<640x128xbf16, #tpu.memory_space<hbm>>) target(%dma_start3A_38 : memref<640x128xbf16, #tpu.memory_space<vmem_shared>>) target_semaphore(%run_scoped3A_36 : memref<!tpu.dma_semaphore, #tpu.memory_space<semaphore_mem>>)
      %dma_wait3A_39 = arith.constant 0 : i32
      %dma_wait3A_40 = tpu.memref_slice %arg10[%mul3A_8, %dma_wait3A_39] : memref<10240x128xbf16, #tpu.memory_space<vmem_shared>> -> memref<640x128xbf16, #tpu.memory_space<vmem_shared>>
      tpu.wait_dma2 semaphore(%run_scoped3A_36 : memref<!tpu.dma_semaphore, #tpu.memory_space<semaphore_mem>>) src(%arg4 : memref<640x128xbf16, #tpu.memory_space<hbm>>) dst(%dma_wait3A_40 : memref<640x128xbf16, #tpu.memory_space<vmem_shared>>)
      tpu.yield
    }) : () -> ()
    %barrier3A = arith.constant 0 : index
    tpu.barrier barrier_id(%barrier3A)
    %add3A_9 = arith.constant 0 : i32
    %add3A_10 = arith.addi %mul3A_2, %add3A_9 : i32
    "tpu.region"() ({
      %run_scoped3A_36 = tpu.sem_alloc : memref<!tpu.dma_semaphore, #tpu.memory_space<semaphore_mem>>
      %dma_start3A_37 = tpu.memref_slice %arg2[%add3A_10] : memref<344064xi32, #tpu.memory_space<hbm>> -> memref<10752xi32, #tpu.memory_space<hbm>>
      %dma_start3A_38 = tpu.memref_slice %arg2[%add3A_10] : memref<344064xi32, #tpu.memory_space<hbm>> -> memref<10752xi32, #tpu.memory_space<hbm>>
      tpu.enqueue_dma source(%dma_start3A_38 : memref<10752xi32, #tpu.memory_space<hbm>>) target(%arg7 : memref<10752xi32, #tpu.memory_space<vmem>>) target_semaphore(%run_scoped3A_36 : memref<!tpu.dma_semaphore, #tpu.memory_space<semaphore_mem>>)
      %dma_wait3A_39 = tpu.memref_slice %arg2[%add3A_10] : memref<344064xi32, #tpu.memory_space<hbm>> -> memref<10752xi32, #tpu.memory_space<hbm>>
      %dma_wait3A_40 = tpu.memref_slice %arg2[%add3A_10] : memref<344064xi32, #tpu.memory_space<hbm>> -> memref<10752xi32, #tpu.memory_space<hbm>>
      tpu.wait_dma2 semaphore(%run_scoped3A_36 : memref<!tpu.dma_semaphore, #tpu.memory_space<semaphore_mem>>) src(%dma_wait3A_40 : memref<10752xi32, #tpu.memory_space<hbm>>) dst(%arg7 : memref<10752xi32, #tpu.memory_space<vmem>>)
      tpu.yield
    }) : () -> ()
    "tpu.region"() ({
      %run_scoped3A_36 = tpu.sem_alloc : memref<!tpu.dma_semaphore, #tpu.memory_space<semaphore_mem>>
      %dma_start3A_37 = tpu.memref_slice %arg3[%add3A_10] : memref<344064xi32, #tpu.memory_space<hbm>> -> memref<10752xi32, #tpu.memory_space<hbm>>
      %dma_start3A_38 = tpu.memref_slice %arg3[%add3A_10] : memref<344064xi32, #tpu.memory_space<hbm>> -> memref<10752xi32, #tpu.memory_space<hbm>>
      tpu.enqueue_dma source(%dma_start3A_38 : memref<10752xi32, #tpu.memory_space<hbm>>) target(%arg8 : memref<10752xi32, #tpu.memory_space<vmem>>) target_semaphore(%run_scoped3A_36 : memref<!tpu.dma_semaphore, #tpu.memory_space<semaphore_mem>>)
      %dma_wait3A_39 = tpu.memref_slice %arg3[%add3A_10] : memref<344064xi32, #tpu.memory_space<hbm>> -> memref<10752xi32, #tpu.memory_space<hbm>>
      %dma_wait3A_40 = tpu.memref_slice %arg3[%add3A_10] : memref<344064xi32, #tpu.memory_space<hbm>> -> memref<10752xi32, #tpu.memory_space<hbm>>
      tpu.wait_dma2 semaphore(%run_scoped3A_36 : memref<!tpu.dma_semaphore, #tpu.memory_space<semaphore_mem>>) src(%dma_wait3A_40 : memref<10752xi32, #tpu.memory_space<hbm>>) dst(%arg8 : memref<10752xi32, #tpu.memory_space<vmem>>)
      tpu.yield
    }) : () -> ()
    %dma_start3A = arith.constant 0 : i32
    %dma_start3A_11 = arith.constant 0 : i32
    %dma_start3A_12 = tpu.memref_slice %arg9[%dma_start3A, %dma_start3A_11] : memref<256x128xbf16, #tpu.memory_space<vmem>> -> memref<128x128xbf16, #tpu.memory_space<vmem>>
    %dma_start3A_13 = arith.constant 0 : i32
    %dma_start3A_14 = tpu.memref_slice %arg7[%dma_start3A_13] : memref<10752xi32, #tpu.memory_space<vmem>> -> memref<128xi32, #tpu.memory_space<vmem>>
    %dma_start3A_15 = arith.constant 0 : i32
    %dma_start3A_16 = arith.constant 0 : i32
    %dma_start3A_17 = tpu.memref_slice %arg11[%dma_start3A_15, %dma_start3A_16] : memref<10240x128xbf16, #tpu.memory_space<vmem_shared>> -> memref<10240x128xbf16, #tpu.memory_space<vmem_shared>>
    tpu.enqueue_indirect_dma source(%dma_start3A_17 : memref<10240x128xbf16, #tpu.memory_space<vmem_shared>>) target(%dma_start3A_12 : memref<128x128xbf16, #tpu.memory_space<vmem>>) offsets(%dma_start3A_14 : memref<128xi32, #tpu.memory_space<vmem>>) semaphore(%arg12 : memref<!tpu.dma_semaphore, #tpu.memory_space<semaphore_mem>>)
    %scan3A = arith.constant 0 : i32
    %scan3A_18 = arith.constant 0 : i32
    %scan3A_19 = arith.constant 42 : i32
    %scan3A_20 = arith.addi %scan3A_18, %scan3A_19 : i32
    %scan3A_21 = arith.constant 1 : i32
    scf.for %scan3A_36 = %scan3A_18 to %scan3A_20 step %scan3A_21  : i32 {
      %mul3A_37 = arith.constant 2 : i32
      %mul3A_38 = arith.muli %mul3A_37, %scan3A_36 : i32
      %add3A_39 = arith.constant 0 : i32
      %add3A_40 = arith.addi %mul3A_38, %add3A_39 : i32
      %mul3A_41 = arith.constant 128 : i32
      %mul3A_42 = arith.muli %add3A_40, %mul3A_41 : i32
      %dma_wait3A_43 = arith.constant 0 : i32
      %dma_wait3A_44 = arith.constant 0 : i32
      %dma_wait3A_45 = tpu.memref_slice %arg9[%dma_wait3A_43, %dma_wait3A_44] : memref<256x128xbf16, #tpu.memory_space<vmem>> -> memref<128x128xbf16, #tpu.memory_space<vmem>>
      %dma_wait3A_46 = tpu.memref_slice %arg7[%mul3A_42] : memref<10752xi32, #tpu.memory_space<vmem>> -> memref<128xi32, #tpu.memory_space<vmem>>
      %dma_wait3A_47 = arith.constant 0 : i32
      %dma_wait3A_48 = arith.constant 0 : i32
      %dma_wait3A_49 = tpu.memref_slice %arg11[%dma_wait3A_47, %dma_wait3A_48] : memref<10240x128xbf16, #tpu.memory_space<vmem_shared>> -> memref<10240x128xbf16, #tpu.memory_space<vmem_shared>>
      tpu.wait_indirect_dma semaphore(%arg12 : memref<!tpu.dma_semaphore, #tpu.memory_space<semaphore_mem>>) src(%dma_wait3A_49 : memref<10240x128xbf16, #tpu.memory_space<vmem_shared>>) dst(%dma_wait3A_45 : memref<128x128xbf16, #tpu.memory_space<vmem>>)
      %mul3A_50 = arith.constant 128 : i32
      %mul3A_51 = arith.muli %add3A_40, %mul3A_50 : i32
      %dma_start3A_52 = arith.constant 0 : i32
      %dma_start3A_53 = arith.constant 0 : i32
      %dma_start3A_54 = tpu.memref_slice %arg9[%dma_start3A_52, %dma_start3A_53] : memref<256x128xbf16, #tpu.memory_space<vmem>> -> memref<128x128xbf16, #tpu.memory_space<vmem>>
      %dma_start3A_55 = tpu.memref_slice %arg8[%mul3A_51] : memref<10752xi32, #tpu.memory_space<vmem>> -> memref<128xi32, #tpu.memory_space<vmem>>
      %dma_start3A_56 = arith.constant 0 : i32
      %dma_start3A_57 = arith.constant 0 : i32
      %dma_start3A_58 = tpu.memref_slice %arg10[%dma_start3A_56, %dma_start3A_57] : memref<10240x128xbf16, #tpu.memory_space<vmem_shared>> -> memref<10240x128xbf16, #tpu.memory_space<vmem_shared>>
      tpu.enqueue_indirect_dma source(%dma_start3A_54 : memref<128x128xbf16, #tpu.memory_space<vmem>>) target(%dma_start3A_58 : memref<10240x128xbf16, #tpu.memory_space<vmem_shared>>) offsets(%dma_start3A_55 : memref<128xi32, #tpu.memory_space<vmem>>) semaphore(%arg14 : memref<!tpu.dma_semaphore, #tpu.memory_space<semaphore_mem>>) {add = true}
      %ge3A = arith.constant 1 : i32
      %ge3A_59 = arith.cmpi sge, %scan3A_36, %ge3A : i32
      %convert_element_type3A = arith.extui %ge3A_59 : i1 to i32
      %cond3A = arith.constant 0 : i32
      %cond3A_60 = arith.cmpi ne, %convert_element_type3A, %cond3A : i32
      scf.if %cond3A_60 {
        %sub3A_110 = arith.constant 1 : i32
        %sub3A_111 = arith.subi %add3A_40, %sub3A_110 : i32
        %mul3A_112 = arith.constant 128 : i32
        %mul3A_113 = arith.muli %sub3A_111, %mul3A_112 : i32
        %dma_wait3A_114 = arith.constant 128 : i32
        %dma_wait3A_115 = arith.constant 0 : i32
        %dma_wait3A_116 = tpu.memref_slice %arg9[%dma_wait3A_114, %dma_wait3A_115] : memref<256x128xbf16, #tpu.memory_space<vmem>> -> memref<128x128xbf16, #tpu.memory_space<vmem>>
        %dma_wait3A_117 = tpu.memref_slice %arg8[%mul3A_113] : memref<10752xi32, #tpu.memory_space<vmem>> -> memref<128xi32, #tpu.memory_space<vmem>>
        %dma_wait3A_118 = arith.constant 0 : i32
        %dma_wait3A_119 = arith.constant 0 : i32
        %dma_wait3A_120 = tpu.memref_slice %arg10[%dma_wait3A_118, %dma_wait3A_119] : memref<10240x128xbf16, #tpu.memory_space<vmem_shared>> -> memref<10240x128xbf16, #tpu.memory_space<vmem_shared>>
        tpu.wait_indirect_dma semaphore(%arg15 : memref<!tpu.dma_semaphore, #tpu.memory_space<semaphore_mem>>) src(%dma_wait3A_116 : memref<128x128xbf16, #tpu.memory_space<vmem>>) dst(%dma_wait3A_120 : memref<10240x128xbf16, #tpu.memory_space<vmem_shared>>)
      } else {
      }
      %add3A_61 = arith.constant 1 : i32
      %add3A_62 = arith.addi %add3A_40, %add3A_61 : i32
      %mul3A_63 = arith.constant 128 : i32
      %mul3A_64 = arith.muli %add3A_62, %mul3A_63 : i32
      %dma_start3A_65 = arith.constant 128 : i32
      %dma_start3A_66 = arith.constant 0 : i32
      %dma_start3A_67 = tpu.memref_slice %arg9[%dma_start3A_65, %dma_start3A_66] : memref<256x128xbf16, #tpu.memory_space<vmem>> -> memref<128x128xbf16, #tpu.memory_space<vmem>>
      %dma_start3A_68 = tpu.memref_slice %arg7[%mul3A_64] : memref<10752xi32, #tpu.memory_space<vmem>> -> memref<128xi32, #tpu.memory_space<vmem>>
      %dma_start3A_69 = arith.constant 0 : i32
      %dma_start3A_70 = arith.constant 0 : i32
      %dma_start3A_71 = tpu.memref_slice %arg11[%dma_start3A_69, %dma_start3A_70] : memref<10240x128xbf16, #tpu.memory_space<vmem_shared>> -> memref<10240x128xbf16, #tpu.memory_space<vmem_shared>>
      tpu.enqueue_indirect_dma source(%dma_start3A_71 : memref<10240x128xbf16, #tpu.memory_space<vmem_shared>>) target(%dma_start3A_67 : memref<128x128xbf16, #tpu.memory_space<vmem>>) offsets(%dma_start3A_68 : memref<128xi32, #tpu.memory_space<vmem>>) semaphore(%arg13 : memref<!tpu.dma_semaphore, #tpu.memory_space<semaphore_mem>>)
      %mul3A_72 = arith.constant 2 : i32
      %mul3A_73 = arith.muli %mul3A_72, %scan3A_36 : i32
      %add3A_74 = arith.constant 1 : i32
      %add3A_75 = arith.addi %mul3A_73, %add3A_74 : i32
      %mul3A_76 = arith.constant 128 : i32
      %mul3A_77 = arith.muli %add3A_75, %mul3A_76 : i32
      %dma_wait3A_78 = arith.constant 128 : i32
      %dma_wait3A_79 = arith.constant 0 : i32
      %dma_wait3A_80 = tpu.memref_slice %arg9[%dma_wait3A_78, %dma_wait3A_79] : memref<256x128xbf16, #tpu.memory_space<vmem>> -> memref<128x128xbf16, #tpu.memory_space<vmem>>
      %dma_wait3A_81 = tpu.memref_slice %arg7[%mul3A_77] : memref<10752xi32, #tpu.memory_space<vmem>> -> memref<128xi32, #tpu.memory_space<vmem>>
      %dma_wait3A_82 = arith.constant 0 : i32
      %dma_wait3A_83 = arith.constant 0 : i32
      %dma_wait3A_84 = tpu.memref_slice %arg11[%dma_wait3A_82, %dma_wait3A_83] : memref<10240x128xbf16, #tpu.memory_space<vmem_shared>> -> memref<10240x128xbf16, #tpu.memory_space<vmem_shared>>
      tpu.wait_indirect_dma semaphore(%arg13 : memref<!tpu.dma_semaphore, #tpu.memory_space<semaphore_mem>>) src(%dma_wait3A_84 : memref<10240x128xbf16, #tpu.memory_space<vmem_shared>>) dst(%dma_wait3A_80 : memref<128x128xbf16, #tpu.memory_space<vmem>>)
      %mul3A_85 = arith.constant 128 : i32
      %mul3A_86 = arith.muli %add3A_75, %mul3A_85 : i32
      %dma_start3A_87 = arith.constant 128 : i32
      %dma_start3A_88 = arith.constant 0 : i32
      %dma_start3A_89 = tpu.memref_slice %arg9[%dma_start3A_87, %dma_start3A_88] : memref<256x128xbf16, #tpu.memory_space<vmem>> -> memref<128x128xbf16, #tpu.memory_space<vmem>>
      %dma_start3A_90 = tpu.memref_slice %arg8[%mul3A_86] : memref<10752xi32, #tpu.memory_space<vmem>> -> memref<128xi32, #tpu.memory_space<vmem>>
      %dma_start3A_91 = arith.constant 0 : i32
      %dma_start3A_92 = arith.constant 0 : i32
      %dma_start3A_93 = tpu.memref_slice %arg10[%dma_start3A_91, %dma_start3A_92] : memref<10240x128xbf16, #tpu.memory_space<vmem_shared>> -> memref<10240x128xbf16, #tpu.memory_space<vmem_shared>>
      tpu.enqueue_indirect_dma source(%dma_start3A_89 : memref<128x128xbf16, #tpu.memory_space<vmem>>) target(%dma_start3A_93 : memref<10240x128xbf16, #tpu.memory_space<vmem_shared>>) offsets(%dma_start3A_90 : memref<128xi32, #tpu.memory_space<vmem>>) semaphore(%arg15 : memref<!tpu.dma_semaphore, #tpu.memory_space<semaphore_mem>>) {add = true}
      %sub3A = arith.constant 1 : i32
      %sub3A_94 = arith.subi %add3A_75, %sub3A : i32
      %mul3A_95 = arith.constant 128 : i32
      %mul3A_96 = arith.muli %sub3A_94, %mul3A_95 : i32
      %dma_wait3A_97 = arith.constant 0 : i32
      %dma_wait3A_98 = arith.constant 0 : i32
      %dma_wait3A_99 = tpu.memref_slice %arg9[%dma_wait3A_97, %dma_wait3A_98] : memref<256x128xbf16, #tpu.memory_space<vmem>> -> memref<128x128xbf16, #tpu.memory_space<vmem>>
      %dma_wait3A_100 = tpu.memref_slice %arg8[%mul3A_96] : memref<10752xi32, #tpu.memory_space<vmem>> -> memref<128xi32, #tpu.memory_space<vmem>>
      %dma_wait3A_101 = arith.constant 0 : i32
      %dma_wait3A_102 = arith.constant 0 : i32
      %dma_wait3A_103 = tpu.memref_slice %arg10[%dma_wait3A_101, %dma_wait3A_102] : memref<10240x128xbf16, #tpu.memory_space<vmem_shared>> -> memref<10240x128xbf16, #tpu.memory_space<vmem_shared>>
      tpu.wait_indirect_dma semaphore(%arg14 : memref<!tpu.dma_semaphore, #tpu.memory_space<semaphore_mem>>) src(%dma_wait3A_99 : memref<128x128xbf16, #tpu.memory_space<vmem>>) dst(%dma_wait3A_103 : memref<10240x128xbf16, #tpu.memory_space<vmem_shared>>)
      %add3A_104 = arith.constant 1 : i32
      %add3A_105 = arith.addi %add3A_75, %add3A_104 : i32
      %lt3A = arith.constant 84 : i32
      %lt3A_106 = arith.cmpi slt, %add3A_105, %lt3A : i32
      %convert_element_type3A_107 = arith.extui %lt3A_106 : i1 to i32
      %cond3A_108 = arith.constant 0 : i32
      %cond3A_109 = arith.cmpi ne, %convert_element_type3A_107, %cond3A_108 : i32
      scf.if %cond3A_109 {
        %add3A_110 = arith.constant 1 : i32
        %add3A_111 = arith.addi %add3A_75, %add3A_110 : i32
        %mul3A_112 = arith.constant 128 : i32
        %mul3A_113 = arith.muli %add3A_111, %mul3A_112 : i32
        %dma_start3A_114 = arith.constant 0 : i32
        %dma_start3A_115 = arith.constant 0 : i32
        %dma_start3A_116 = tpu.memref_slice %arg9[%dma_start3A_114, %dma_start3A_115] : memref<256x128xbf16, #tpu.memory_space<vmem>> -> memref<128x128xbf16, #tpu.memory_space<vmem>>
        %dma_start3A_117 = tpu.memref_slice %arg7[%mul3A_113] : memref<10752xi32, #tpu.memory_space<vmem>> -> memref<128xi32, #tpu.memory_space<vmem>>
        %dma_start3A_118 = arith.constant 0 : i32
        %dma_start3A_119 = arith.constant 0 : i32
        %dma_start3A_120 = tpu.memref_slice %arg11[%dma_start3A_118, %dma_start3A_119] : memref<10240x128xbf16, #tpu.memory_space<vmem_shared>> -> memref<10240x128xbf16, #tpu.memory_space<vmem_shared>>
        tpu.enqueue_indirect_dma source(%dma_start3A_120 : memref<10240x128xbf16, #tpu.memory_space<vmem_shared>>) target(%dma_start3A_116 : memref<128x128xbf16, #tpu.memory_space<vmem>>) offsets(%dma_start3A_117 : memref<128xi32, #tpu.memory_space<vmem>>) semaphore(%arg12 : memref<!tpu.dma_semaphore, #tpu.memory_space<semaphore_mem>>)
      } else {
      }
    }
    %scan3A_22 = arith.constant 42 : i32
    %dma_wait3A = arith.constant 128 : i32
    %dma_wait3A_23 = arith.constant 0 : i32
    %dma_wait3A_24 = tpu.memref_slice %arg9[%dma_wait3A, %dma_wait3A_23] : memref<256x128xbf16, #tpu.memory_space<vmem>> -> memref<128x128xbf16, #tpu.memory_space<vmem>>
    %dma_wait3A_25 = arith.constant 10624 : i32
    %dma_wait3A_26 = tpu.memref_slice %arg8[%dma_wait3A_25] : memref<10752xi32, #tpu.memory_space<vmem>> -> memref<128xi32, #tpu.memory_space<vmem>>
    %dma_wait3A_27 = arith.constant 0 : i32
    %dma_wait3A_28 = arith.constant 0 : i32
    %dma_wait3A_29 = tpu.memref_slice %arg10[%dma_wait3A_27, %dma_wait3A_28] : memref<10240x128xbf16, #tpu.memory_space<vmem_shared>> -> memref<10240x128xbf16, #tpu.memory_space<vmem_shared>>
    tpu.wait_indirect_dma semaphore(%arg15 : memref<!tpu.dma_semaphore, #tpu.memory_space<semaphore_mem>>) src(%dma_wait3A_24 : memref<128x128xbf16, #tpu.memory_space<vmem>>) dst(%dma_wait3A_29 : memref<10240x128xbf16, #tpu.memory_space<vmem_shared>>)
    %barrier3A_30 = arith.constant 0 : index
    tpu.barrier barrier_id(%barrier3A_30)
    %mul3A_31 = arith.constant 640 : i32
    %mul3A_32 = arith.muli %arg1, %mul3A_31 : i32
    %mul3A_33 = arith.constant 640 : i32
    %mul3A_34 = arith.muli %arg1, %mul3A_33 : i32
    %run_scoped3A = arith.constant 0 : i32
    "tpu.region"() ({
      %run_scoped3A_36 = tpu.sem_alloc : memref<!tpu.dma_semaphore, #tpu.memory_space<semaphore_mem>>
      %dma_start3A_37 = arith.constant 0 : i32
      %dma_start3A_38 = tpu.memref_slice %arg6[%arg0, %run_scoped3A, %mul3A_34, %dma_start3A_37] : memref<2x1x10240x128xbf16, #tpu.memory_space<hbm>> -> memref<1x1x640x128xbf16, #tpu.memory_space<hbm>>
      %dma_start3A_39 = tpu.memref_squeeze %dma_start3A_38 : memref<1x1x640x128xbf16, #tpu.memory_space<hbm>> -> memref<640x128xbf16, #tpu.memory_space<hbm>>
      %dma_start3A_40 = arith.constant 0 : i32
      %dma_start3A_41 = tpu.memref_slice %arg10[%mul3A_32, %dma_start3A_40] : memref<10240x128xbf16, #tpu.memory_space<vmem_shared>> -> memref<640x128xbf16, #tpu.memory_space<vmem_shared>>
      tpu.enqueue_dma source(%dma_start3A_41 : memref<640x128xbf16, #tpu.memory_space<vmem_shared>>) target(%dma_start3A_39 : memref<640x128xbf16, #tpu.memory_space<hbm>>) target_semaphore(%run_scoped3A_36 : memref<!tpu.dma_semaphore, #tpu.memory_space<semaphore_mem>>)
      %dma_wait3A_42 = arith.constant 0 : i32
      %dma_wait3A_43 = tpu.memref_slice %arg6[%arg0, %run_scoped3A, %mul3A_34, %dma_wait3A_42] : memref<2x1x10240x128xbf16, #tpu.memory_space<hbm>> -> memref<1x1x640x128xbf16, #tpu.memory_space<hbm>>
      %dma_wait3A_44 = tpu.memref_squeeze %dma_wait3A_43 : memref<1x1x640x128xbf16, #tpu.memory_space<hbm>> -> memref<640x128xbf16, #tpu.memory_space<hbm>>
      %dma_wait3A_45 = arith.constant 0 : i32
      %dma_wait3A_46 = tpu.memref_slice %arg10[%mul3A_32, %dma_wait3A_45] : memref<10240x128xbf16, #tpu.memory_space<vmem_shared>> -> memref<640x128xbf16, #tpu.memory_space<vmem_shared>>
      tpu.wait_dma2 semaphore(%run_scoped3A_36 : memref<!tpu.dma_semaphore, #tpu.memory_space<semaphore_mem>>) src(%dma_wait3A_46 : memref<640x128xbf16, #tpu.memory_space<vmem_shared>>) dst(%dma_wait3A_44 : memref<640x128xbf16, #tpu.memory_space<hbm>>)
      tpu.yield
    }) : () -> ()
    %barrier3A_35 = arith.constant 0 : index
    tpu.barrier barrier_id(%barrier3A_35)
    return
  }
}

#map = affine_map<(d0, d1) -> (0)>
#map1 = affine_map<(d0, d1) -> (0, 0)>
#map2 = affine_map<(d0, d1) -> (0, 0, 0, 0)>
module attributes {stable_mosaic.version = 14 : i64} {
  func.func @k(%arg0: i32, %arg1: i32, %arg2: memref<344064xi32, #tpu.memory_space<hbm>>, %arg3: memref<344064xi32, #tpu.memory_space<hbm>>, %arg4: memref<640x128xbf16, #tpu.memory_space<hbm>>, %arg5: memref<10240x128xbf16, #tpu.memory_space<hbm>>, %arg6: memref<2x1x10240x128xbf16, #tpu.memory_space<hbm>>, %arg7: memref<10752xi32, #tpu.memory_space<vmem>>, %arg8: memref<10752xi32, #tpu.memory_space<vmem>>, %arg9: memref<256x128xbf16, #tpu.memory_space<vmem>>, %arg10: memref<10240x128xbf16, #tpu.memory_space<vmem_shared>>, %arg11: memref<10240x128xbf16, #tpu.memory_space<vmem_shared>>, %arg12: memref<!tpu.dma_semaphore, #tpu.memory_space<semaphore_mem>>, %arg13: memref<!tpu.dma_semaphore, #tpu.memory_space<semaphore_mem>>, %arg14: memref<!tpu.dma_semaphore, #tpu.memory_space<semaphore_mem>>, %arg15: memref<!tpu.dma_semaphore, #tpu.memory_space<semaphore_mem>>) attributes {dimension_semantics = [#tpu.dimension_semantics<core_parallel>, #tpu.dimension_semantics<subcore_parallel>], iteration_bounds = array<i64: 2, 16>, scalar_prefetch = 0 : i64, scratch_operands = 9 : i64, tpu.core_type = #tpu.core_type<sc_vector_subcore>, window_params = [{transform_indices = #map}, {transform_indices = #map}, {transform_indices = #map1}, {transform_indices = #map1}, {transform_indices = #map2}]} {
    %mul3A = arith.constant 16 : i32
    %mul3A_0 = arith.muli %arg0, %mul3A : i32
    %add3A = arith.addi %mul3A_0, %arg1 : i32
    %mul3A_1 = arith.constant 10752 : i32
    %mul3A_2 = arith.muli %add3A, %mul3A_1 : i32
    %mul3A_3 = arith.constant 640 : i32
    %mul3A_4 = arith.muli %arg1, %mul3A_3 : i32
    %mul3A_5 = arith.constant 640 : i32
    %mul3A_6 = arith.muli %arg1, %mul3A_5 : i32
    "tpu.region"() ({
      %run_scoped3A_36 = tpu.sem_alloc : memref<!tpu.dma_semaphore, #tpu.memory_space<semaphore_mem>>
      %dma_start3A_37 = arith.constant 0 : i32
      %dma_start3A_38 = tpu.memref_slice %arg11[%mul3A_6, %dma_start3A_37] : memref<10240x128xbf16, #tpu.memory_space<vmem_shared>> -> memref<640x128xbf16, #tpu.memory_space<vmem_shared>>
      %dma_start3A_39 = arith.constant 0 : i32
      %dma_start3A_40 = tpu.memref_slice %arg5[%mul3A_4, %dma_start3A_39] : memref<10240x128xbf16, #tpu.memory_space<hbm>> -> memref<640x128xbf16, #tpu.memory_space<hbm>>
      tpu.enqueue_dma source(%dma_start3A_40 : memref<640x128xbf16, #tpu.memory_space<hbm>>) target(%dma_start3A_38 : memref<640x128xbf16, #tpu.memory_space<vmem_shared>>) target_semaphore(%run_scoped3A_36 : memref<!tpu.dma_semaphore, #tpu.memory_space<semaphore_mem>>)
      %dma_wait3A_41 = arith.constant 0 : i32
      %dma_wait3A_42 = tpu.memref_slice %arg11[%mul3A_6, %dma_wait3A_41] : memref<10240x128xbf16, #tpu.memory_space<vmem_shared>> -> memref<640x128xbf16, #tpu.memory_space<vmem_shared>>
      %dma_wait3A_43 = arith.constant 0 : i32
      %dma_wait3A_44 = tpu.memref_slice %arg5[%mul3A_4, %dma_wait3A_43] : memref<10240x128xbf16, #tpu.memory_space<hbm>> -> memref<640x128xbf16, #tpu.memory_space<hbm>>
      tpu.wait_dma2 semaphore(%run_scoped3A_36 : memref<!tpu.dma_semaphore, #tpu.memory_space<semaphore_mem>>) src(%dma_wait3A_44 : memref<640x128xbf16, #tpu.memory_space<hbm>>) dst(%dma_wait3A_42 : memref<640x128xbf16, #tpu.memory_space<vmem_shared>>)
      tpu.yield
    }) : () -> ()
    %mul3A_7 = arith.constant 640 : i32
    %mul3A_8 = arith.muli %arg1, %mul3A_7 : i32
    "tpu.region"() ({
      %run_scoped3A_36 = tpu.sem_alloc : memref<!tpu.dma_semaphore, #tpu.memory_space<semaphore_mem>>
      %dma_start3A_37 = arith.constant 0 : i32
      %dma_start3A_38 = tpu.memref_slice %arg10[%mul3A_8, %dma_start3A_37] : memref<10240x128xbf16, #tpu.memory_space<vmem_shared>> -> memref<640x128xbf16, #tpu.memory_space<vmem_shared>>
      tpu.enqueue_dma source(%arg4 : memref<640x128xbf16, #tpu.memory_space<hbm>>) target(%dma_start3A_38 : memref<640x128xbf16, #tpu.memory_space<vmem_shared>>) target_semaphore(%run_scoped3A_36 : memref<!tpu.dma_semaphore, #tpu.memory_space<semaphore_mem>>)
      %dma_wait3A_39 = arith.constant 0 : i32
      %dma_wait3A_40 = tpu.memref_slice %arg10[%mul3A_8, %dma_wait3A_39] : memref<10240x128xbf16, #tpu.memory_space<vmem_shared>> -> memref<640x128xbf16, #tpu.memory_space<vmem_shared>>
      tpu.wait_dma2 semaphore(%run_scoped3A_36 : memref<!tpu.dma_semaphore, #tpu.memory_space<semaphore_mem>>) src(%arg4 : memref<640x128xbf16, #tpu.memory_space<hbm>>) dst(%dma_wait3A_40 : memref<640x128xbf16, #tpu.memory_space<vmem_shared>>)
      tpu.yield
    }) : () -> ()
    %barrier3A = arith.constant 0 : index
    tpu.barrier barrier_id(%barrier3A)
    %add3A_9 = arith.constant 0 : i32
    %add3A_10 = arith.addi %mul3A_2, %add3A_9 : i32
    "tpu.region"() ({
      %run_scoped3A_36 = tpu.sem_alloc : memref<!tpu.dma_semaphore, #tpu.memory_space<semaphore_mem>>
      %dma_start3A_37 = tpu.memref_slice %arg2[%add3A_10] : memref<344064xi32, #tpu.memory_space<hbm>> -> memref<10752xi32, #tpu.memory_space<hbm>>
      %dma_start3A_38 = tpu.memref_slice %arg2[%add3A_10] : memref<344064xi32, #tpu.memory_space<hbm>> -> memref<10752xi32, #tpu.memory_space<hbm>>
      tpu.enqueue_dma source(%dma_start3A_38 : memref<10752xi32, #tpu.memory_space<hbm>>) target(%arg7 : memref<10752xi32, #tpu.memory_space<vmem>>) target_semaphore(%run_scoped3A_36 : memref<!tpu.dma_semaphore, #tpu.memory_space<semaphore_mem>>)
      %dma_wait3A_39 = tpu.memref_slice %arg2[%add3A_10] : memref<344064xi32, #tpu.memory_space<hbm>> -> memref<10752xi32, #tpu.memory_space<hbm>>
      %dma_wait3A_40 = tpu.memref_slice %arg2[%add3A_10] : memref<344064xi32, #tpu.memory_space<hbm>> -> memref<10752xi32, #tpu.memory_space<hbm>>
      tpu.wait_dma2 semaphore(%run_scoped3A_36 : memref<!tpu.dma_semaphore, #tpu.memory_space<semaphore_mem>>) src(%dma_wait3A_40 : memref<10752xi32, #tpu.memory_space<hbm>>) dst(%arg7 : memref<10752xi32, #tpu.memory_space<vmem>>)
      tpu.yield
    }) : () -> ()
    "tpu.region"() ({
      %run_scoped3A_36 = tpu.sem_alloc : memref<!tpu.dma_semaphore, #tpu.memory_space<semaphore_mem>>
      %dma_start3A_37 = tpu.memref_slice %arg3[%add3A_10] : memref<344064xi32, #tpu.memory_space<hbm>> -> memref<10752xi32, #tpu.memory_space<hbm>>
      %dma_start3A_38 = tpu.memref_slice %arg3[%add3A_10] : memref<344064xi32, #tpu.memory_space<hbm>> -> memref<10752xi32, #tpu.memory_space<hbm>>
      tpu.enqueue_dma source(%dma_start3A_38 : memref<10752xi32, #tpu.memory_space<hbm>>) target(%arg8 : memref<10752xi32, #tpu.memory_space<vmem>>) target_semaphore(%run_scoped3A_36 : memref<!tpu.dma_semaphore, #tpu.memory_space<semaphore_mem>>)
      %dma_wait3A_39 = tpu.memref_slice %arg3[%add3A_10] : memref<344064xi32, #tpu.memory_space<hbm>> -> memref<10752xi32, #tpu.memory_space<hbm>>
      %dma_wait3A_40 = tpu.memref_slice %arg3[%add3A_10] : memref<344064xi32, #tpu.memory_space<hbm>> -> memref<10752xi32, #tpu.memory_space<hbm>>
      tpu.wait_dma2 semaphore(%run_scoped3A_36 : memref<!tpu.dma_semaphore, #tpu.memory_space<semaphore_mem>>) src(%dma_wait3A_40 : memref<10752xi32, #tpu.memory_space<hbm>>) dst(%arg8 : memref<10752xi32, #tpu.memory_space<vmem>>)
      tpu.yield
    }) : () -> ()
    %dma_start3A = arith.constant 0 : i32
    %dma_start3A_11 = arith.constant 0 : i32
    %dma_start3A_12 = tpu.memref_slice %arg9[%dma_start3A, %dma_start3A_11] : memref<256x128xbf16, #tpu.memory_space<vmem>> -> memref<128x128xbf16, #tpu.memory_space<vmem>>
    %dma_start3A_13 = arith.constant 0 : i32
    %dma_start3A_14 = tpu.memref_slice %arg7[%dma_start3A_13] : memref<10752xi32, #tpu.memory_space<vmem>> -> memref<128xi32, #tpu.memory_space<vmem>>
    %dma_start3A_15 = arith.constant 0 : i32
    %dma_start3A_16 = arith.constant 0 : i32
    %dma_start3A_17 = tpu.memref_slice %arg11[%dma_start3A_15, %dma_start3A_16] : memref<10240x128xbf16, #tpu.memory_space<vmem_shared>> -> memref<10240x128xbf16, #tpu.memory_space<vmem_shared>>
    tpu.enqueue_indirect_dma source(%dma_start3A_17 : memref<10240x128xbf16, #tpu.memory_space<vmem_shared>>) target(%dma_start3A_12 : memref<128x128xbf16, #tpu.memory_space<vmem>>) offsets(%dma_start3A_14 : memref<128xi32, #tpu.memory_space<vmem>>) semaphore(%arg12 : memref<!tpu.dma_semaphore, #tpu.memory_space<semaphore_mem>>)
    %scan3A = arith.constant 0 : i32
    %scan3A_18 = arith.constant 0 : i32
    %scan3A_19 = arith.constant 42 : i32
    %scan3A_20 = arith.addi %scan3A_18, %scan3A_19 : i32
    %scan3A_21 = arith.constant 1 : i32
    scf.for %scan3A_36 = %scan3A_18 to %scan3A_20 step %scan3A_21  : i32 {
      %mul3A_37 = arith.constant 2 : i32
      %mul3A_38 = arith.muli %mul3A_37, %scan3A_36 : i32
      %add3A_39 = arith.constant 0 : i32
      %add3A_40 = arith.addi %mul3A_38, %add3A_39 : i32
      %mul3A_41 = arith.constant 128 : i32
      %mul3A_42 = arith.muli %add3A_40, %mul3A_41 : i32
      %dma_wait3A_43 = arith.constant 0 : i32
      %dma_wait3A_44 = arith.constant 0 : i32
      %dma_wait3A_45 = tpu.memref_slice %arg9[%dma_wait3A_43, %dma_wait3A_44] : memref<256x128xbf16, #tpu.memory_space<vmem>> -> memref<128x128xbf16, #tpu.memory_space<vmem>>
      %dma_wait3A_46 = tpu.memref_slice %arg7[%mul3A_42] : memref<10752xi32, #tpu.memory_space<vmem>> -> memref<128xi32, #tpu.memory_space<vmem>>
      %dma_wait3A_47 = arith.constant 0 : i32
      %dma_wait3A_48 = arith.constant 0 : i32
      %dma_wait3A_49 = tpu.memref_slice %arg11[%dma_wait3A_47, %dma_wait3A_48] : memref<10240x128xbf16, #tpu.memory_space<vmem_shared>> -> memref<10240x128xbf16, #tpu.memory_space<vmem_shared>>
      tpu.wait_indirect_dma semaphore(%arg12 : memref<!tpu.dma_semaphore, #tpu.memory_space<semaphore_mem>>) src(%dma_wait3A_49 : memref<10240x128xbf16, #tpu.memory_space<vmem_shared>>) dst(%dma_wait3A_45 : memref<128x128xbf16, #tpu.memory_space<vmem>>)
      %mul3A_50 = arith.constant 128 : i32
      %mul3A_51 = arith.muli %add3A_40, %mul3A_50 : i32
      %dma_start3A_52 = arith.constant 0 : i32
      %dma_start3A_53 = arith.constant 0 : i32
      %dma_start3A_54 = tpu.memref_slice %arg9[%dma_start3A_52, %dma_start3A_53] : memref<256x128xbf16, #tpu.memory_space<vmem>> -> memref<128x128xbf16, #tpu.memory_space<vmem>>
      %dma_start3A_55 = tpu.memref_slice %arg8[%mul3A_51] : memref<10752xi32, #tpu.memory_space<vmem>> -> memref<128xi32, #tpu.memory_space<vmem>>
      %dma_start3A_56 = arith.constant 0 : i32
      %dma_start3A_57 = arith.constant 0 : i32
      %dma_start3A_58 = tpu.memref_slice %arg10[%dma_start3A_56, %dma_start3A_57] : memref<10240x128xbf16, #tpu.memory_space<vmem_shared>> -> memref<10240x128xbf16, #tpu.memory_space<vmem_shared>>
      tpu.enqueue_indirect_dma source(%dma_start3A_54 : memref<128x128xbf16, #tpu.memory_space<vmem>>) target(%dma_start3A_58 : memref<10240x128xbf16, #tpu.memory_space<vmem_shared>>) offsets(%dma_start3A_55 : memref<128xi32, #tpu.memory_space<vmem>>) semaphore(%arg14 : memref<!tpu.dma_semaphore, #tpu.memory_space<semaphore_mem>>) {add = true}
      %ge3A = arith.constant 1 : i32
      %ge3A_59 = arith.cmpi sge, %scan3A_36, %ge3A : i32
      %convert_element_type3A = arith.extui %ge3A_59 : i1 to i32
      %cond3A = arith.constant 0 : i32
      %cond3A_60 = arith.cmpi ne, %convert_element_type3A, %cond3A : i32
      scf.if %cond3A_60 {
        %sub3A_110 = arith.constant 1 : i32
        %sub3A_111 = arith.subi %add3A_40, %sub3A_110 : i32
        %mul3A_112 = arith.constant 128 : i32
        %mul3A_113 = arith.muli %sub3A_111, %mul3A_112 : i32
        %dma_wait3A_114 = arith.constant 128 : i32
        %dma_wait3A_115 = arith.constant 0 : i32
        %dma_wait3A_116 = tpu.memref_slice %arg9[%dma_wait3A_114, %dma_wait3A_115] : memref<256x128xbf16, #tpu.memory_space<vmem>> -> memref<128x128xbf16, #tpu.memory_space<vmem>>
        %dma_wait3A_117 = tpu.memref_slice %arg8[%mul3A_113] : memref<10752xi32, #tpu.memory_space<vmem>> -> memref<128xi32, #tpu.memory_space<vmem>>
        %dma_wait3A_118 = arith.constant 0 : i32
        %dma_wait3A_119 = arith.constant 0 : i32
        %dma_wait3A_120 = tpu.memref_slice %arg10[%dma_wait3A_118, %dma_wait3A_119] : memref<10240x128xbf16, #tpu.memory_space<vmem_shared>> -> memref<10240x128xbf16, #tpu.memory_space<vmem_shared>>
        tpu.wait_indirect_dma semaphore(%arg15 : memref<!tpu.dma_semaphore, #tpu.memory_space<semaphore_mem>>) src(%dma_wait3A_116 : memref<128x128xbf16, #tpu.memory_space<vmem>>) dst(%dma_wait3A_120 : memref<10240x128xbf16, #tpu.memory_space<vmem_shared>>)
      } else {
      }
      %add3A_61 = arith.constant 1 : i32
      %add3A_62 = arith.addi %add3A_40, %add3A_61 : i32
      %mul3A_63 = arith.constant 128 : i32
      %mul3A_64 = arith.muli %add3A_62, %mul3A_63 : i32
      %dma_start3A_65 = arith.constant 128 : i32
      %dma_start3A_66 = arith.constant 0 : i32
      %dma_start3A_67 = tpu.memref_slice %arg9[%dma_start3A_65, %dma_start3A_66] : memref<256x128xbf16, #tpu.memory_space<vmem>> -> memref<128x128xbf16, #tpu.memory_space<vmem>>
      %dma_start3A_68 = tpu.memref_slice %arg7[%mul3A_64] : memref<10752xi32, #tpu.memory_space<vmem>> -> memref<128xi32, #tpu.memory_space<vmem>>
      %dma_start3A_69 = arith.constant 0 : i32
      %dma_start3A_70 = arith.constant 0 : i32
      %dma_start3A_71 = tpu.memref_slice %arg11[%dma_start3A_69, %dma_start3A_70] : memref<10240x128xbf16, #tpu.memory_space<vmem_shared>> -> memref<10240x128xbf16, #tpu.memory_space<vmem_shared>>
      tpu.enqueue_indirect_dma source(%dma_start3A_71 : memref<10240x128xbf16, #tpu.memory_space<vmem_shared>>) target(%dma_start3A_67 : memref<128x128xbf16, #tpu.memory_space<vmem>>) offsets(%dma_start3A_68 : memref<128xi32, #tpu.memory_space<vmem>>) semaphore(%arg13 : memref<!tpu.dma_semaphore, #tpu.memory_space<semaphore_mem>>)
      %mul3A_72 = arith.constant 2 : i32
      %mul3A_73 = arith.muli %mul3A_72, %scan3A_36 : i32
      %add3A_74 = arith.constant 1 : i32
      %add3A_75 = arith.addi %mul3A_73, %add3A_74 : i32
      %mul3A_76 = arith.constant 128 : i32
      %mul3A_77 = arith.muli %add3A_75, %mul3A_76 : i32
      %dma_wait3A_78 = arith.constant 128 : i32
      %dma_wait3A_79 = arith.constant 0 : i32
      %dma_wait3A_80 = tpu.memref_slice %arg9[%dma_wait3A_78, %dma_wait3A_79] : memref<256x128xbf16, #tpu.memory_space<vmem>> -> memref<128x128xbf16, #tpu.memory_space<vmem>>
      %dma_wait3A_81 = tpu.memref_slice %arg7[%mul3A_77] : memref<10752xi32, #tpu.memory_space<vmem>> -> memref<128xi32, #tpu.memory_space<vmem>>
      %dma_wait3A_82 = arith.constant 0 : i32
      %dma_wait3A_83 = arith.constant 0 : i32
      %dma_wait3A_84 = tpu.memref_slice %arg11[%dma_wait3A_82, %dma_wait3A_83] : memref<10240x128xbf16, #tpu.memory_space<vmem_shared>> -> memref<10240x128xbf16, #tpu.memory_space<vmem_shared>>
      tpu.wait_indirect_dma semaphore(%arg13 : memref<!tpu.dma_semaphore, #tpu.memory_space<semaphore_mem>>) src(%dma_wait3A_84 : memref<10240x128xbf16, #tpu.memory_space<vmem_shared>>) dst(%dma_wait3A_80 : memref<128x128xbf16, #tpu.memory_space<vmem>>)
      %mul3A_85 = arith.constant 128 : i32
      %mul3A_86 = arith.muli %add3A_75, %mul3A_85 : i32
      %dma_start3A_87 = arith.constant 128 : i32
      %dma_start3A_88 = arith.constant 0 : i32
      %dma_start3A_89 = tpu.memref_slice %arg9[%dma_start3A_87, %dma_start3A_88] : memref<256x128xbf16, #tpu.memory_space<vmem>> -> memref<128x128xbf16, #tpu.memory_space<vmem>>
      %dma_start3A_90 = tpu.memref_slice %arg8[%mul3A_86] : memref<10752xi32, #tpu.memory_space<vmem>> -> memref<128xi32, #tpu.memory_space<vmem>>
      %dma_start3A_91 = arith.constant 0 : i32
      %dma_start3A_92 = arith.constant 0 : i32
      %dma_start3A_93 = tpu.memref_slice %arg10[%dma_start3A_91, %dma_start3A_92] : memref<10240x128xbf16, #tpu.memory_space<vmem_shared>> -> memref<10240x128xbf16, #tpu.memory_space<vmem_shared>>
      tpu.enqueue_indirect_dma source(%dma_start3A_89 : memref<128x128xbf16, #tpu.memory_space<vmem>>) target(%dma_start3A_93 : memref<10240x128xbf16, #tpu.memory_space<vmem_shared>>) offsets(%dma_start3A_90 : memref<128xi32, #tpu.memory_space<vmem>>) semaphore(%arg15 : memref<!tpu.dma_semaphore, #tpu.memory_space<semaphore_mem>>) {add = true}
      %sub3A = arith.constant 1 : i32
      %sub3A_94 = arith.subi %add3A_75, %sub3A : i32
      %mul3A_95 = arith.constant 128 : i32
      %mul3A_96 = arith.muli %sub3A_94, %mul3A_95 : i32
      %dma_wait3A_97 = arith.constant 0 : i32
      %dma_wait3A_98 = arith.constant 0 : i32
      %dma_wait3A_99 = tpu.memref_slice %arg9[%dma_wait3A_97, %dma_wait3A_98] : memref<256x128xbf16, #tpu.memory_space<vmem>> -> memref<128x128xbf16, #tpu.memory_space<vmem>>
      %dma_wait3A_100 = tpu.memref_slice %arg8[%mul3A_96] : memref<10752xi32, #tpu.memory_space<vmem>> -> memref<128xi32, #tpu.memory_space<vmem>>
      %dma_wait3A_101 = arith.constant 0 : i32
      %dma_wait3A_102 = arith.constant 0 : i32
      %dma_wait3A_103 = tpu.memref_slice %arg10[%dma_wait3A_101, %dma_wait3A_102] : memref<10240x128xbf16, #tpu.memory_space<vmem_shared>> -> memref<10240x128xbf16, #tpu.memory_space<vmem_shared>>
      tpu.wait_indirect_dma semaphore(%arg14 : memref<!tpu.dma_semaphore, #tpu.memory_space<semaphore_mem>>) src(%dma_wait3A_99 : memref<128x128xbf16, #tpu.memory_space<vmem>>) dst(%dma_wait3A_103 : memref<10240x128xbf16, #tpu.memory_space<vmem_shared>>)
      %add3A_104 = arith.constant 1 : i32
      %add3A_105 = arith.addi %add3A_75, %add3A_104 : i32
      %lt3A = arith.constant 84 : i32
      %lt3A_106 = arith.cmpi slt, %add3A_105, %lt3A : i32
      %convert_element_type3A_107 = arith.extui %lt3A_106 : i1 to i32
      %cond3A_108 = arith.constant 0 : i32
      %cond3A_109 = arith.cmpi ne, %convert_element_type3A_107, %cond3A_108 : i32
      scf.if %cond3A_109 {
        %add3A_110 = arith.constant 1 : i32
        %add3A_111 = arith.addi %add3A_75, %add3A_110 : i32
        %mul3A_112 = arith.constant 128 : i32
        %mul3A_113 = arith.muli %add3A_111, %mul3A_112 : i32
        %dma_start3A_114 = arith.constant 0 : i32
        %dma_start3A_115 = arith.constant 0 : i32
        %dma_start3A_116 = tpu.memref_slice %arg9[%dma_start3A_114, %dma_start3A_115] : memref<256x128xbf16, #tpu.memory_space<vmem>> -> memref<128x128xbf16, #tpu.memory_space<vmem>>
        %dma_start3A_117 = tpu.memref_slice %arg7[%mul3A_113] : memref<10752xi32, #tpu.memory_space<vmem>> -> memref<128xi32, #tpu.memory_space<vmem>>
        %dma_start3A_118 = arith.constant 0 : i32
        %dma_start3A_119 = arith.constant 0 : i32
        %dma_start3A_120 = tpu.memref_slice %arg11[%dma_start3A_118, %dma_start3A_119] : memref<10240x128xbf16, #tpu.memory_space<vmem_shared>> -> memref<10240x128xbf16, #tpu.memory_space<vmem_shared>>
        tpu.enqueue_indirect_dma source(%dma_start3A_120 : memref<10240x128xbf16, #tpu.memory_space<vmem_shared>>) target(%dma_start3A_116 : memref<128x128xbf16, #tpu.memory_space<vmem>>) offsets(%dma_start3A_117 : memref<128xi32, #tpu.memory_space<vmem>>) semaphore(%arg12 : memref<!tpu.dma_semaphore, #tpu.memory_space<semaphore_mem>>)
      } else {
      }
    }
    %scan3A_22 = arith.constant 42 : i32
    %dma_wait3A = arith.constant 128 : i32
    %dma_wait3A_23 = arith.constant 0 : i32
    %dma_wait3A_24 = tpu.memref_slice %arg9[%dma_wait3A, %dma_wait3A_23] : memref<256x128xbf16, #tpu.memory_space<vmem>> -> memref<128x128xbf16, #tpu.memory_space<vmem>>
    %dma_wait3A_25 = arith.constant 10624 : i32
    %dma_wait3A_26 = tpu.memref_slice %arg8[%dma_wait3A_25] : memref<10752xi32, #tpu.memory_space<vmem>> -> memref<128xi32, #tpu.memory_space<vmem>>
    %dma_wait3A_27 = arith.constant 0 : i32
    %dma_wait3A_28 = arith.constant 0 : i32
    %dma_wait3A_29 = tpu.memref_slice %arg10[%dma_wait3A_27, %dma_wait3A_28] : memref<10240x128xbf16, #tpu.memory_space<vmem_shared>> -> memref<10240x128xbf16, #tpu.memory_space<vmem_shared>>
    tpu.wait_indirect_dma semaphore(%arg15 : memref<!tpu.dma_semaphore, #tpu.memory_space<semaphore_mem>>) src(%dma_wait3A_24 : memref<128x128xbf16, #tpu.memory_space<vmem>>) dst(%dma_wait3A_29 : memref<10240x128xbf16, #tpu.memory_space<vmem_shared>>)
    %barrier3A_30 = arith.constant 0 : index
    tpu.barrier barrier_id(%barrier3A_30)
    %mul3A_31 = arith.constant 640 : i32
    %mul3A_32 = arith.muli %arg1, %mul3A_31 : i32
    %mul3A_33 = arith.constant 640 : i32
    %mul3A_34 = arith.muli %arg1, %mul3A_33 : i32
    %run_scoped3A = arith.constant 0 : i32
    "tpu.region"() ({
      %run_scoped3A_36 = tpu.sem_alloc : memref<!tpu.dma_semaphore, #tpu.memory_space<semaphore_mem>>
      %dma_start3A_37 = arith.constant 0 : i32
      %dma_start3A_38 = tpu.memref_slice %arg6[%arg0, %run_scoped3A, %mul3A_34, %dma_start3A_37] : memref<2x1x10240x128xbf16, #tpu.memory_space<hbm>> -> memref<1x1x640x128xbf16, #tpu.memory_space<hbm>>
      %dma_start3A_39 = tpu.memref_squeeze %dma_start3A_38 : memref<1x1x640x128xbf16, #tpu.memory_space<hbm>> -> memref<640x128xbf16, #tpu.memory_space<hbm>>
      %dma_start3A_40 = arith.constant 0 : i32
      %dma_start3A_41 = tpu.memref_slice %arg10[%mul3A_32, %dma_start3A_40] : memref<10240x128xbf16, #tpu.memory_space<vmem_shared>> -> memref<640x128xbf16, #tpu.memory_space<vmem_shared>>
      tpu.enqueue_dma source(%dma_start3A_41 : memref<640x128xbf16, #tpu.memory_space<vmem_shared>>) target(%dma_start3A_39 : memref<640x128xbf16, #tpu.memory_space<hbm>>) target_semaphore(%run_scoped3A_36 : memref<!tpu.dma_semaphore, #tpu.memory_space<semaphore_mem>>)
      %dma_wait3A_42 = arith.constant 0 : i32
      %dma_wait3A_43 = tpu.memref_slice %arg6[%arg0, %run_scoped3A, %mul3A_34, %dma_wait3A_42] : memref<2x1x10240x128xbf16, #tpu.memory_space<hbm>> -> memref<1x1x640x128xbf16, #tpu.memory_space<hbm>>
      %dma_wait3A_44 = tpu.memref_squeeze %dma_wait3A_43 : memref<1x1x640x128xbf16, #tpu.memory_space<hbm>> -> memref<640x128xbf16, #tpu.memory_space<hbm>>
      %dma_wait3A_45 = arith.constant 0 : i32
      %dma_wait3A_46 = tpu.memref_slice %arg10[%mul3A_32, %dma_wait3A_45] : memref<10240x128xbf16, #tpu.memory_space<vmem_shared>> -> memref<640x128xbf16, #tpu.memory_space<vmem_shared>>
      tpu.wait_dma2 semaphore(%run_scoped3A_36 : memref<!tpu.dma_semaphore, #tpu.memory_space<semaphore_mem>>) src(%dma_wait3A_46 : memref<640x128xbf16, #tpu.memory_space<vmem_shared>>) dst(%dma_wait3A_44 : memref<640x128xbf16, #tpu.memory_space<hbm>>)
      tpu.yield
    }) : () -> ()
    %barrier3A_35 = arith.constant 0 : index
    tpu.barrier barrier_id(%barrier3A_35)
    return
  }
}

module attributes {stable_mosaic.version = 14 : i64} {
  func.func @_yprep_kernel(%arg0: i32, %arg1: i32, %arg2: memref<1000x133xbf16, #tpu.memory_space<vmem>>, %arg3: memref<1x133x256xbf16, #tpu.memory_space<vmem>>, %arg4: memref<1x1000x256xbf16, #tpu.memory_space<vmem>>, %arg5: memref<1x1x256xf32, #tpu.memory_space<vmem>>, %arg6: memref<1x1x256xf32, #tpu.memory_space<vmem>>) attributes {dimension_semantics = [#tpu.dimension_semantics<arbitrary>, #tpu.dimension_semantics<arbitrary>], iteration_bounds = array<i64: 4, 10>, scalar_prefetch = 0 : i64, scratch_operands = 0 : i64, tpu.core_type = #tpu.core_type<tc>, window_params = [{transform_indices = @transform_0, window_bounds = array<i64: 1000, 133>}, {transform_indices = @transform_1, window_bounds = array<i64: 1, 133, 256>}, {transform_indices = @transform_2, window_bounds = array<i64: 1, 1000, 256>}, {transform_indices = @transform_3, window_bounds = array<i64: 1, 1, 256>}, {transform_indices = @transform_4, window_bounds = array<i64: 1, 1, 256>}]} {
    %get3A = arith.constant 0 : index
    %get3A_0 = arith.constant 0 : index
    %get3A_1 = vector.load %arg2[%get3A, %get3A_0] : memref<1000x133xbf16, #tpu.memory_space<vmem>>, vector<1000x133xbf16>
    %get3A_2 = arith.constant 0 : index
    %get3A_3 = arith.constant 0 : index
    %get3A_4 = arith.constant 0 : index
    %get3A_5 = vector.load %arg3[%get3A_2, %get3A_3, %get3A_4] : memref<1x133x256xbf16, #tpu.memory_space<vmem>>, vector<1x133x256xbf16>
    %get3A_6 = vector.shape_cast %get3A_5 : vector<1x133x256xbf16> to vector<133x256xbf16>
    %dot_general3A = arith.constant dense<0.000000e+00> : vector<1000x256xf32>
    %dot_general3A_7 = tpu.matmul %get3A_1, %get3A_6, %dot_general3A {dimension_numbers = #tpu.dot_dimension_numbers<[1], [0], [0], [1], [0, 0, 1, 1], [], []>, transpose_lhs_hint = false} : vector<1000x133xbf16>, vector<133x256xbf16>, vector<1000x256xf32> -> vector<1000x256xf32>
    %convert_element_type3A = arith.truncf %dot_general3A_7 : vector<1000x256xf32> to vector<1000x256xbf16>
    %swap3A = arith.constant 0 : index
    %swap3A_8 = arith.constant 0 : index
    %swap3A_9 = arith.constant 0 : index
    %swap3A_10 = vector.load %arg4[%swap3A, %swap3A_8, %swap3A_9] : memref<1x1000x256xbf16, #tpu.memory_space<vmem>>, vector<1x1000x256xbf16>
    %swap3A_11 = vector.shape_cast %swap3A_10 : vector<1x1000x256xbf16> to vector<1000x256xbf16>
    %swap3A_12 = vector.shape_cast %convert_element_type3A : vector<1000x256xbf16> to vector<1x1000x256xbf16>
    tpu.vector_store %arg4[%swap3A, %swap3A_8, %swap3A_9], %swap3A_12 {strides = array<i32>} : memref<1x1000x256xbf16, #tpu.memory_space<vmem>>, vector<1x1000x256xbf16>,
    %eq3A = arith.constant 0 : i32
    %eq3A_13 = arith.cmpi eq, %arg1, %eq3A : i32
    %convert_element_type3A_14 = arith.extui %eq3A_13 : i1 to i32
    %cond3A = arith.constant 0 : i32
    %cond3A_15 = arith.cmpi ne, %convert_element_type3A_14, %cond3A : i32
    scf.if %cond3A_15 {
      %broadcast_in_dim3A_39 = arith.constant 0.000000e+00 : f32
      %broadcast_in_dim3A_40 = vector.broadcast %broadcast_in_dim3A_39 : f32 to vector<1x1x256xf32>
      %swap3A_41 = arith.constant 0 : index
      %swap3A_42 = arith.constant 0 : index
      %swap3A_43 = arith.constant 0 : index
      %swap3A_44 = vector.load %arg5[%swap3A_41, %swap3A_42, %swap3A_43] : memref<1x1x256xf32, #tpu.memory_space<vmem>>, vector<1x1x256xf32>
      tpu.vector_store %arg5[%swap3A_41, %swap3A_42, %swap3A_43], %broadcast_in_dim3A_40 {strides = array<i32>} : memref<1x1x256xf32, #tpu.memory_space<vmem>>, vector<1x1x256xf32>,
      %broadcast_in_dim3A_45 = arith.constant 0.000000e+00 : f32
      %broadcast_in_dim3A_46 = vector.broadcast %broadcast_in_dim3A_45 : f32 to vector<1x1x256xf32>
      %swap3A_47 = arith.constant 0 : index
      %swap3A_48 = arith.constant 0 : index
      %swap3A_49 = arith.constant 0 : index
      %swap3A_50 = vector.load %arg6[%swap3A_47, %swap3A_48, %swap3A_49] : memref<1x1x256xf32, #tpu.memory_space<vmem>>, vector<1x1x256xf32>
      tpu.vector_store %arg6[%swap3A_47, %swap3A_48, %swap3A_49], %broadcast_in_dim3A_46 {strides = array<i32>} : memref<1x1x256xf32, #tpu.memory_space<vmem>>, vector<1x1x256xf32>,
    } else {
    }
    %get3A_16 = arith.constant 0 : index
    %get3A_17 = arith.constant 0 : index
    %get3A_18 = arith.constant 0 : index
    %get3A_19 = vector.load %arg5[%get3A_16, %get3A_17, %get3A_18] : memref<1x1x256xf32, #tpu.memory_space<vmem>>, vector<1x1x256xf32>
    %reduce_sum3A = arith.constant dense<0.000000e+00> : vector<256xf32>
    %reduce_sum3A_20 = vector.multi_reduction <add>, %dot_general3A_7, %reduce_sum3A [0] : vector<1000x256xf32> to vector<256xf32>
    %broadcast_in_dim3A = vector.shape_cast %reduce_sum3A_20 : vector<256xf32> to vector<1x256xf32>
    %broadcast_in_dim3A_21 = vector.shape_cast %broadcast_in_dim3A : vector<1x256xf32> to vector<1x1x256xf32>
    %add3A = arith.addf %get3A_19, %broadcast_in_dim3A_21 : vector<1x1x256xf32>
    %swap3A_22 = arith.constant 0 : index
    %swap3A_23 = arith.constant 0 : index
    %swap3A_24 = arith.constant 0 : index
    %swap3A_25 = vector.load %arg5[%swap3A_22, %swap3A_23, %swap3A_24] : memref<1x1x256xf32, #tpu.memory_space<vmem>>, vector<1x1x256xf32>
    tpu.vector_store %arg5[%swap3A_22, %swap3A_23, %swap3A_24], %add3A {strides = array<i32>} : memref<1x1x256xf32, #tpu.memory_space<vmem>>, vector<1x1x256xf32>,
    %get3A_26 = arith.constant 0 : index
    %get3A_27 = arith.constant 0 : index
    %get3A_28 = arith.constant 0 : index
    %get3A_29 = vector.load %arg6[%get3A_26, %get3A_27, %get3A_28] : memref<1x1x256xf32, #tpu.memory_space<vmem>>, vector<1x1x256xf32>
    %mul3A = arith.mulf %dot_general3A_7, %dot_general3A_7 : vector<1000x256xf32>
    %reduce_sum3A_30 = arith.constant dense<0.000000e+00> : vector<256xf32>
    %reduce_sum3A_31 = vector.multi_reduction <add>, %mul3A, %reduce_sum3A_30 [0] : vector<1000x256xf32> to vector<256xf32>
    %broadcast_in_dim3A_32 = vector.shape_cast %reduce_sum3A_31 : vector<256xf32> to vector<1x256xf32>
    %broadcast_in_dim3A_33 = vector.shape_cast %broadcast_in_dim3A_32 : vector<1x256xf32> to vector<1x1x256xf32>
    %add3A_34 = arith.addf %get3A_29, %broadcast_in_dim3A_33 : vector<1x1x256xf32>
    %swap3A_35 = arith.constant 0 : index
    %swap3A_36 = arith.constant 0 : index
    %swap3A_37 = arith.constant 0 : index
    %swap3A_38 = vector.load %arg6[%swap3A_35, %swap3A_36, %swap3A_37] : memref<1x1x256xf32, #tpu.memory_space<vmem>>, vector<1x1x256xf32>
    tpu.vector_store %arg6[%swap3A_35, %swap3A_36, %swap3A_37], %add3A_34 {strides = array<i32>} : memref<1x1x256xf32, #tpu.memory_space<vmem>>, vector<1x1x256xf32>,
    return
  }
  func.func @transform_0(%arg0: i32, %arg1: i32) -> (i32, i32) {
    %c0_i32 = arith.constant 0 : i32
    %c0_i32_0 = arith.constant 0 : i32
    return %arg1, %c0_i32 : i32, i32
  }
  func.func @transform_1(%arg0: i32, %arg1: i32) -> (i32, i32, i32) {
    %c0_i32 = arith.constant 0 : i32
    %c0_i32_0 = arith.constant 0 : i32
    %c0_i32_1 = arith.constant 0 : i32
    return %arg0, %c0_i32, %c0_i32_0 : i32, i32, i32
  }
  func.func @transform_2(%arg0: i32, %arg1: i32) -> (i32, i32, i32) {
    %c0_i32 = arith.constant 0 : i32
    %c0_i32_0 = arith.constant 0 : i32
    return %arg0, %arg1, %c0_i32 : i32, i32, i32
  }
  func.func @transform_3(%arg0: i32, %arg1: i32) -> (i32, i32, i32) {
    %c0_i32 = arith.constant 0 : i32
    %c0_i32_0 = arith.constant 0 : i32
    %c0_i32_1 = arith.constant 0 : i32
    return %arg0, %c0_i32, %c0_i32_0 : i32, i32, i32
  }
  func.func @transform_4(%arg0: i32, %arg1: i32) -> (i32, i32, i32) {
    %c0_i32 = arith.constant 0 : i32
    %c0_i32_0 = arith.constant 0 : i32
    %c0_i32_1 = arith.constant 0 : i32
    return %arg0, %c0_i32, %c0_i32_0 : i32, i32, i32
  }
}

module attributes {stable_mosaic.version = 14 : i64} {
  func.func @_prep1_kernel(%arg0: i32, %arg1: memref<2000x128xf32, #tpu.memory_space<vmem>>, %arg2: memref<2x2000x16xf32, #tpu.memory_space<vmem>>, %arg3: memref<2000x128xbf16, #tpu.memory_space<vmem>>) attributes {dimension_semantics = [#tpu.dimension_semantics<arbitrary>], iteration_bounds = array<i64: 5>, scalar_prefetch = 0 : i64, scratch_operands = 0 : i64, tpu.core_type = #tpu.core_type<tc>, window_params = [{transform_indices = @transform_0, window_bounds = array<i64: 2000, 128>}, {transform_indices = @transform_1, window_bounds = array<i64: 2, 2000, 16>}, {transform_indices = @transform_2, window_bounds = array<i64: 2000, 128>}]} {
    %get3A = arith.constant 0 : index
    %get3A_0 = arith.constant 0 : index
    %get3A_1 = vector.load %arg1[%get3A, %get3A_0] : memref<2000x128xf32, #tpu.memory_space<vmem>>, vector<2000x128xf32>
    %get3A_2 = arith.constant 0 : index
    %get3A_3 = arith.constant 0 : index
    %get3A_4 = arith.constant 0 : index
    %get3A_5 = vector.load %arg2[%get3A_2, %get3A_3, %get3A_4] : memref<2x2000x16xf32, #tpu.memory_space<vmem>>, vector<1x2000x1xf32>
    %get3A_6 = vector.shape_cast %get3A_5 : vector<1x2000x1xf32> to vector<2000x1xf32>
    %get3A_7 = arith.constant 1 : index
    %get3A_8 = arith.constant 0 : index
    %get3A_9 = arith.constant 0 : index
    %get3A_10 = vector.load %arg2[%get3A_7, %get3A_8, %get3A_9] : memref<2x2000x16xf32, #tpu.memory_space<vmem>>, vector<1x2000x1xf32>
    %get3A_11 = vector.shape_cast %get3A_10 : vector<1x2000x1xf32> to vector<2000x1xf32>
    %add3A = arith.addf %get3A_6, %get3A_11 : vector<2000x1xf32>
    %max3A = arith.constant 9.99999996E-13 : f32
    %max3A_12 = vector.broadcast %max3A : f32 to vector<2000x1xf32>
    %max3A_13 = arith.maximumf %add3A, %max3A_12 : vector<2000x1xf32>
    %rsqrt3A = math.rsqrt %max3A_13 : vector<2000x1xf32>
    %mul3A = vector.broadcast %rsqrt3A : vector<2000x1xf32> to vector<2000x128xf32>
    %mul3A_14 = arith.mulf %get3A_1, %mul3A : vector<2000x128xf32>
    %convert_element_type3A = arith.truncf %mul3A_14 : vector<2000x128xf32> to vector<2000x128xbf16>
    %swap3A = arith.constant 0 : index
    %swap3A_15 = arith.constant 0 : index
    %swap3A_16 = vector.load %arg3[%swap3A, %swap3A_15] : memref<2000x128xbf16, #tpu.memory_space<vmem>>, vector<2000x128xbf16>
    tpu.vector_store %arg3[%swap3A, %swap3A_15], %convert_element_type3A {strides = array<i32>} : memref<2000x128xbf16, #tpu.memory_space<vmem>>, vector<2000x128xbf16>,
    return
  }
  func.func @transform_0(%arg0: i32) -> (i32, i32) {
    %c0_i32 = arith.constant 0 : i32
    %c0_i32_0 = arith.constant 0 : i32
    return %arg0, %c0_i32 : i32, i32
  }
  func.func @transform_1(%arg0: i32) -> (i32, i32, i32) {
    %c0_i32 = arith.constant 0 : i32
    %c0_i32_0 = arith.constant 0 : i32
    %c0_i32_1 = arith.constant 0 : i32
    return %c0_i32, %arg0, %c0_i32_0 : i32, i32, i32
  }
  func.func @transform_2(%arg0: i32) -> (i32, i32) {
    %c0_i32 = arith.constant 0 : i32
    %c0_i32_0 = arith.constant 0 : i32
    return %arg0, %c0_i32 : i32, i32
  }
}

module attributes {stable_mosaic.version = 14 : i64} {
  func.func @_hop_mm_kernel(%arg0: i32, %arg1: memref<200x10000xf32, #tpu.memory_space<vmem>>, %arg2: memref<10000x256xbf16, #tpu.memory_space<vmem>>, %arg3: memref<200x256xf32, #tpu.memory_space<vmem>>, %arg4: memref<1x256xf32, #tpu.memory_space<vmem>>, %arg5: memref<1x256xf32, #tpu.memory_space<vmem>>) attributes {dimension_semantics = [#tpu.dimension_semantics<arbitrary>], iteration_bounds = array<i64: 50>, scalar_prefetch = 0 : i64, scratch_operands = 0 : i64, tpu.core_type = #tpu.core_type<tc>, window_params = [{transform_indices = @transform_0, window_bounds = array<i64: 200, 10000>}, {pipeline_mode = #tpu.pipeline_mode<synchronous>, transform_indices = @transform_1, window_bounds = array<i64: 10000, 256>}, {transform_indices = @transform_2, window_bounds = array<i64: 200, 256>}, {pipeline_mode = #tpu.pipeline_mode<synchronous>, transform_indices = @transform_3, window_bounds = array<i64: 1, 256>}, {pipeline_mode = #tpu.pipeline_mode<synchronous>, transform_indices = @transform_4, window_bounds = array<i64: 1, 256>}]} {
    %get3A = arith.constant 0 : index
    %get3A_0 = arith.constant 0 : index
    %get3A_1 = vector.load %arg1[%get3A, %get3A_0] : memref<200x10000xf32, #tpu.memory_space<vmem>>, vector<200x10000xf32>
    %convert_element_type3A = arith.truncf %get3A_1 : vector<200x10000xf32> to vector<200x10000xbf16>
    %get3A_2 = arith.constant 0 : index
    %get3A_3 = arith.constant 0 : index
    %get3A_4 = vector.load %arg2[%get3A_2, %get3A_3] : memref<10000x256xbf16, #tpu.memory_space<vmem>>, vector<10000x256xbf16>
    %dot_general3A = arith.constant dense<0.000000e+00> : vector<200x256xf32>
    %dot_general3A_5 = tpu.matmul %convert_element_type3A, %get3A_4, %dot_general3A {dimension_numbers = #tpu.dot_dimension_numbers<[1], [0], [0], [1], [0, 0, 1, 1], [], []>, transpose_lhs_hint = false} : vector<200x10000xbf16>, vector<10000x256xbf16>, vector<200x256xf32> -> vector<200x256xf32>
    %swap3A = arith.constant 0 : index
    %swap3A_6 = arith.constant 0 : index
    %swap3A_7 = vector.load %arg3[%swap3A, %swap3A_6] : memref<200x256xf32, #tpu.memory_space<vmem>>, vector<200x256xf32>
    tpu.vector_store %arg3[%swap3A, %swap3A_6], %dot_general3A_5 {strides = array<i32>} : memref<200x256xf32, #tpu.memory_space<vmem>>, vector<200x256xf32>,
    %eq3A = arith.constant 0 : i32
    %eq3A_8 = arith.cmpi eq, %arg0, %eq3A : i32
    %convert_element_type3A_9 = arith.extui %eq3A_8 : i1 to i32
    %cond3A = arith.constant 0 : i32
    %cond3A_10 = arith.cmpi ne, %convert_element_type3A_9, %cond3A : i32
    scf.if %cond3A_10 {
      %broadcast_in_dim3A_28 = arith.constant 0.000000e+00 : f32
      %broadcast_in_dim3A_29 = vector.broadcast %broadcast_in_dim3A_28 : f32 to vector<1x256xf32>
      %swap3A_30 = arith.constant 0 : index
      %swap3A_31 = arith.constant 0 : index
      %swap3A_32 = vector.load %arg4[%swap3A_30, %swap3A_31] : memref<1x256xf32, #tpu.memory_space<vmem>>, vector<1x256xf32>
      tpu.vector_store %arg4[%swap3A_30, %swap3A_31], %broadcast_in_dim3A_29 {strides = array<i32>} : memref<1x256xf32, #tpu.memory_space<vmem>>, vector<1x256xf32>,
      %broadcast_in_dim3A_33 = arith.constant 0.000000e+00 : f32
      %broadcast_in_dim3A_34 = vector.broadcast %broadcast_in_dim3A_33 : f32 to vector<1x256xf32>
      %swap3A_35 = arith.constant 0 : index
      %swap3A_36 = arith.constant 0 : index
      %swap3A_37 = vector.load %arg5[%swap3A_35, %swap3A_36] : memref<1x256xf32, #tpu.memory_space<vmem>>, vector<1x256xf32>
      tpu.vector_store %arg5[%swap3A_35, %swap3A_36], %broadcast_in_dim3A_34 {strides = array<i32>} : memref<1x256xf32, #tpu.memory_space<vmem>>, vector<1x256xf32>,
    } else {
    }
    %get3A_11 = arith.constant 0 : index
    %get3A_12 = arith.constant 0 : index
    %get3A_13 = vector.load %arg4[%get3A_11, %get3A_12] : memref<1x256xf32, #tpu.memory_space<vmem>>, vector<1x256xf32>
    %reduce_sum3A = arith.constant dense<0.000000e+00> : vector<256xf32>
    %reduce_sum3A_14 = vector.multi_reduction <add>, %dot_general3A_5, %reduce_sum3A [0] : vector<200x256xf32> to vector<256xf32>
    %broadcast_in_dim3A = vector.shape_cast %reduce_sum3A_14 : vector<256xf32> to vector<1x256xf32>
    %add3A = arith.addf %get3A_13, %broadcast_in_dim3A : vector<1x256xf32>
    %swap3A_15 = arith.constant 0 : index
    %swap3A_16 = arith.constant 0 : index
    %swap3A_17 = vector.load %arg4[%swap3A_15, %swap3A_16] : memref<1x256xf32, #tpu.memory_space<vmem>>, vector<1x256xf32>
    tpu.vector_store %arg4[%swap3A_15, %swap3A_16], %add3A {strides = array<i32>} : memref<1x256xf32, #tpu.memory_space<vmem>>, vector<1x256xf32>,
    %get3A_18 = arith.constant 0 : index
    %get3A_19 = arith.constant 0 : index
    %get3A_20 = vector.load %arg5[%get3A_18, %get3A_19] : memref<1x256xf32, #tpu.memory_space<vmem>>, vector<1x256xf32>
    %mul3A = arith.mulf %dot_general3A_5, %dot_general3A_5 : vector<200x256xf32>
    %reduce_sum3A_21 = arith.constant dense<0.000000e+00> : vector<256xf32>
    %reduce_sum3A_22 = vector.multi_reduction <add>, %mul3A, %reduce_sum3A_21 [0] : vector<200x256xf32> to vector<256xf32>
    %broadcast_in_dim3A_23 = vector.shape_cast %reduce_sum3A_22 : vector<256xf32> to vector<1x256xf32>
    %add3A_24 = arith.addf %get3A_20, %broadcast_in_dim3A_23 : vector<1x256xf32>
    %swap3A_25 = arith.constant 0 : index
    %swap3A_26 = arith.constant 0 : index
    %swap3A_27 = vector.load %arg5[%swap3A_25, %swap3A_26] : memref<1x256xf32, #tpu.memory_space<vmem>>, vector<1x256xf32>
    tpu.vector_store %arg5[%swap3A_25, %swap3A_26], %add3A_24 {strides = array<i32>} : memref<1x256xf32, #tpu.memory_space<vmem>>, vector<1x256xf32>,
    return
  }
  func.func @transform_0(%arg0: i32) -> (i32, i32) {
    %c0_i32 = arith.constant 0 : i32
    %c0_i32_0 = arith.constant 0 : i32
    return %arg0, %c0_i32 : i32, i32
  }
  func.func @transform_1(%arg0: i32) -> (i32, i32) {
    %c0_i32 = arith.constant 0 : i32
    %c0_i32_0 = arith.constant 0 : i32
    %c0_i32_1 = arith.constant 0 : i32
    return %c0_i32, %c0_i32_0 : i32, i32
  }
  func.func @transform_2(%arg0: i32) -> (i32, i32) {
    %c0_i32 = arith.constant 0 : i32
    %c0_i32_0 = arith.constant 0 : i32
    return %arg0, %c0_i32 : i32, i32
  }
  func.func @transform_3(%arg0: i32) -> (i32, i32) {
    %c0_i32 = arith.constant 0 : i32
    %c0_i32_0 = arith.constant 0 : i32
    %c0_i32_1 = arith.constant 0 : i32
    return %c0_i32, %c0_i32_0 : i32, i32
  }
  func.func @transform_4(%arg0: i32) -> (i32, i32) {
    %c0_i32 = arith.constant 0 : i32
    %c0_i32_0 = arith.constant 0 : i32
    %c0_i32_1 = arith.constant 0 : i32
    return %c0_i32, %c0_i32_0 : i32, i32
  }
}

module attributes {stable_mosaic.version = 14 : i64} {
  func.func @_prep2_kernel(%arg0: i32, %arg1: memref<2x1x2000x128xbf16, #tpu.memory_space<vmem>>, %arg2: memref<2x2000x16xf32, #tpu.memory_space<vmem>>, %arg3: memref<128x256xf32, #tpu.memory_space<vmem>>, %arg4: memref<1x256xf32, #tpu.memory_space<vmem>>, %arg5: memref<256x128xf32, #tpu.memory_space<vmem>>, %arg6: memref<2000x128xbf16, #tpu.memory_space<vmem>>) attributes {dimension_semantics = [#tpu.dimension_semantics<arbitrary>], iteration_bounds = array<i64: 5>, scalar_prefetch = 0 : i64, scratch_operands = 0 : i64, tpu.core_type = #tpu.core_type<tc>, window_params = [{transform_indices = @transform_0, window_bounds = array<i64: 2, 1, 2000, 128>}, {transform_indices = @transform_1, window_bounds = array<i64: 2, 2000, 16>}, {pipeline_mode = #tpu.pipeline_mode<synchronous>, transform_indices = @transform_2, window_bounds = array<i64: 128, 256>}, {pipeline_mode = #tpu.pipeline_mode<synchronous>, transform_indices = @transform_3, window_bounds = array<i64: 1, 256>}, {pipeline_mode = #tpu.pipeline_mode<synchronous>, transform_indices = @transform_4, window_bounds = array<i64: 256, 128>}, {transform_indices = @transform_5, window_bounds = array<i64: 2000, 128>}]} {
    %get3A = arith.constant 0 : index
    %get3A_0 = arith.constant 0 : index
    %get3A_1 = arith.constant 0 : index
    %get3A_2 = vector.load %arg2[%get3A, %get3A_0, %get3A_1] : memref<2x2000x16xf32, #tpu.memory_space<vmem>>, vector<1x2000x1xf32>
    %get3A_3 = vector.shape_cast %get3A_2 : vector<1x2000x1xf32> to vector<2000x1xf32>
    %get3A_4 = arith.constant 1 : index
    %get3A_5 = arith.constant 0 : index
    %get3A_6 = arith.constant 0 : index
    %get3A_7 = vector.load %arg2[%get3A_4, %get3A_5, %get3A_6] : memref<2x2000x16xf32, #tpu.memory_space<vmem>>, vector<1x2000x1xf32>
    %get3A_8 = vector.shape_cast %get3A_7 : vector<1x2000x1xf32> to vector<2000x1xf32>
    %add3A = arith.addf %get3A_3, %get3A_8 : vector<2000x1xf32>
    %max3A = arith.constant 9.99999996E-13 : f32
    %max3A_9 = vector.broadcast %max3A : f32 to vector<2000x1xf32>
    %max3A_10 = arith.maximumf %add3A, %max3A_9 : vector<2000x1xf32>
    %rsqrt3A = math.rsqrt %max3A_10 : vector<2000x1xf32>
    %get3A_11 = arith.constant 0 : index
    %get3A_12 = arith.constant 0 : index
    %get3A_13 = arith.constant 0 : index
    %get3A_14 = arith.constant 0 : index
    %get3A_15 = vector.load %arg1[%get3A_11, %get3A_12, %get3A_13, %get3A_14] : memref<2x1x2000x128xbf16, #tpu.memory_space<vmem>>, vector<1x1x2000x128xbf16>
    %get3A_16 = vector.shape_cast %get3A_15 : vector<1x1x2000x128xbf16> to vector<2000x128xbf16>
    %convert_element_type3A = arith.extf %get3A_16 : vector<2000x128xbf16> to vector<2000x128xf32>
    %get3A_17 = arith.constant 1 : index
    %get3A_18 = arith.constant 0 : index
    %get3A_19 = arith.constant 0 : index
    %get3A_20 = arith.constant 0 : index
    %get3A_21 = vector.load %arg1[%get3A_17, %get3A_18, %get3A_19, %get3A_20] : memref<2x1x2000x128xbf16, #tpu.memory_space<vmem>>, vector<1x1x2000x128xbf16>
    %get3A_22 = vector.shape_cast %get3A_21 : vector<1x1x2000x128xbf16> to vector<2000x128xbf16>
    %convert_element_type3A_23 = arith.extf %get3A_22 : vector<2000x128xbf16> to vector<2000x128xf32>
    %add3A_24 = arith.addf %convert_element_type3A, %convert_element_type3A_23 : vector<2000x128xf32>
    %mul3A = vector.broadcast %rsqrt3A : vector<2000x1xf32> to vector<2000x128xf32>
    %mul3A_25 = arith.mulf %add3A_24, %mul3A : vector<2000x128xf32>
    %get3A_26 = arith.constant 0 : index
    %get3A_27 = arith.constant 0 : index
    %get3A_28 = vector.load %arg3[%get3A_26, %get3A_27] : memref<128x256xf32, #tpu.memory_space<vmem>>, vector<128x256xf32>
    %dot_general3A = arith.constant dense<0.000000e+00> : vector<2000x256xf32>
    %dot_general3A_29 = tpu.matmul %mul3A_25, %get3A_28, %dot_general3A {dimension_numbers = #tpu.dot_dimension_numbers<[1], [0], [0], [1], [0, 0, 1, 1], [], []>, transpose_lhs_hint = false} : vector<2000x128xf32>, vector<128x256xf32>, vector<2000x256xf32> -> vector<2000x256xf32>
    %get3A_30 = arith.constant 0 : index
    %get3A_31 = arith.constant 0 : index
    %get3A_32 = vector.load %arg4[%get3A_30, %get3A_31] : memref<1x256xf32, #tpu.memory_space<vmem>>, vector<1x256xf32>
    %add3A_33 = vector.broadcast %get3A_32 : vector<1x256xf32> to vector<2000x256xf32>
    %add3A_34 = arith.addf %dot_general3A_29, %add3A_33 : vector<2000x256xf32>
    %max3A_35 = arith.constant 0.000000e+00 : f32
    %max3A_36 = vector.broadcast %max3A_35 : f32 to vector<2000x256xf32>
    %max3A_37 = arith.maximumf %add3A_34, %max3A_36 : vector<2000x256xf32>
    %get3A_38 = arith.constant 0 : index
    %get3A_39 = arith.constant 0 : index
    %get3A_40 = vector.load %arg5[%get3A_38, %get3A_39] : memref<256x128xf32, #tpu.memory_space<vmem>>, vector<256x128xf32>
    %dot_general3A_41 = arith.constant dense<0.000000e+00> : vector<2000x128xf32>
    %dot_general3A_42 = tpu.matmul %max3A_37, %get3A_40, %dot_general3A_41 {dimension_numbers = #tpu.dot_dimension_numbers<[1], [0], [0], [1], [0, 0, 1, 1], [], []>, transpose_lhs_hint = false} : vector<2000x256xf32>, vector<256x128xf32>, vector<2000x128xf32> -> vector<2000x128xf32>
    %mul3A_43 = vector.broadcast %rsqrt3A : vector<2000x1xf32> to vector<2000x128xf32>
    %mul3A_44 = arith.mulf %dot_general3A_42, %mul3A_43 : vector<2000x128xf32>
    %convert_element_type3A_45 = arith.truncf %mul3A_44 : vector<2000x128xf32> to vector<2000x128xbf16>
    %swap3A = arith.constant 0 : index
    %swap3A_46 = arith.constant 0 : index
    %swap3A_47 = vector.load %arg6[%swap3A, %swap3A_46] : memref<2000x128xbf16, #tpu.memory_space<vmem>>, vector<2000x128xbf16>
    tpu.vector_store %arg6[%swap3A, %swap3A_46], %convert_element_type3A_45 {strides = array<i32>} : memref<2000x128xbf16, #tpu.memory_space<vmem>>, vector<2000x128xbf16>,
    return
  }
  func.func @transform_0(%arg0: i32) -> (i32, i32, i32, i32) {
    %c0_i32 = arith.constant 0 : i32
    %c0_i32_0 = arith.constant 0 : i32
    %c0_i32_1 = arith.constant 0 : i32
    %c0_i32_2 = arith.constant 0 : i32
    return %c0_i32, %c0_i32_0, %arg0, %c0_i32_1 : i32, i32, i32, i32
  }
  func.func @transform_1(%arg0: i32) -> (i32, i32, i32) {
    %c0_i32 = arith.constant 0 : i32
    %c0_i32_0 = arith.constant 0 : i32
    %c0_i32_1 = arith.constant 0 : i32
    return %c0_i32, %arg0, %c0_i32_0 : i32, i32, i32
  }
  func.func @transform_2(%arg0: i32) -> (i32, i32) {
    %c0_i32 = arith.constant 0 : i32
    %c0_i32_0 = arith.constant 0 : i32
    %c0_i32_1 = arith.constant 0 : i32
    return %c0_i32, %c0_i32_0 : i32, i32
  }
  func.func @transform_3(%arg0: i32) -> (i32, i32) {
    %c0_i32 = arith.constant 0 : i32
    %c0_i32_0 = arith.constant 0 : i32
    %c0_i32_1 = arith.constant 0 : i32
    return %c0_i32, %c0_i32_0 : i32, i32
  }
  func.func @transform_4(%arg0: i32) -> (i32, i32) {
    %c0_i32 = arith.constant 0 : i32
    %c0_i32_0 = arith.constant 0 : i32
    %c0_i32_1 = arith.constant 0 : i32
    return %c0_i32, %c0_i32_0 : i32, i32
  }
  func.func @transform_5(%arg0: i32) -> (i32, i32) {
    %c0_i32 = arith.constant 0 : i32
    %c0_i32_0 = arith.constant 0 : i32
    return %arg0, %c0_i32 : i32, i32
  }
}

module attributes {stable_mosaic.version = 14 : i64} {
  func.func @_prep23_kernel(%arg0: i32, %arg1: memref<2x1x2000x128xbf16, #tpu.memory_space<vmem>>, %arg2: memref<2x2000x16xf32, #tpu.memory_space<vmem>>, %arg3: memref<128x128xf32, #tpu.memory_space<vmem>>, %arg4: memref<1x128xf32, #tpu.memory_space<vmem>>, %arg5: memref<2000x128xbf16, #tpu.memory_space<vmem>>) attributes {dimension_semantics = [#tpu.dimension_semantics<arbitrary>], iteration_bounds = array<i64: 5>, scalar_prefetch = 0 : i64, scratch_operands = 0 : i64, tpu.core_type = #tpu.core_type<tc>, window_params = [{transform_indices = @transform_0, window_bounds = array<i64: 2, 1, 2000, 128>}, {transform_indices = @transform_1, window_bounds = array<i64: 2, 2000, 16>}, {pipeline_mode = #tpu.pipeline_mode<synchronous>, transform_indices = @transform_2, window_bounds = array<i64: 128, 128>}, {pipeline_mode = #tpu.pipeline_mode<synchronous>, transform_indices = @transform_3, window_bounds = array<i64: 1, 128>}, {transform_indices = @transform_4, window_bounds = array<i64: 2000, 128>}]} {
    %get3A = arith.constant 0 : index
    %get3A_0 = arith.constant 0 : index
    %get3A_1 = arith.constant 0 : index
    %get3A_2 = vector.load %arg2[%get3A, %get3A_0, %get3A_1] : memref<2x2000x16xf32, #tpu.memory_space<vmem>>, vector<1x2000x1xf32>
    %get3A_3 = vector.shape_cast %get3A_2 : vector<1x2000x1xf32> to vector<2000x1xf32>
    %get3A_4 = arith.constant 1 : index
    %get3A_5 = arith.constant 0 : index
    %get3A_6 = arith.constant 0 : index
    %get3A_7 = vector.load %arg2[%get3A_4, %get3A_5, %get3A_6] : memref<2x2000x16xf32, #tpu.memory_space<vmem>>, vector<1x2000x1xf32>
    %get3A_8 = vector.shape_cast %get3A_7 : vector<1x2000x1xf32> to vector<2000x1xf32>
    %add3A = arith.addf %get3A_3, %get3A_8 : vector<2000x1xf32>
    %max3A = arith.constant 9.99999996E-13 : f32
    %max3A_9 = vector.broadcast %max3A : f32 to vector<2000x1xf32>
    %max3A_10 = arith.maximumf %add3A, %max3A_9 : vector<2000x1xf32>
    %rsqrt3A = math.rsqrt %max3A_10 : vector<2000x1xf32>
    %get3A_11 = arith.constant 0 : index
    %get3A_12 = arith.constant 0 : index
    %get3A_13 = arith.constant 0 : index
    %get3A_14 = arith.constant 0 : index
    %get3A_15 = vector.load %arg1[%get3A_11, %get3A_12, %get3A_13, %get3A_14] : memref<2x1x2000x128xbf16, #tpu.memory_space<vmem>>, vector<1x1x2000x128xbf16>
    %get3A_16 = vector.shape_cast %get3A_15 : vector<1x1x2000x128xbf16> to vector<2000x128xbf16>
    %convert_element_type3A = arith.extf %get3A_16 : vector<2000x128xbf16> to vector<2000x128xf32>
    %get3A_17 = arith.constant 1 : index
    %get3A_18 = arith.constant 0 : index
    %get3A_19 = arith.constant 0 : index
    %get3A_20 = arith.constant 0 : index
    %get3A_21 = vector.load %arg1[%get3A_17, %get3A_18, %get3A_19, %get3A_20] : memref<2x1x2000x128xbf16, #tpu.memory_space<vmem>>, vector<1x1x2000x128xbf16>
    %get3A_22 = vector.shape_cast %get3A_21 : vector<1x1x2000x128xbf16> to vector<2000x128xbf16>
    %convert_element_type3A_23 = arith.extf %get3A_22 : vector<2000x128xbf16> to vector<2000x128xf32>
    %add3A_24 = arith.addf %convert_element_type3A, %convert_element_type3A_23 : vector<2000x128xf32>
    %mul3A = vector.broadcast %rsqrt3A : vector<2000x1xf32> to vector<2000x128xf32>
    %mul3A_25 = arith.mulf %add3A_24, %mul3A : vector<2000x128xf32>
    %get3A_26 = arith.constant 0 : index
    %get3A_27 = arith.constant 0 : index
    %get3A_28 = vector.load %arg4[%get3A_26, %get3A_27] : memref<1x128xf32, #tpu.memory_space<vmem>>, vector<1x128xf32>
    %add3A_29 = vector.broadcast %get3A_28 : vector<1x128xf32> to vector<2000x128xf32>
    %add3A_30 = arith.addf %mul3A_25, %add3A_29 : vector<2000x128xf32>
    %max3A_31 = arith.constant 0.000000e+00 : f32
    %max3A_32 = vector.broadcast %max3A_31 : f32 to vector<2000x128xf32>
    %max3A_33 = arith.maximumf %add3A_30, %max3A_32 : vector<2000x128xf32>
    %get3A_34 = arith.constant 0 : index
    %get3A_35 = arith.constant 0 : index
    %get3A_36 = vector.load %arg3[%get3A_34, %get3A_35] : memref<128x128xf32, #tpu.memory_space<vmem>>, vector<128x128xf32>
    %dot_general3A = arith.constant dense<0.000000e+00> : vector<2000x128xf32>
    %dot_general3A_37 = tpu.matmul %max3A_33, %get3A_36, %dot_general3A {dimension_numbers = #tpu.dot_dimension_numbers<[1], [0], [0], [1], [0, 0, 1, 1], [], []>, transpose_lhs_hint = false} : vector<2000x128xf32>, vector<128x128xf32>, vector<2000x128xf32> -> vector<2000x128xf32>
    %mul3A_38 = vector.broadcast %rsqrt3A : vector<2000x1xf32> to vector<2000x128xf32>
    %mul3A_39 = arith.mulf %dot_general3A_37, %mul3A_38 : vector<2000x128xf32>
    %convert_element_type3A_40 = arith.truncf %mul3A_39 : vector<2000x128xf32> to vector<2000x128xbf16>
    %swap3A = arith.constant 0 : index
    %swap3A_41 = arith.constant 0 : index
    %swap3A_42 = vector.load %arg5[%swap3A, %swap3A_41] : memref<2000x128xbf16, #tpu.memory_space<vmem>>, vector<2000x128xbf16>
    tpu.vector_store %arg5[%swap3A, %swap3A_41], %convert_element_type3A_40 {strides = array<i32>} : memref<2000x128xbf16, #tpu.memory_space<vmem>>, vector<2000x128xbf16>,
    return
  }
  func.func @transform_0(%arg0: i32) -> (i32, i32, i32, i32) {
    %c0_i32 = arith.constant 0 : i32
    %c0_i32_0 = arith.constant 0 : i32
    %c0_i32_1 = arith.constant 0 : i32
    %c0_i32_2 = arith.constant 0 : i32
    return %c0_i32, %c0_i32_0, %arg0, %c0_i32_1 : i32, i32, i32, i32
  }
  func.func @transform_1(%arg0: i32) -> (i32, i32, i32) {
    %c0_i32 = arith.constant 0 : i32
    %c0_i32_0 = arith.constant 0 : i32
    %c0_i32_1 = arith.constant 0 : i32
    return %c0_i32, %arg0, %c0_i32_0 : i32, i32, i32
  }
  func.func @transform_2(%arg0: i32) -> (i32, i32) {
    %c0_i32 = arith.constant 0 : i32
    %c0_i32_0 = arith.constant 0 : i32
    %c0_i32_1 = arith.constant 0 : i32
    return %c0_i32, %c0_i32_0 : i32, i32
  }
  func.func @transform_3(%arg0: i32) -> (i32, i32) {
    %c0_i32 = arith.constant 0 : i32
    %c0_i32_0 = arith.constant 0 : i32
    %c0_i32_1 = arith.constant 0 : i32
    return %c0_i32, %c0_i32_0 : i32, i32
  }
  func.func @transform_4(%arg0: i32) -> (i32, i32) {
    %c0_i32 = arith.constant 0 : i32
    %c0_i32_0 = arith.constant 0 : i32
    return %arg0, %c0_i32 : i32, i32
  }
}

module attributes {stable_mosaic.version = 14 : i64} {
  func.func @_passb_kernel(%arg0: i32, %arg1: memref<1000x256xf32, #tpu.memory_space<vmem>>, %arg2: memref<1x256xf32, #tpu.memory_space<vmem>>, %arg3: memref<1x256xf32, #tpu.memory_space<vmem>>, %arg4: memref<1x256xf32, #tpu.memory_space<vmem>>, %arg5: memref<1x256xf32, #tpu.memory_space<vmem>>, %arg6: memref<256x128xbf16, #tpu.memory_space<vmem>>, %arg7: memref<1000x128xf32, #tpu.memory_space<vmem>>, %arg8: memref<1x128xf32, #tpu.memory_space<vmem>>, %arg9: memref<1x128xf32, #tpu.memory_space<vmem>>) attributes {dimension_semantics = [#tpu.dimension_semantics<arbitrary>], iteration_bounds = array<i64: 10>, scalar_prefetch = 0 : i64, scratch_operands = 0 : i64, tpu.core_type = #tpu.core_type<tc>, window_params = [{transform_indices = @transform_0, window_bounds = array<i64: 1000, 256>}, {pipeline_mode = #tpu.pipeline_mode<synchronous>, transform_indices = @transform_1, window_bounds = array<i64: 1, 256>}, {pipeline_mode = #tpu.pipeline_mode<synchronous>, transform_indices = @transform_2, window_bounds = array<i64: 1, 256>}, {pipeline_mode = #tpu.pipeline_mode<synchronous>, transform_indices = @transform_3, window_bounds = array<i64: 1, 256>}, {pipeline_mode = #tpu.pipeline_mode<synchronous>, transform_indices = @transform_4, window_bounds = array<i64: 1, 256>}, {pipeline_mode = #tpu.pipeline_mode<synchronous>, transform_indices = @transform_5, window_bounds = array<i64: 256, 128>}, {transform_indices = @transform_6, window_bounds = array<i64: 1000, 128>}, {pipeline_mode = #tpu.pipeline_mode<synchronous>, transform_indices = @transform_7, window_bounds = array<i64: 1, 128>}, {pipeline_mode = #tpu.pipeline_mode<synchronous>, transform_indices = @transform_8, window_bounds = array<i64: 1, 128>}]} {
    %get3A = arith.constant 0 : index
    %get3A_0 = arith.constant 0 : index
    %get3A_1 = vector.load %arg1[%get3A, %get3A_0] : memref<1000x256xf32, #tpu.memory_space<vmem>>, vector<1000x256xf32>
    %get3A_2 = arith.constant 0 : index
    %get3A_3 = arith.constant 0 : index
    %get3A_4 = vector.load %arg2[%get3A_2, %get3A_3] : memref<1x256xf32, #tpu.memory_space<vmem>>, vector<1x256xf32>
    %sub3A = vector.broadcast %get3A_4 : vector<1x256xf32> to vector<1000x256xf32>
    %sub3A_5 = arith.subf %get3A_1, %sub3A : vector<1000x256xf32>
    %get3A_6 = arith.constant 0 : index
    %get3A_7 = arith.constant 0 : index
    %get3A_8 = vector.load %arg3[%get3A_6, %get3A_7] : memref<1x256xf32, #tpu.memory_space<vmem>>, vector<1x256xf32>
    %mul3A = vector.broadcast %get3A_8 : vector<1x256xf32> to vector<1000x256xf32>
    %mul3A_9 = arith.mulf %sub3A_5, %mul3A : vector<1000x256xf32>
    %get3A_10 = arith.constant 0 : index
    %get3A_11 = arith.constant 0 : index
    %get3A_12 = vector.load %arg4[%get3A_10, %get3A_11] : memref<1x256xf32, #tpu.memory_space<vmem>>, vector<1x256xf32>
    %mul3A_13 = vector.broadcast %get3A_12 : vector<1x256xf32> to vector<1000x256xf32>
    %mul3A_14 = arith.mulf %mul3A_9, %mul3A_13 : vector<1000x256xf32>
    %get3A_15 = arith.constant 0 : index
    %get3A_16 = arith.constant 0 : index
    %get3A_17 = vector.load %arg5[%get3A_15, %get3A_16] : memref<1x256xf32, #tpu.memory_space<vmem>>, vector<1x256xf32>
    %add3A = vector.broadcast %get3A_17 : vector<1x256xf32> to vector<1000x256xf32>
    %add3A_18 = arith.addf %mul3A_14, %add3A : vector<1000x256xf32>
    %max3A = arith.constant 0.000000e+00 : f32
    %max3A_19 = vector.broadcast %max3A : f32 to vector<1000x256xf32>
    %max3A_20 = arith.maximumf %add3A_18, %max3A_19 : vector<1000x256xf32>
    %convert_element_type3A = arith.truncf %max3A_20 : vector<1000x256xf32> to vector<1000x256xbf16>
    %get3A_21 = arith.constant 0 : index
    %get3A_22 = arith.constant 0 : index
    %get3A_23 = vector.load %arg6[%get3A_21, %get3A_22] : memref<256x128xbf16, #tpu.memory_space<vmem>>, vector<256x128xbf16>
    %dot_general3A = arith.constant dense<0.000000e+00> : vector<1000x128xf32>
    %dot_general3A_24 = tpu.matmul %convert_element_type3A, %get3A_23, %dot_general3A {dimension_numbers = #tpu.dot_dimension_numbers<[1], [0], [0], [1], [0, 0, 1, 1], [], []>, transpose_lhs_hint = false} : vector<1000x256xbf16>, vector<256x128xbf16>, vector<1000x128xf32> -> vector<1000x128xf32>
    %swap3A = arith.constant 0 : index
    %swap3A_25 = arith.constant 0 : index
    %swap3A_26 = vector.load %arg7[%swap3A, %swap3A_25] : memref<1000x128xf32, #tpu.memory_space<vmem>>, vector<1000x128xf32>
    tpu.vector_store %arg7[%swap3A, %swap3A_25], %dot_general3A_24 {strides = array<i32>} : memref<1000x128xf32, #tpu.memory_space<vmem>>, vector<1000x128xf32>,
    %eq3A = arith.constant 0 : i32
    %eq3A_27 = arith.cmpi eq, %arg0, %eq3A : i32
    %convert_element_type3A_28 = arith.extui %eq3A_27 : i1 to i32
    %cond3A = arith.constant 0 : i32
    %cond3A_29 = arith.cmpi ne, %convert_element_type3A_28, %cond3A : i32
    scf.if %cond3A_29 {
      %broadcast_in_dim3A_49 = arith.constant 0.000000e+00 : f32
      %broadcast_in_dim3A_50 = vector.broadcast %broadcast_in_dim3A_49 : f32 to vector<1x128xf32>
      %swap3A_51 = arith.constant 0 : index
      %swap3A_52 = arith.constant 0 : index
      %swap3A_53 = vector.load %arg8[%swap3A_51, %swap3A_52] : memref<1x128xf32, #tpu.memory_space<vmem>>, vector<1x128xf32>
      tpu.vector_store %arg8[%swap3A_51, %swap3A_52], %broadcast_in_dim3A_50 {strides = array<i32>} : memref<1x128xf32, #tpu.memory_space<vmem>>, vector<1x128xf32>,
      %broadcast_in_dim3A_54 = arith.constant 0.000000e+00 : f32
      %broadcast_in_dim3A_55 = vector.broadcast %broadcast_in_dim3A_54 : f32 to vector<1x128xf32>
      %swap3A_56 = arith.constant 0 : index
      %swap3A_57 = arith.constant 0 : index
      %swap3A_58 = vector.load %arg9[%swap3A_56, %swap3A_57] : memref<1x128xf32, #tpu.memory_space<vmem>>, vector<1x128xf32>
      tpu.vector_store %arg9[%swap3A_56, %swap3A_57], %broadcast_in_dim3A_55 {strides = array<i32>} : memref<1x128xf32, #tpu.memory_space<vmem>>, vector<1x128xf32>,
    } else {
    }
    %get3A_30 = arith.constant 0 : index
    %get3A_31 = arith.constant 0 : index
    %get3A_32 = vector.load %arg8[%get3A_30, %get3A_31] : memref<1x128xf32, #tpu.memory_space<vmem>>, vector<1x128xf32>
    %reduce_sum3A = arith.constant dense<0.000000e+00> : vector<128xf32>
    %reduce_sum3A_33 = vector.multi_reduction <add>, %dot_general3A_24, %reduce_sum3A [0] : vector<1000x128xf32> to vector<128xf32>
    %broadcast_in_dim3A = vector.shape_cast %reduce_sum3A_33 : vector<128xf32> to vector<1x128xf32>
    %add3A_34 = arith.addf %get3A_32, %broadcast_in_dim3A : vector<1x128xf32>
    %swap3A_35 = arith.constant 0 : index
    %swap3A_36 = arith.constant 0 : index
    %swap3A_37 = vector.load %arg8[%swap3A_35, %swap3A_36] : memref<1x128xf32, #tpu.memory_space<vmem>>, vector<1x128xf32>
    tpu.vector_store %arg8[%swap3A_35, %swap3A_36], %add3A_34 {strides = array<i32>} : memref<1x128xf32, #tpu.memory_space<vmem>>, vector<1x128xf32>,
    %get3A_38 = arith.constant 0 : index
    %get3A_39 = arith.constant 0 : index
    %get3A_40 = vector.load %arg9[%get3A_38, %get3A_39] : memref<1x128xf32, #tpu.memory_space<vmem>>, vector<1x128xf32>
    %mul3A_41 = arith.mulf %dot_general3A_24, %dot_general3A_24 : vector<1000x128xf32>
    %reduce_sum3A_42 = arith.constant dense<0.000000e+00> : vector<128xf32>
    %reduce_sum3A_43 = vector.multi_reduction <add>, %mul3A_41, %reduce_sum3A_42 [0] : vector<1000x128xf32> to vector<128xf32>
    %broadcast_in_dim3A_44 = vector.shape_cast %reduce_sum3A_43 : vector<128xf32> to vector<1x128xf32>
    %add3A_45 = arith.addf %get3A_40, %broadcast_in_dim3A_44 : vector<1x128xf32>
    %swap3A_46 = arith.constant 0 : index
    %swap3A_47 = arith.constant 0 : index
    %swap3A_48 = vector.load %arg9[%swap3A_46, %swap3A_47] : memref<1x128xf32, #tpu.memory_space<vmem>>, vector<1x128xf32>
    tpu.vector_store %arg9[%swap3A_46, %swap3A_47], %add3A_45 {strides = array<i32>} : memref<1x128xf32, #tpu.memory_space<vmem>>, vector<1x128xf32>,
    return
  }
  func.func @transform_0(%arg0: i32) -> (i32, i32) {
    %c0_i32 = arith.constant 0 : i32
    %c0_i32_0 = arith.constant 0 : i32
    return %arg0, %c0_i32 : i32, i32
  }
  func.func @transform_1(%arg0: i32) -> (i32, i32) {
    %c0_i32 = arith.constant 0 : i32
    %c0_i32_0 = arith.constant 0 : i32
    %c0_i32_1 = arith.constant 0 : i32
    return %c0_i32, %c0_i32_0 : i32, i32
  }
  func.func @transform_2(%arg0: i32) -> (i32, i32) {
    %c0_i32 = arith.constant 0 : i32
    %c0_i32_0 = arith.constant 0 : i32
    %c0_i32_1 = arith.constant 0 : i32
    return %c0_i32, %c0_i32_0 : i32, i32
  }
  func.func @transform_3(%arg0: i32) -> (i32, i32) {
    %c0_i32 = arith.constant 0 : i32
    %c0_i32_0 = arith.constant 0 : i32
    %c0_i32_1 = arith.constant 0 : i32
    return %c0_i32, %c0_i32_0 : i32, i32
  }
  func.func @transform_4(%arg0: i32) -> (i32, i32) {
    %c0_i32 = arith.constant 0 : i32
    %c0_i32_0 = arith.constant 0 : i32
    %c0_i32_1 = arith.constant 0 : i32
    return %c0_i32, %c0_i32_0 : i32, i32
  }
  func.func @transform_5(%arg0: i32) -> (i32, i32) {
    %c0_i32 = arith.constant 0 : i32
    %c0_i32_0 = arith.constant 0 : i32
    %c0_i32_1 = arith.constant 0 : i32
    return %c0_i32, %c0_i32_0 : i32, i32
  }
  func.func @transform_6(%arg0: i32) -> (i32, i32) {
    %c0_i32 = arith.constant 0 : i32
    %c0_i32_0 = arith.constant 0 : i32
    return %arg0, %c0_i32 : i32, i32
  }
  func.func @transform_7(%arg0: i32) -> (i32, i32) {
    %c0_i32 = arith.constant 0 : i32
    %c0_i32_0 = arith.constant 0 : i32
    %c0_i32_1 = arith.constant 0 : i32
    return %c0_i32, %c0_i32_0 : i32, i32
  }
  func.func @transform_8(%arg0: i32) -> (i32, i32) {
    %c0_i32 = arith.constant 0 : i32
    %c0_i32_0 = arith.constant 0 : i32
    %c0_i32_1 = arith.constant 0 : i32
    return %c0_i32, %c0_i32_0 : i32, i32
  }
}

module attributes {stable_mosaic.version = 14 : i64} {
  func.func @_passc_kernel(%arg0: i32, %arg1: memref<1000x128xf32, #tpu.memory_space<vmem>>, %arg2: memref<1000x128xf32, #tpu.memory_space<vmem>>, %arg3: memref<1000x128xf32, #tpu.memory_space<vmem>>, %arg4: memref<1000x128xf32, #tpu.memory_space<vmem>>, %arg5: memref<4x1x128xf32, #tpu.memory_space<vmem>>, %arg6: memref<4x1x128xf32, #tpu.memory_space<vmem>>, %arg7: memref<4x1x128xf32, #tpu.memory_space<vmem>>, %arg8: memref<4x1x128xf32, #tpu.memory_space<vmem>>, %arg9: memref<4x128x128xbf16, #tpu.memory_space<vmem>>, %arg10: memref<1x128xf32, #tpu.memory_space<vmem>>, %arg11: memref<2x1x1000x128xbf16, #tpu.memory_space<vmem>>, %arg12: memref<2x1000x16xf32, #tpu.memory_space<vmem>>, %arg13: memref<1x128xf32, #tpu.memory_space<vmem>>, %arg14: memref<1000x256xf32, #tpu.memory_space<vmem>>) attributes {dimension_semantics = [#tpu.dimension_semantics<arbitrary>], iteration_bounds = array<i64: 10>, scalar_prefetch = 0 : i64, scratch_operands = 0 : i64, tpu.core_type = #tpu.core_type<tc>, window_params = [{transform_indices = @transform_0, window_bounds = array<i64: 1000, 128>}, {transform_indices = @transform_1, window_bounds = array<i64: 1000, 128>}, {transform_indices = @transform_2, window_bounds = array<i64: 1000, 128>}, {transform_indices = @transform_3, window_bounds = array<i64: 1000, 128>}, {pipeline_mode = #tpu.pipeline_mode<synchronous>, transform_indices = @transform_4, window_bounds = array<i64: 4, 1, 128>}, {pipeline_mode = #tpu.pipeline_mode<synchronous>, transform_indices = @transform_5, window_bounds = array<i64: 4, 1, 128>}, {pipeline_mode = #tpu.pipeline_mode<synchronous>, transform_indices = @transform_6, window_bounds = array<i64: 4, 1, 128>}, {pipeline_mode = #tpu.pipeline_mode<synchronous>, transform_indices = @transform_7, window_bounds = array<i64: 4, 1, 128>}, {pipeline_mode = #tpu.pipeline_mode<synchronous>, transform_indices = @transform_8, window_bounds = array<i64: 4, 128, 128>}, {pipeline_mode = #tpu.pipeline_mode<synchronous>, transform_indices = @transform_9, window_bounds = array<i64: 1, 128>}, {transform_indices = @transform_10, window_bounds = array<i64: 2, 1, 1000, 128>}, {transform_indices = @transform_11, window_bounds = array<i64: 2, 1000, 16>}, {pipeline_mode = #tpu.pipeline_mode<synchronous>, transform_indices = @transform_12, window_bounds = array<i64: 1, 128>}, {transform_indices = @transform_13, window_bounds = array<i64: 1000, 256>}]} {
    %get3A = arith.constant 0 : index
    %get3A_0 = arith.constant 0 : index
    %get3A_1 = arith.constant 0 : index
    %get3A_2 = vector.load %arg12[%get3A, %get3A_0, %get3A_1] : memref<2x1000x16xf32, #tpu.memory_space<vmem>>, vector<1x1000x1xf32>
    %get3A_3 = vector.shape_cast %get3A_2 : vector<1x1000x1xf32> to vector<1000x1xf32>
    %get3A_4 = arith.constant 1 : index
    %get3A_5 = arith.constant 0 : index
    %get3A_6 = arith.constant 0 : index
    %get3A_7 = vector.load %arg12[%get3A_4, %get3A_5, %get3A_6] : memref<2x1000x16xf32, #tpu.memory_space<vmem>>, vector<1x1000x1xf32>
    %get3A_8 = vector.shape_cast %get3A_7 : vector<1x1000x1xf32> to vector<1000x1xf32>
    %add3A = arith.addf %get3A_3, %get3A_8 : vector<1000x1xf32>
    %max3A = arith.constant 9.99999996E-13 : f32
    %max3A_9 = vector.broadcast %max3A : f32 to vector<1000x1xf32>
    %max3A_10 = arith.maximumf %add3A, %max3A_9 : vector<1000x1xf32>
    %rsqrt3A = math.rsqrt %max3A_10 : vector<1000x1xf32>
    %get3A_11 = arith.constant 0 : index
    %get3A_12 = arith.constant 0 : index
    %get3A_13 = arith.constant 0 : index
    %get3A_14 = arith.constant 0 : index
    %get3A_15 = vector.load %arg11[%get3A_11, %get3A_12, %get3A_13, %get3A_14] : memref<2x1x1000x128xbf16, #tpu.memory_space<vmem>>, vector<1x1x1000x128xbf16>
    %get3A_16 = vector.shape_cast %get3A_15 : vector<1x1x1000x128xbf16> to vector<1000x128xbf16>
    %convert_element_type3A = arith.extf %get3A_16 : vector<1000x128xbf16> to vector<1000x128xf32>
    %get3A_17 = arith.constant 1 : index
    %get3A_18 = arith.constant 0 : index
    %get3A_19 = arith.constant 0 : index
    %get3A_20 = arith.constant 0 : index
    %get3A_21 = vector.load %arg11[%get3A_17, %get3A_18, %get3A_19, %get3A_20] : memref<2x1x1000x128xbf16, #tpu.memory_space<vmem>>, vector<1x1x1000x128xbf16>
    %get3A_22 = vector.shape_cast %get3A_21 : vector<1x1x1000x128xbf16> to vector<1000x128xbf16>
    %convert_element_type3A_23 = arith.extf %get3A_22 : vector<1000x128xbf16> to vector<1000x128xf32>
    %add3A_24 = arith.addf %convert_element_type3A, %convert_element_type3A_23 : vector<1000x128xf32>
    %mul3A = vector.broadcast %rsqrt3A : vector<1000x1xf32> to vector<1000x128xf32>
    %mul3A_25 = arith.mulf %add3A_24, %mul3A : vector<1000x128xf32>
    %get3A_26 = arith.constant 0 : index
    %get3A_27 = arith.constant 0 : index
    %get3A_28 = vector.load %arg13[%get3A_26, %get3A_27] : memref<1x128xf32, #tpu.memory_space<vmem>>, vector<1x128xf32>
    %add3A_29 = vector.broadcast %get3A_28 : vector<1x128xf32> to vector<1000x128xf32>
    %add3A_30 = arith.addf %mul3A_25, %add3A_29 : vector<1000x128xf32>
    %max3A_31 = arith.constant 0.000000e+00 : f32
    %max3A_32 = vector.broadcast %max3A_31 : f32 to vector<1000x128xf32>
    %max3A_33 = arith.maximumf %add3A_30, %max3A_32 : vector<1000x128xf32>
    %swap3A = arith.constant 0 : index
    %swap3A_34 = arith.constant 0 : index
    %swap3A_35 = vector.load %arg14[%swap3A, %swap3A_34] : memref<1000x256xf32, #tpu.memory_space<vmem>>, vector<1000x128xf32>
    tpu.vector_store %arg14[%swap3A, %swap3A_34], %max3A_33 {strides = array<i32>} : memref<1000x256xf32, #tpu.memory_space<vmem>>, vector<1000x128xf32>,
    %get3A_36 = arith.constant 0 : index
    %get3A_37 = arith.constant 0 : index
    %get3A_38 = vector.load %arg10[%get3A_36, %get3A_37] : memref<1x128xf32, #tpu.memory_space<vmem>>, vector<1x128xf32>
    %broadcast_in_dim3A = arith.constant 1.000000e+00 : f32
    %broadcast_in_dim3A_39 = vector.broadcast %broadcast_in_dim3A : f32 to vector<1000x1xf32>
    %mul3A_40 = vector.broadcast %get3A_38 : vector<1x128xf32> to vector<1000x128xf32>
    %mul3A_41 = vector.broadcast %broadcast_in_dim3A_39 : vector<1000x1xf32> to vector<1000x128xf32>
    %mul3A_42 = arith.mulf %mul3A_40, %mul3A_41 : vector<1000x128xf32>
    %get3A_43 = arith.constant 0 : index
    %get3A_44 = arith.constant 0 : index
    %get3A_45 = vector.load %arg1[%get3A_43, %get3A_44] : memref<1000x128xf32, #tpu.memory_space<vmem>>, vector<1000x128xf32>
    %get3A_46 = arith.constant 0 : index
    %get3A_47 = arith.constant 0 : index
    %get3A_48 = arith.constant 0 : index
    %get3A_49 = vector.load %arg5[%get3A_46, %get3A_47, %get3A_48] : memref<4x1x128xf32, #tpu.memory_space<vmem>>, vector<1x1x128xf32>
    %get3A_50 = vector.shape_cast %get3A_49 : vector<1x1x128xf32> to vector<1x128xf32>
    %sub3A = vector.broadcast %get3A_50 : vector<1x128xf32> to vector<1000x128xf32>
    %sub3A_51 = arith.subf %get3A_45, %sub3A : vector<1000x128xf32>
    %get3A_52 = arith.constant 0 : index
    %get3A_53 = arith.constant 0 : index
    %get3A_54 = arith.constant 0 : index
    %get3A_55 = vector.load %arg6[%get3A_52, %get3A_53, %get3A_54] : memref<4x1x128xf32, #tpu.memory_space<vmem>>, vector<1x1x128xf32>
    %get3A_56 = vector.shape_cast %get3A_55 : vector<1x1x128xf32> to vector<1x128xf32>
    %mul3A_57 = vector.broadcast %get3A_56 : vector<1x128xf32> to vector<1000x128xf32>
    %mul3A_58 = arith.mulf %sub3A_51, %mul3A_57 : vector<1000x128xf32>
    %get3A_59 = arith.constant 0 : index
    %get3A_60 = arith.constant 0 : index
    %get3A_61 = arith.constant 0 : index
    %get3A_62 = vector.load %arg7[%get3A_59, %get3A_60, %get3A_61] : memref<4x1x128xf32, #tpu.memory_space<vmem>>, vector<1x1x128xf32>
    %get3A_63 = vector.shape_cast %get3A_62 : vector<1x1x128xf32> to vector<1x128xf32>
    %mul3A_64 = vector.broadcast %get3A_63 : vector<1x128xf32> to vector<1000x128xf32>
    %mul3A_65 = arith.mulf %mul3A_58, %mul3A_64 : vector<1000x128xf32>
    %get3A_66 = arith.constant 0 : index
    %get3A_67 = arith.constant 0 : index
    %get3A_68 = arith.constant 0 : index
    %get3A_69 = vector.load %arg8[%get3A_66, %get3A_67, %get3A_68] : memref<4x1x128xf32, #tpu.memory_space<vmem>>, vector<1x1x128xf32>
    %get3A_70 = vector.shape_cast %get3A_69 : vector<1x1x128xf32> to vector<1x128xf32>
    %add3A_71 = vector.broadcast %get3A_70 : vector<1x128xf32> to vector<1000x128xf32>
    %add3A_72 = arith.addf %mul3A_65, %add3A_71 : vector<1000x128xf32>
    %max3A_73 = arith.constant 0.000000e+00 : f32
    %max3A_74 = vector.broadcast %max3A_73 : f32 to vector<1000x128xf32>
    %max3A_75 = arith.maximumf %add3A_72, %max3A_74 : vector<1000x128xf32>
    %convert_element_type3A_76 = arith.truncf %max3A_75 : vector<1000x128xf32> to vector<1000x128xbf16>
    %get3A_77 = arith.constant 0 : index
    %get3A_78 = arith.constant 0 : index
    %get3A_79 = arith.constant 0 : index
    %get3A_80 = vector.load %arg9[%get3A_77, %get3A_78, %get3A_79] : memref<4x128x128xbf16, #tpu.memory_space<vmem>>, vector<1x128x128xbf16>
    %get3A_81 = vector.shape_cast %get3A_80 : vector<1x128x128xbf16> to vector<128x128xbf16>
    %dot_general3A = arith.constant dense<0.000000e+00> : vector<1000x128xf32>
    %dot_general3A_82 = tpu.matmul %convert_element_type3A_76, %get3A_81, %dot_general3A {dimension_numbers = #tpu.dot_dimension_numbers<[1], [0], [0], [1], [0, 0, 1, 1], [], []>, transpose_lhs_hint = false} : vector<1000x128xbf16>, vector<128x128xbf16>, vector<1000x128xf32> -> vector<1000x128xf32>
    %add3A_83 = arith.addf %mul3A_42, %dot_general3A_82 : vector<1000x128xf32>
    %get3A_84 = arith.constant 0 : index
    %get3A_85 = arith.constant 0 : index
    %get3A_86 = vector.load %arg2[%get3A_84, %get3A_85] : memref<1000x128xf32, #tpu.memory_space<vmem>>, vector<1000x128xf32>
    %get3A_87 = arith.constant 1 : index
    %get3A_88 = arith.constant 0 : index
    %get3A_89 = arith.constant 0 : index
    %get3A_90 = vector.load %arg5[%get3A_87, %get3A_88, %get3A_89] : memref<4x1x128xf32, #tpu.memory_space<vmem>>, vector<1x1x128xf32>
    %get3A_91 = vector.shape_cast %get3A_90 : vector<1x1x128xf32> to vector<1x128xf32>
    %sub3A_92 = vector.broadcast %get3A_91 : vector<1x128xf32> to vector<1000x128xf32>
    %sub3A_93 = arith.subf %get3A_86, %sub3A_92 : vector<1000x128xf32>
    %get3A_94 = arith.constant 1 : index
    %get3A_95 = arith.constant 0 : index
    %get3A_96 = arith.constant 0 : index
    %get3A_97 = vector.load %arg6[%get3A_94, %get3A_95, %get3A_96] : memref<4x1x128xf32, #tpu.memory_space<vmem>>, vector<1x1x128xf32>
    %get3A_98 = vector.shape_cast %get3A_97 : vector<1x1x128xf32> to vector<1x128xf32>
    %mul3A_99 = vector.broadcast %get3A_98 : vector<1x128xf32> to vector<1000x128xf32>
    %mul3A_100 = arith.mulf %sub3A_93, %mul3A_99 : vector<1000x128xf32>
    %get3A_101 = arith.constant 1 : index
    %get3A_102 = arith.constant 0 : index
    %get3A_103 = arith.constant 0 : index
    %get3A_104 = vector.load %arg7[%get3A_101, %get3A_102, %get3A_103] : memref<4x1x128xf32, #tpu.memory_space<vmem>>, vector<1x1x128xf32>
    %get3A_105 = vector.shape_cast %get3A_104 : vector<1x1x128xf32> to vector<1x128xf32>
    %mul3A_106 = vector.broadcast %get3A_105 : vector<1x128xf32> to vector<1000x128xf32>
    %mul3A_107 = arith.mulf %mul3A_100, %mul3A_106 : vector<1000x128xf32>
    %get3A_108 = arith.constant 1 : index
    %get3A_109 = arith.constant 0 : index
    %get3A_110 = arith.constant 0 : index
    %get3A_111 = vector.load %arg8[%get3A_108, %get3A_109, %get3A_110] : memref<4x1x128xf32, #tpu.memory_space<vmem>>, vector<1x1x128xf32>
    %get3A_112 = vector.shape_cast %get3A_111 : vector<1x1x128xf32> to vector<1x128xf32>
    %add3A_113 = vector.broadcast %get3A_112 : vector<1x128xf32> to vector<1000x128xf32>
    %add3A_114 = arith.addf %mul3A_107, %add3A_113 : vector<1000x128xf32>
    %max3A_115 = arith.constant 0.000000e+00 : f32
    %max3A_116 = vector.broadcast %max3A_115 : f32 to vector<1000x128xf32>
    %max3A_117 = arith.maximumf %add3A_114, %max3A_116 : vector<1000x128xf32>
    %convert_element_type3A_118 = arith.truncf %max3A_117 : vector<1000x128xf32> to vector<1000x128xbf16>
    %get3A_119 = arith.constant 1 : index
    %get3A_120 = arith.constant 0 : index
    %get3A_121 = arith.constant 0 : index
    %get3A_122 = vector.load %arg9[%get3A_119, %get3A_120, %get3A_121] : memref<4x128x128xbf16, #tpu.memory_space<vmem>>, vector<1x128x128xbf16>
    %get3A_123 = vector.shape_cast %get3A_122 : vector<1x128x128xbf16> to vector<128x128xbf16>
    %dot_general3A_124 = arith.constant dense<0.000000e+00> : vector<1000x128xf32>
    %dot_general3A_125 = tpu.matmul %convert_element_type3A_118, %get3A_123, %dot_general3A_124 {dimension_numbers = #tpu.dot_dimension_numbers<[1], [0], [0], [1], [0, 0, 1, 1], [], []>, transpose_lhs_hint = false} : vector<1000x128xbf16>, vector<128x128xbf16>, vector<1000x128xf32> -> vector<1000x128xf32>
    %add3A_126 = arith.addf %add3A_83, %dot_general3A_125 : vector<1000x128xf32>
    %get3A_127 = arith.constant 0 : index
    %get3A_128 = arith.constant 0 : index
    %get3A_129 = vector.load %arg3[%get3A_127, %get3A_128] : memref<1000x128xf32, #tpu.memory_space<vmem>>, vector<1000x128xf32>
    %get3A_130 = arith.constant 2 : index
    %get3A_131 = arith.constant 0 : index
    %get3A_132 = arith.constant 0 : index
    %get3A_133 = vector.load %arg5[%get3A_130, %get3A_131, %get3A_132] : memref<4x1x128xf32, #tpu.memory_space<vmem>>, vector<1x1x128xf32>
    %get3A_134 = vector.shape_cast %get3A_133 : vector<1x1x128xf32> to vector<1x128xf32>
    %sub3A_135 = vector.broadcast %get3A_134 : vector<1x128xf32> to vector<1000x128xf32>
    %sub3A_136 = arith.subf %get3A_129, %sub3A_135 : vector<1000x128xf32>
    %get3A_137 = arith.constant 2 : index
    %get3A_138 = arith.constant 0 : index
    %get3A_139 = arith.constant 0 : index
    %get3A_140 = vector.load %arg6[%get3A_137, %get3A_138, %get3A_139] : memref<4x1x128xf32, #tpu.memory_space<vmem>>, vector<1x1x128xf32>
    %get3A_141 = vector.shape_cast %get3A_140 : vector<1x1x128xf32> to vector<1x128xf32>
    %mul3A_142 = vector.broadcast %get3A_141 : vector<1x128xf32> to vector<1000x128xf32>
    %mul3A_143 = arith.mulf %sub3A_136, %mul3A_142 : vector<1000x128xf32>
    %get3A_144 = arith.constant 2 : index
    %get3A_145 = arith.constant 0 : index
    %get3A_146 = arith.constant 0 : index
    %get3A_147 = vector.load %arg7[%get3A_144, %get3A_145, %get3A_146] : memref<4x1x128xf32, #tpu.memory_space<vmem>>, vector<1x1x128xf32>
    %get3A_148 = vector.shape_cast %get3A_147 : vector<1x1x128xf32> to vector<1x128xf32>
    %mul3A_149 = vector.broadcast %get3A_148 : vector<1x128xf32> to vector<1000x128xf32>
    %mul3A_150 = arith.mulf %mul3A_143, %mul3A_149 : vector<1000x128xf32>
    %get3A_151 = arith.constant 2 : index
    %get3A_152 = arith.constant 0 : index
    %get3A_153 = arith.constant 0 : index
    %get3A_154 = vector.load %arg8[%get3A_151, %get3A_152, %get3A_153] : memref<4x1x128xf32, #tpu.memory_space<vmem>>, vector<1x1x128xf32>
    %get3A_155 = vector.shape_cast %get3A_154 : vector<1x1x128xf32> to vector<1x128xf32>
    %add3A_156 = vector.broadcast %get3A_155 : vector<1x128xf32> to vector<1000x128xf32>
    %add3A_157 = arith.addf %mul3A_150, %add3A_156 : vector<1000x128xf32>
    %max3A_158 = arith.constant 0.000000e+00 : f32
    %max3A_159 = vector.broadcast %max3A_158 : f32 to vector<1000x128xf32>
    %max3A_160 = arith.maximumf %add3A_157, %max3A_159 : vector<1000x128xf32>
    %convert_element_type3A_161 = arith.truncf %max3A_160 : vector<1000x128xf32> to vector<1000x128xbf16>
    %get3A_162 = arith.constant 2 : index
    %get3A_163 = arith.constant 0 : index
    %get3A_164 = arith.constant 0 : index
    %get3A_165 = vector.load %arg9[%get3A_162, %get3A_163, %get3A_164] : memref<4x128x128xbf16, #tpu.memory_space<vmem>>, vector<1x128x128xbf16>
    %get3A_166 = vector.shape_cast %get3A_165 : vector<1x128x128xbf16> to vector<128x128xbf16>
    %dot_general3A_167 = arith.constant dense<0.000000e+00> : vector<1000x128xf32>
    %dot_general3A_168 = tpu.matmul %convert_element_type3A_161, %get3A_166, %dot_general3A_167 {dimension_numbers = #tpu.dot_dimension_numbers<[1], [0], [0], [1], [0, 0, 1, 1], [], []>, transpose_lhs_hint = false} : vector<1000x128xbf16>, vector<128x128xbf16>, vector<1000x128xf32> -> vector<1000x128xf32>
    %add3A_169 = arith.addf %add3A_126, %dot_general3A_168 : vector<1000x128xf32>
    %get3A_170 = arith.constant 0 : index
    %get3A_171 = arith.constant 0 : index
    %get3A_172 = vector.load %arg4[%get3A_170, %get3A_171] : memref<1000x128xf32, #tpu.memory_space<vmem>>, vector<1000x128xf32>
    %get3A_173 = arith.constant 3 : index
    %get3A_174 = arith.constant 0 : index
    %get3A_175 = arith.constant 0 : index
    %get3A_176 = vector.load %arg5[%get3A_173, %get3A_174, %get3A_175] : memref<4x1x128xf32, #tpu.memory_space<vmem>>, vector<1x1x128xf32>
    %get3A_177 = vector.shape_cast %get3A_176 : vector<1x1x128xf32> to vector<1x128xf32>
    %sub3A_178 = vector.broadcast %get3A_177 : vector<1x128xf32> to vector<1000x128xf32>
    %sub3A_179 = arith.subf %get3A_172, %sub3A_178 : vector<1000x128xf32>
    %get3A_180 = arith.constant 3 : index
    %get3A_181 = arith.constant 0 : index
    %get3A_182 = arith.constant 0 : index
    %get3A_183 = vector.load %arg6[%get3A_180, %get3A_181, %get3A_182] : memref<4x1x128xf32, #tpu.memory_space<vmem>>, vector<1x1x128xf32>
    %get3A_184 = vector.shape_cast %get3A_183 : vector<1x1x128xf32> to vector<1x128xf32>
    %mul3A_185 = vector.broadcast %get3A_184 : vector<1x128xf32> to vector<1000x128xf32>
    %mul3A_186 = arith.mulf %sub3A_179, %mul3A_185 : vector<1000x128xf32>
    %get3A_187 = arith.constant 3 : index
    %get3A_188 = arith.constant 0 : index
    %get3A_189 = arith.constant 0 : index
    %get3A_190 = vector.load %arg7[%get3A_187, %get3A_188, %get3A_189] : memref<4x1x128xf32, #tpu.memory_space<vmem>>, vector<1x1x128xf32>
    %get3A_191 = vector.shape_cast %get3A_190 : vector<1x1x128xf32> to vector<1x128xf32>
    %mul3A_192 = vector.broadcast %get3A_191 : vector<1x128xf32> to vector<1000x128xf32>
    %mul3A_193 = arith.mulf %mul3A_186, %mul3A_192 : vector<1000x128xf32>
    %get3A_194 = arith.constant 3 : index
    %get3A_195 = arith.constant 0 : index
    %get3A_196 = arith.constant 0 : index
    %get3A_197 = vector.load %arg8[%get3A_194, %get3A_195, %get3A_196] : memref<4x1x128xf32, #tpu.memory_space<vmem>>, vector<1x1x128xf32>
    %get3A_198 = vector.shape_cast %get3A_197 : vector<1x1x128xf32> to vector<1x128xf32>
    %add3A_199 = vector.broadcast %get3A_198 : vector<1x128xf32> to vector<1000x128xf32>
    %add3A_200 = arith.addf %mul3A_193, %add3A_199 : vector<1000x128xf32>
    %max3A_201 = arith.constant 0.000000e+00 : f32
    %max3A_202 = vector.broadcast %max3A_201 : f32 to vector<1000x128xf32>
    %max3A_203 = arith.maximumf %add3A_200, %max3A_202 : vector<1000x128xf32>
    %convert_element_type3A_204 = arith.truncf %max3A_203 : vector<1000x128xf32> to vector<1000x128xbf16>
    %get3A_205 = arith.constant 3 : index
    %get3A_206 = arith.constant 0 : index
    %get3A_207 = arith.constant 0 : index
    %get3A_208 = vector.load %arg9[%get3A_205, %get3A_206, %get3A_207] : memref<4x128x128xbf16, #tpu.memory_space<vmem>>, vector<1x128x128xbf16>
    %get3A_209 = vector.shape_cast %get3A_208 : vector<1x128x128xbf16> to vector<128x128xbf16>
    %dot_general3A_210 = arith.constant dense<0.000000e+00> : vector<1000x128xf32>
    %dot_general3A_211 = tpu.matmul %convert_element_type3A_204, %get3A_209, %dot_general3A_210 {dimension_numbers = #tpu.dot_dimension_numbers<[1], [0], [0], [1], [0, 0, 1, 1], [], []>, transpose_lhs_hint = false} : vector<1000x128xbf16>, vector<128x128xbf16>, vector<1000x128xf32> -> vector<1000x128xf32>
    %add3A_212 = arith.addf %add3A_169, %dot_general3A_211 : vector<1000x128xf32>
    %swap3A_213 = arith.constant 0 : index
    %swap3A_214 = arith.constant 128 : index
    %swap3A_215 = vector.load %arg14[%swap3A_213, %swap3A_214] : memref<1000x256xf32, #tpu.memory_space<vmem>>, vector<1000x128xf32>
    tpu.vector_store %arg14[%swap3A_213, %swap3A_214], %add3A_212 {strides = array<i32>} : memref<1000x256xf32, #tpu.memory_space<vmem>>, vector<1000x128xf32>,
    return
  }
  func.func @transform_0(%arg0: i32) -> (i32, i32) {
    %c0_i32 = arith.constant 0 : i32
    %c0_i32_0 = arith.constant 0 : i32
    return %arg0, %c0_i32 : i32, i32
  }
  func.func @transform_1(%arg0: i32) -> (i32, i32) {
    %c0_i32 = arith.constant 0 : i32
    %c0_i32_0 = arith.constant 0 : i32
    return %arg0, %c0_i32 : i32, i32
  }
  func.func @transform_2(%arg0: i32) -> (i32, i32) {
    %c0_i32 = arith.constant 0 : i32
    %c0_i32_0 = arith.constant 0 : i32
    return %arg0, %c0_i32 : i32, i32
  }
  func.func @transform_3(%arg0: i32) -> (i32, i32) {
    %c0_i32 = arith.constant 0 : i32
    %c0_i32_0 = arith.constant 0 : i32
    return %arg0, %c0_i32 : i32, i32
  }
  func.func @transform_4(%arg0: i32) -> (i32, i32, i32) {
    %c0_i32 = arith.constant 0 : i32
    %c0_i32_0 = arith.constant 0 : i32
    %c0_i32_1 = arith.constant 0 : i32
    %c0_i32_2 = arith.constant 0 : i32
    return %c0_i32, %c0_i32_0, %c0_i32_1 : i32, i32, i32
  }
  func.func @transform_5(%arg0: i32) -> (i32, i32, i32) {
    %c0_i32 = arith.constant 0 : i32
    %c0_i32_0 = arith.constant 0 : i32
    %c0_i32_1 = arith.constant 0 : i32
    %c0_i32_2 = arith.constant 0 : i32
    return %c0_i32, %c0_i32_0, %c0_i32_1 : i32, i32, i32
  }
  func.func @transform_6(%arg0: i32) -> (i32, i32, i32) {
    %c0_i32 = arith.constant 0 : i32
    %c0_i32_0 = arith.constant 0 : i32
    %c0_i32_1 = arith.constant 0 : i32
    %c0_i32_2 = arith.constant 0 : i32
    return %c0_i32, %c0_i32_0, %c0_i32_1 : i32, i32, i32
  }
  func.func @transform_7(%arg0: i32) -> (i32, i32, i32) {
    %c0_i32 = arith.constant 0 : i32
    %c0_i32_0 = arith.constant 0 : i32
    %c0_i32_1 = arith.constant 0 : i32
    %c0_i32_2 = arith.constant 0 : i32
    return %c0_i32, %c0_i32_0, %c0_i32_1 : i32, i32, i32
  }
  func.func @transform_8(%arg0: i32) -> (i32, i32, i32) {
    %c0_i32 = arith.constant 0 : i32
    %c0_i32_0 = arith.constant 0 : i32
    %c0_i32_1 = arith.constant 0 : i32
    %c0_i32_2 = arith.constant 0 : i32
    return %c0_i32, %c0_i32_0, %c0_i32_1 : i32, i32, i32
  }
  func.func @transform_9(%arg0: i32) -> (i32, i32) {
    %c0_i32 = arith.constant 0 : i32
    %c0_i32_0 = arith.constant 0 : i32
    %c0_i32_1 = arith.constant 0 : i32
    return %c0_i32, %c0_i32_0 : i32, i32
  }
  func.func @transform_10(%arg0: i32) -> (i32, i32, i32, i32) {
    %c0_i32 = arith.constant 0 : i32
    %c0_i32_0 = arith.constant 0 : i32
    %c0_i32_1 = arith.constant 0 : i32
    %c0_i32_2 = arith.constant 0 : i32
    return %c0_i32, %c0_i32_0, %arg0, %c0_i32_1 : i32, i32, i32, i32
  }
  func.func @transform_11(%arg0: i32) -> (i32, i32, i32) {
    %c0_i32 = arith.constant 0 : i32
    %c0_i32_0 = arith.constant 0 : i32
    %c0_i32_1 = arith.constant 0 : i32
    return %c0_i32, %arg0, %c0_i32_0 : i32, i32, i32
  }
  func.func @transform_12(%arg0: i32) -> (i32, i32) {
    %c0_i32 = arith.constant 0 : i32
    %c0_i32_0 = arith.constant 0 : i32
    %c0_i32_1 = arith.constant 0 : i32
    return %c0_i32, %c0_i32_0 : i32, i32
  }
  func.func @transform_13(%arg0: i32) -> (i32, i32) {
    %c0_i32 = arith.constant 0 : i32
    %c0_i32_0 = arith.constant 0 : i32
    return %arg0, %c0_i32 : i32, i32
  }
}

</mosaic_0001>

<sc_bundles>
// kernel: kernel.18.cloned.1.call-start
scs
__scs_entry_jumppad:
0x0: {  	(pc) =	sbr.rel $0x88, $3  }
0x1: {  	(tag) =	ssettag $0x0;
	lr =	simm.s32 $0x1  }
0x2: {  	[smem:$0x3F75] =	sst lr;
	_ =	strace $0xD0000000  }
0x3: {  	_ = 	snop  }
0x4: {  	_ = 	snop  }
0x5: {  	_ = 	snop  }
0x6: {  	_ = 	snop  }
0x7: {  	_ = 	snop  }
__scs_overlays_trampoline_lowered:
0x8: {  	[smem:$0x3F84] =	sst s0  }
0x9: {  	[smem:$0x3F85] =	sst s1  }
0xa: {  	[smem:$0x3F86] =	sst s2  }
0xb: {  	[smem:$0x3F87] =	sst s3  }
0xc: {  	[smem:$0x3F88] =	sst s4  }
0xd: {  	[smem:$0x3F89] =	sst s5  }
0xe: {  	[smem:$0x3F8A] =	sst s6  }
0xf: {  	[smem:$0x3F8B] =	sst s7  }
0x10: {  	[smem:$0x3F8C] =	sst s8  }
0x11: {  	[smem:$0x3F8D] =	sst s9;
	s0 =	simm.s32 @!p0 $0x0  }
0x12: {  	s1 =	sld [smem:$0x3F73];
	s0 =	simm.s32 @p0 $0x1  }
0x13: {  	[smem:$0x3F8E] =	sst s0;
	s0 =	simm.s32 @!p1 $0x0  }
0x14: {  	s2 =	sld [smem:$0x3F72];
	s0 =	simm.s32 @p1 $0x1  }
0x15: {  	[smem:$0x3F8F] =	sst s0;
	s0 =	simm.s32 @!p2 $0x0  }
0x16: {  	s3 =	sld [smem:$0x3FDB];
	s0 =	simm.s32 @p2 $0x1  }
0x17: {  	s4 =	simm.s32 $0x1BF5;
	[smem:$0x3F91] =	sst s0  }
0x18: {  	s0 =	sld [smem:$0x3F74];
	_ =	swait.ge [sflag:s4], $0x0  }
0x19: {  	s7 =	sld [smem:$0x3F75]  }
0x1a: {  	s8 =	sadd.s32 $0xFFFFE003, lr  }
0x1b: {  	s9 =	sadd.s32 $0xFFFFFEF7, lr;
	s5 =	simm.s32 $0xFFFFFFFF;
	p2 =	slt.u32 s8, $0xFFFFF086  }
0x1c: {  	p1 =	slt.u32 s9, $0xF7A;
	s5 =	simm.s32 @!p2 $0x0  }
0x1d: {  	s5 =	simm.s32 @p1 $0x1;
	p0 =	seq.s32 s7, s2  }
0x1e: {  	s7 =	smul.u32 @!p0 $0xF7A, s2;
	p2 =	seq.s32 @!p0 s5, $0x0  }
0x1f: {  	s9 =	smul.u32 $0xF7A, s1;
	s8 =	simm.s32 @!p0 $0x1BF5;
	p2 =	por !p2, p0  }
0x20: {  	[sflag:s8] =	ssyncset.s32 @!p0 $0xFFFFF086;
	s6 =	sadd.s32 @!p0 s3, s7;
	s7 =	simm.s32 @!p0 $0x108  }
0x21: {  	s3 =	sadd.s32 s3, s9;
	s6 =	sadd.s32 @!p0 $0x88, s6;
	s7 =	simm.s32 @p2 $0x1082  }
0x22: {  	[simem:s7], [sflag:s8] =	dma.local @!p0 [hbm:s6], $0xF7A  }
0x23: {  	s9 =	sor.u32 $0xD0000000, s2;
	s6 =	simm.s32 $0x108;
	_ =	swait.ge @!p0 [sflag:s8], $0x0  }
0x24: {  	s3 =	sadd.s32 $0x88, s3;
	s6 =	simm.s32 @!p1 $0x1082;
	[sflag:s4] =	ssyncset.s32 $0xFFFFF086  }
0x25: {  	[simem:s6], [sflag:s4] =	dma.local [hbm:s3], $0xF7A  }
0x26: {  	[smem:$0x3F75] =	sst s1;
	(tag) =	ssettag s2;
	_ =	strace s9  }
0x27: {  	s1 =	sld [smem:$0x3F85]  }
0x28: {  	s2 =	sld [smem:$0x3F86]  }
0x29: {  	s4 =	sld [smem:$0x3F88]  }
0x2a: {  	p0 =	seq.s32 s5, $0x0;
	s5 =	sld [smem:$0x3F89]  }
0x2b: {  	s6 =	sld [smem:$0x3F8A]  }
0x2c: {  	s7 =	sld [smem:$0x3F8B]  }
0x2d: {  	s3 =	simm.s32 $0x108;
	s8 =	sld [smem:$0x3F8C]  }
0x2e: {  	s3 =	simm.s32 @!p0 $0x1082;
	s9 =	sld [smem:$0x3F8D]  }
0x2f: {  	lr =	sadd.s32 s0, s3;
	s0 =	sld [smem:$0x3F84]  }
0x30: {  	s3 =	sld [smem:$0x3F87]  }
0x31: {  	[smem:$0x3F90] =	sst s10  }
0x32: {  	s10 =	sld [smem:$0x3F8E];
	_ =	sdelay $0x3  }
0x33: {  	p0 =	seq.s32 s10, $0x1;
	s10 =	sld [smem:$0x3F90];
	_ =	sdelay $0x3  }
0x34: {  	[smem:$0x3F90] =	sst s10  }
0x35: {  	s10 =	sld [smem:$0x3F8F];
	_ =	sdelay $0x3  }
0x36: {  	p1 =	seq.s32 s10, $0x1;
	s10 =	sld [smem:$0x3F90];
	_ =	sdelay $0x3  }
0x37: {  	[smem:$0x3F90] =	sst s10  }
0x38: {  	s10 =	sld [smem:$0x3F91]  }
0x39: {  	_ = 	snop;
	(pc) =	sbr.ind lr, $3  }
0x3a: {  	_ = 	snop  }
0x3b: {  	_ = 	snop  }
0x3c: {  	p2 =	seq.s32 s10, $0x1;
	s10 =	sld [smem:$0x3F90]  }
0x3d: {  	_ =	shalt  }
0x3e: {  	_ =	shalt  }
0x3f: {  	_ =	shalt  }
0x40: {  	_ =	shalt  }
0x41: {  	_ =	shalt  }
0x42: {  	_ =	shalt  }
0x43: {  	_ =	shalt  }
0x44: {  	_ =	shalt  }
0x45: {  	_ =	shalt  }
0x46: {  	_ =	shalt  }
0x47: {  	_ =	shalt  }
0x48: {  	_ =	shalt  }
0x49: {  	_ =	shalt  }
0x4a: {  	_ =	shalt  }
0x4b: {  	_ =	shalt  }
0x4c: {  	_ =	shalt  }
0x4d: {  	_ =	shalt  }
0x4e: {  	_ =	shalt  }
0x4f: {  	_ =	shalt  }
0x50: {  	_ =	shalt  }
0x51: {  	_ =	shalt  }
0x52: {  	_ =	shalt  }
0x53: {  	_ =	shalt  }
0x54: {  	_ =	shalt  }
0x55: {  	_ =	shalt  }
0x56: {  	_ =	shalt  }
0x57: {  	_ =	shalt  }
0x58: {  	_ =	shalt  }
0x59: {  	_ =	shalt  }
0x5a: {  	_ =	shalt  }
0x5b: {  	_ =	shalt  }
0x5c: {  	_ =	shalt  }
0x5d: {  	_ =	shalt  }
0x5e: {  	_ =	shalt  }
0x5f: {  	_ =	shalt  }
0x60: {  	_ =	shalt  }
0x61: {  	_ =	shalt  }
0x62: {  	_ =	shalt  }
0x63: {  	_ =	shalt  }
0x64: {  	_ =	shalt  }
0x65: {  	_ =	shalt  }
0x66: {  	_ =	shalt  }
0x67: {  	_ =	shalt  }
0x68: {  	_ =	shalt  }
0x69: {  	_ =	shalt  }
0x6a: {  	_ =	shalt  }
0x6b: {  	_ =	shalt  }
0x6c: {  	_ =	shalt  }
0x6d: {  	_ =	shalt  }
0x6e: {  	_ =	shalt  }
0x6f: {  	_ =	shalt  }
0x70: {  	_ =	shalt  }
0x71: {  	_ =	shalt  }
0x72: {  	_ =	shalt  }
0x73: {  	_ =	shalt  }
0x74: {  	_ =	shalt  }
0x75: {  	_ =	shalt  }
0x76: {  	_ =	shalt  }
0x77: {  	_ =	shalt  }
0x78: {  	_ =	shalt  }
0x79: {  	_ =	shalt  }
0x7a: {  	_ =	shalt  }
0x7b: {  	_ =	shalt  }
0x7c: {  	_ =	shalt  }
0x7d: {  	_ =	shalt  }
0x7e: {  	_ =	shalt  }
0x7f: {  	_ =	shalt  }
0x80: {  	_ =	shalt  }
0x81: {  	_ =	shalt  }
0x82: {  	_ =	shalt  }
0x83: {  	_ =	shalt  }
0x84: {  	_ =	shalt  }
0x85: {  	_ =	shalt  }
0x86: {  	_ =	shalt  }
0x87: {  	_ =	shalt  }
.Lfunc_end0:
.L_simem_size_0:
called_computation_lowered:
.L_overlay_start_0:
0x88: {  	s2 =	sld [smem:$0x3FD9]  }
0x89: {  	s3 =	sld [smem:$0x3FFE];
	_ =	sdelay $0x1  }
0x8a: {  	s1 =	srdreg.scid  }
0x8b: {  	s0 =	sand.u32 $0x1, s1  }
0x8c: {  	s17 =	sshll.u32 s0, $0xA;
	s2 =	sadd.s32 s3, s2  }
0x8d: {  	s2 =	sadd.s32 s2, s17  }
0x8e: {  	[smem:$0x3F9C] =	sst s2  }
0x8f: {  	_ = 	snop  }
0x90: {  	s2 =	sld [smem:$0x3FD0];
	(tm) =	ssettm $0x1  }
0x91: {  	s18 =	sld [smem:$0x3FFB];
	_ =	sdelay $0x3  }
0x92: {  	_ =	strace s18  }
0x93: {  	s3 =	sld [smem:$0x3FFC];
	_ =	sdelay $0x3  }
0x94: {  	_ =	strace s3  }
0x95: {  	s3 =	sld [smem:$0x3FFD];
	_ =	sdelay $0x3  }
0x96: {  	_ =	strace s3  }
0x97: {  	_ =	strace $0x8FFFFFFF  }
0x98: {  	s19 =	sld [smem:$0x3FDB];
	_ =	sdelay $0x1  }
0x99: {  	s4 =	simm.s32 $_scs_section_size  }
0x9a: {  	s5 =	simm.s32 $_size__tile_overlayer_lowered;
	s6 =	simm.s32 $_tile_overlayer_lowered  }
0x9b: {  	s22 =	simm.s32 $0x1BFF;
	s21 =	sshll.u32 s6, $0x1;
	s3 =	sadd.s32 s4, s19  }
0x9c: {  	s7 =	simm.s32 $0x0;
	s20 =	sshll.u32 s5, $0x1;
	s5 =	sadd.s32 s21, s3  }
0x9d: {  	[timem:s7], [sflag:s22] =	dma.local [hbm:s5], s20  }
0x9e: {  	_ =	swait.ge [sflag:s22], s20  }
0x9f: {  	s4 =	ssub.s32 $0x0, s20;
	[sflag:s22] =	ssyncset.done $0x0  }
0xa0: {  	[sflag:s22] =	ssyncadd.s32 s4;
	_ =	sdelay $0x1  }
0xa1: {  	s23 =	simm.s32 $0x1B8B  }
0xa2: {  	_ =	swait.ge [sflag:s23], $0x1  }
0xa3: {  	[sflag:s23] =	ssyncset.done $0x0  }
0xa4: {  	s25 =	simm.s32 $0x1B8E;
	s24 =	sld [smem:$0x3FFE];
	[sflag:s23] =	ssyncadd.s32 $0xFFFFFFFF  }
0xa5: {  	s26 =	simm.s32 $execute0_lowered;
	[smem:$0x3FD2] =	sst s25  }
0xa6: {  	s5 =	sshll.u32 s26, $0x1;
	_ =	strace $0x80000046;
	[dreg:$0x1] =	wrdreg $0xFFFFFFFF  }
0xa7: {  	s28 =	simm.s32 $_size_execute0_lowered;
	s3 =	sadd.s32 s3, s5;
	[dreg:$0x0] =	wrdreg $0x0  }
0xa8: {  	s5 =	sshll.u32 s28, $0x1;
	[dreg:$0x2] =	wrdreg s3  }
0xa9: {  	[dreg:$0x3] =	wrdreg s5  }
0xaa: {  	[dreg:$0x4] =	wrdreg $0xC0  }
0xab: {  	_ =	task [dreg:s7], $0x5FFFF  }
0xac: {  	[dreg:$0x1] =	wrdreg $0xFFFFFFFF  }
0xad: {  	[dreg:$0x0] =	wrdreg $0x60  }
0xae: {  	[dreg:$0x2] =	wrdreg s24  }
0xaf: {  	[dreg:$0x3] =	wrdreg s2  }
0xb0: {  	[dreg:$0x4] =	wrdreg $0x11000  }
0xb1: {  	[dreg:$0x5] =	wrdreg $0x9  }
0xb2: {  	_ =	task.clear_ibuf [dreg:s7], $0x6FFFF;
	_ =	strace $0x90000046  }
0xb3: {  	s29 =	simm.s32 $0x9;
	_ =	strace $0x80000048  }
0xb4: {  	_ =	swait.ge [sflag:s29], $0x1  }
0xb5: {  	[sflag:s29] =	ssyncadd.s32 $0xFFFFFFFF  }
0xb6: {  	_ =	strace $0x90000048  }
0xb7: {  	_ =	sfence  }
0xb8: {  	s30 =	sld [smem:$0x0];
	_ =	sdelay $0x2  }
0xb9: {  	s31 =	sshll.u32 s1, $0xD;
	s1 =	sshrl.u32 s1, $0x2  }
0xba: {  	s3 =	sand.u32 $0x4000, s31;
	s1 =	sadd.s32 s1, s30  }
0xbb: {  	s0 =	sor.u32 s3, s0;
	s1 =	sshll.u32 s1, $0x11  }
0xbc: {  	s0 =	sor.u32 s1, s0  }
0xbd: {  	s0 =	sadd.s32 $0x8F2B, s0  }
0xbe: {  	[sflag:s0] =	ssyncadd.remote.s32 $0x1  }
0xbf: {  	_ =	sfence.sel $0xFFFF  }
0xc0: {  	[dreg:$0x0] =	wrdreg $0xFFFFFFFF;
	(pc) =	sbr.abs _section_cstart, $3  }
0xc1: {  	[dreg:$0x1] =	wrdreg $0xFFFFFFFF  }
0xc2: {  	_ =	task.clear_ibuf [dreg:s7], $0x2FFFF;
	_ =	strace $0x9FFFFFFF  }
0xc3: {  	(tm) =	ssettm $0x7FFFFFFF  }
tec
execute0_lowered:
.L_overlay_start_1:
0x0: {  	(tag) =	ssettag $0x1  }
0x1: {  	s4 =	rddreg [dreg:$0x0]  }
0x2: {  	s0 =	srdreg.scid;
	s5 =	rddreg [dreg:$0x1]  }
0x3: {  	s2 =	rddreg [dreg:$0x2];
	s6 =	sand.u32 $0x1, s0  }
0x4: {  	s0 =	stileid.u32;
	s7 =	smul.u32 $0x2A000, s6  }
0x5: {  	s1 =	rddreg [dreg:$0x3];
	s8 =	smul.u32 $0x2A00, s0  }
0x6: {  	s3 =	simm.s32 $0x0;
	s13 =	simm.s32 $0x0;
	s9 =	smul.u32 $0x2800, s0  }
0x7: {  	[smem:$0x7FF] =	sst s3;
	s10 =	smul.u32 $0x28000, s6;
	s6 =	ssub.s32 $0x2, s6  }
0x8: {  	_ =	strace $0x80000047;
	s11 =	sshll.u32 s0, $0x6;
	s31 =	sshrl.u32 s6, $0x1  }
0x9: {  	s11 =	sor.u32 $0x1C01, s11;
	s7 =	sadd.s32 s8, s7;
	s30 =	sadd.s32 s9, s10  }
0xa: {  	s6 =	ssub.s32 s6, s31;
	s10 =	simm.s32 $0x100;
	s7 =	sshrl.u32 s7, $0x3  }
0xb: {  	s8 =	sshrl.u32 s30, $0x3;
	s6 =	smax.u32 s6, $0x1;
	s7 =	sadd.s32 s7, s4  }
0xc: {  	s4 =	sadd.s32 s9, s2;
	s5 =	sadd.s32 s5, s8;
	s8 =	simm.s32 $0x3900  }
0xd: {  	v0 =	vimm.f32 $1.000000000e+00;
	v1 =	vimm.f32 $0.0e+00;
	s9 =	simm.s32 $0x1;
	s7 =	sadd.s32 $0xFA00, s7;
	s12 =	sshrl.u32 s4, $0x3  }
.LBB2_1:
0xe: {  	s14 =	simm.s32 $0x0  }
.LBB2_2:
0xf: {  	p0 =	sne.s32 s14, $0x3FC0  }
.Ltmp0:
0x10: {  	_ = 	snop;
	(pc) =	sbr.rel @p0 .LBB2_2-.Ltmp0, $3  }
0x11: {  	_ =	sdelay $0x1  }
0x12: {  	s15 =	sshra.s32 s14, $0x2  }
0x13: {  	s14 =	sadd.s32 $0x40, s14;
	[tilespmem:s15+$0x100] =	vst v0  }
0x14: {  	s14 =	simm.s32 $0x40;
	s15 =	simm.s32 $0x0  }
.LBB2_4:
0x15: {  	p0 =	sne.s32 s14, $0x9FC0;
	[tilespmem:s15+$0x3900] =	vst v1;
	s15 =	smov.u32 s14;
	s14 =	sadd.s32 $0x40, s14  }
.Ltmp1:
0x16: {  	(pc) =	sbr.rel @p0 .LBB2_4-.Ltmp1, $2  }
0x17: {  	_ =	sdelay $0x2  }
0x18: {  	s15 =	sshra.s32 s15, $0x2  }
0x19: {  	[tilespmem:s15+$0x3900] =	vst v1  }
0x1a: {  	[spmem:s4] =	stream.linear.scatter [tilespmem:s8], [sflag:$0x1], $0x2800, $0x38;
	[tilespmem:$0x6100] =	vst v63  }
0x1b: {  	_ =	swait.ge [sflag:s9], $0x2800  }
0x1c: {  	[sflag:s9] =	ssyncset.done $0x0  }
0x1d: {  	[sflag:s9] =	ssyncadd.s32 $0xFFFFD800  }
0x1e: {  	s14 =	sadd.s32 $0x0, s7;
	[bflag:$0x0] =	sbarrier.arrive $0xFFFF  }
0x1f: {  	[tilespmem:s3], [sflag:$0x1] =	stream.linear.gather [hbm4b:s14+s3], $0x100, $0x38;
	[tilespmem:$0x6100] =	vst v63  }
0x20: {  	_ =	swait.ge [sflag:s9], $0x100  }
0x21: {  	[sflag:s9] =	ssyncset.done $0x0  }
0x22: {  	[sflag:s9] =	ssyncadd.s32 $0xFFFFFF00  }
0x23: {  	[spmem:s2] =	stream.indirect.scatter.add.f32 [tilespmem:s10], [sflag:$0x1], $0x10, s3, s10, $0xb8;
	[tilespmem:$0x6100] =	vst v63  }
0x24: {  	_ =	swait.ge [sflag:s9], $0x1000  }
0x25: {  	s15 =	simm.s32 $0x40;
	s14 =	simm.s32 $0x20;
	[sflag:s9] =	ssyncset.done $0x0  }
.LBB2_6:
0x26: {  	s16 =	sadd.s32 s14, s7  }
0x27: {  	[sflag:s9] =	ssyncadd.s32 $0xFFFFF000;
	s14 =	smov.u32 s15;
	s17 =	sadd.s32 $0x20, s15  }
0x28: {  	[tilespmem:s3], [sflag:$0x1] =	stream.linear.gather [hbm4b:s16+s3], $0x100, $0x38;
	[tilespmem:$0x6100] =	vst v63  }
0x29: {  	p0 =	sne.s32 s15, $0x520;
	_ =	swait.ge [sflag:s9], $0x100  }
.Ltmp2:
0x2a: {  	[sflag:s9] =	ssyncset.done $0x0;
	(pc) =	sbr.rel @p0 .LBB2_6-.Ltmp2, $4  }
0x2b: {  	[sflag:s9] =	ssyncadd.s32 $0xFFFFFF00  }
0x2c: {  	[spmem:s2] =	stream.indirect.scatter.add.f32 [tilespmem:s10], [sflag:$0x1], $0x10, s3, s10, $0xb8;
	[tilespmem:$0x6100] =	vst v63  }
0x2d: {  	_ =	swait.ge [sflag:s9], $0x1000  }
0x2e: {  	s15 =	smov.u32 s17;
	[sflag:s9] =	ssyncset.done $0x0  }
0x2f: {  	s14 =	sadd.s32 s14, s7;
	[sflag:s9] =	ssyncadd.s32 $0xFFFFF000  }
0x30: {  	[tilespmem:s3], [sflag:$0x1] =	stream.linear.gather [hbm4b:s14+s3], $0x100, $0x38;
	[tilespmem:$0x6100] =	vst v63  }
0x31: {  	_ =	swait.ge [sflag:s9], $0x100  }
0x32: {  	[sflag:s9] =	ssyncset.done $0x0  }
0x33: {  	[sflag:s9] =	ssyncadd.s32 $0xFFFFFF00  }
0x34: {  	[spmem:s2] =	stream.indirect.scatter.add.f32 [tilespmem:s10], [sflag:$0x1], $0x10, s3, s10, $0xb8;
	[tilespmem:$0x6100] =	vst v63  }
0x35: {  	_ =	swait.ge [sflag:s9], $0x1000  }
0x36: {  	s13 =	sadd.s32 $0x1, s13;
	[sflag:s9] =	ssyncset.done $0x0  }
0x37: {  	p0 =	sne.s32 s13, s6;
	[sflag:s9] =	ssyncadd.s32 $0xFFFFF000  }
.Ltmp3:
0x38: {  	[bflag:$0x0] =	sbarrier.arrive $0xFFFF;
	(pc) =	sbr.rel @p0 .LBB2_1-.Ltmp3, $4  }
0x39: {  	[hbm:s5], [sflag:s11] =	dma.local [spmem:s12], $0x500  }
0x3a: {  	_ =	swait.ge [sflag:s9], $0x500  }
0x3b: {  	[sflag:s9] =	ssyncset.done $0x0  }
0x3c: {  	[sflag:s9] =	ssyncadd.s32 $0xFFFFFB00  }
0x3d: {  	_ =	sfence.sel $0x180000  }
0x3e: {  	[bflag:$0x0] =	sbarrier.arrive $0xFFFF  }
0x3f: {  	p0 =	sne.s32 s0, $0x0;
	_ =	strace $0x90000047  }
0x40: {  	s0 =	sadd.s32 @!p0 $0x100000, s1;
	[bflag:$0x2] =	sbarrier.arrive $0xFFFF  }
0x41: {  	[sflag:s0] =	ssyncadd.tile.s32 @!p0 $0x1;
	_ =	shalt  }
.Lfunc_end2:
_tile_overlayer_lowered:
.L_overlay_start_2:
0x42: {  	(tag) =	ssettag $0x2  }
0x43: {  	s0 =	rddreg [dreg:$0x0];
	s2 =	stileid.u32  }
0x44: {  	s1 =	rddreg [dreg:$0x1];
	p0 =	sne.s32 s2, $0x0  }
0x45: {  	s3 =	rddreg [dreg:$0x2];
	[bflag:$0x3] =	sbarrier.arrive $0xFFFF;
	s2 =	simm.s32 @!p0 $0x1C01  }
0x46: {  	[timem:s3], [sflag:s2] =	dma.local @!p0 [hbm:s0], s1  }
0x47: {  	s0 =	simm.s32 @!p0 $0x1  }
0x48: {  	_ =	swait.ge @!p0 [sflag:s0], s1  }
0x49: {  	s1 =	ssub.s32 @!p0 $0x0, s1;
	[sflag:s0] =	ssyncset.done @!p0 $0x0  }
0x4a: {  	[sflag:s0] =	ssyncadd.s32 @!p0 s1  }
0x4b: {  	[bflag:$0x3] =	sbarrier.arrive $0xFFFF  }
0x4c: {  	_ =	shalt  }

// kernel: kernel.21.cloned.1.call-start
scs
__scs_entry_jumppad:
0x0: {  	(pc) =	sbr.rel $0x88, $3  }
0x1: {  	(tag) =	ssettag $0x0;
	lr =	simm.s32 $0x1  }
0x2: {  	[smem:$0x3F75] =	sst lr;
	_ =	strace $0xD0000000  }
0x3: {  	_ = 	snop  }
0x4: {  	_ = 	snop  }
0x5: {  	_ = 	snop  }
0x6: {  	_ = 	snop  }
0x7: {  	_ = 	snop  }
__scs_overlays_trampoline_lowered:
0x8: {  	[smem:$0x3F84] =	sst s0  }
0x9: {  	[smem:$0x3F85] =	sst s1  }
0xa: {  	[smem:$0x3F86] =	sst s2  }
0xb: {  	[smem:$0x3F87] =	sst s3  }
0xc: {  	[smem:$0x3F88] =	sst s4  }
0xd: {  	[smem:$0x3F89] =	sst s5  }
0xe: {  	[smem:$0x3F8A] =	sst s6  }
0xf: {  	[smem:$0x3F8B] =	sst s7  }
0x10: {  	[smem:$0x3F8C] =	sst s8  }
0x11: {  	[smem:$0x3F8D] =	sst s9;
	s0 =	simm.s32 @!p0 $0x0  }
0x12: {  	s1 =	sld [smem:$0x3F73];
	s0 =	simm.s32 @p0 $0x1  }
0x13: {  	[smem:$0x3F8E] =	sst s0;
	s0 =	simm.s32 @!p1 $0x0  }
0x14: {  	s2 =	sld [smem:$0x3F72];
	s0 =	simm.s32 @p1 $0x1  }
0x15: {  	[smem:$0x3F8F] =	sst s0;
	s0 =	simm.s32 @!p2 $0x0  }
0x16: {  	s3 =	sld [smem:$0x3FDB];
	s0 =	simm.s32 @p2 $0x1  }
0x17: {  	s4 =	simm.s32 $0x1BF5;
	[smem:$0x3F91] =	sst s0  }
0x18: {  	s0 =	sld [smem:$0x3F74];
	_ =	swait.ge [sflag:s4], $0x0  }
0x19: {  	s7 =	sld [smem:$0x3F75]  }
0x1a: {  	s8 =	sadd.s32 $0xFFFFE003, lr  }
0x1b: {  	s9 =	sadd.s32 $0xFFFFFEF7, lr;
	s5 =	simm.s32 $0xFFFFFFFF;
	p2 =	slt.u32 s8, $0xFFFFF086  }
0x1c: {  	p1 =	slt.u32 s9, $0xF7A;
	s5 =	simm.s32 @!p2 $0x0  }
0x1d: {  	s5 =	simm.s32 @p1 $0x1;
	p0 =	seq.s32 s7, s2  }
0x1e: {  	s7 =	smul.u32 @!p0 $0xF7A, s2;
	p2 =	seq.s32 @!p0 s5, $0x0  }
0x1f: {  	s9 =	smul.u32 $0xF7A, s1;
	s8 =	simm.s32 @!p0 $0x1BF5;
	p2 =	por !p2, p0  }
0x20: {  	[sflag:s8] =	ssyncset.s32 @!p0 $0xFFFFF086;
	s6 =	sadd.s32 @!p0 s3, s7;
	s7 =	simm.s32 @!p0 $0x108  }
0x21: {  	s3 =	sadd.s32 s3, s9;
	s6 =	sadd.s32 @!p0 $0x88, s6;
	s7 =	simm.s32 @p2 $0x1082  }
0x22: {  	[simem:s7], [sflag:s8] =	dma.local @!p0 [hbm:s6], $0xF7A  }
0x23: {  	s9 =	sor.u32 $0xD0000000, s2;
	s6 =	simm.s32 $0x108;
	_ =	swait.ge @!p0 [sflag:s8], $0x0  }
0x24: {  	s3 =	sadd.s32 $0x88, s3;
	s6 =	simm.s32 @!p1 $0x1082;
	[sflag:s4] =	ssyncset.s32 $0xFFFFF086  }
0x25: {  	[simem:s6], [sflag:s4] =	dma.local [hbm:s3], $0xF7A  }
0x26: {  	[smem:$0x3F75] =	sst s1;
	(tag) =	ssettag s2;
	_ =	strace s9  }
0x27: {  	s1 =	sld [smem:$0x3F85]  }
0x28: {  	s2 =	sld [smem:$0x3F86]  }
0x29: {  	s4 =	sld [smem:$0x3F88]  }
0x2a: {  	p0 =	seq.s32 s5, $0x0;
	s5 =	sld [smem:$0x3F89]  }
0x2b: {  	s6 =	sld [smem:$0x3F8A]  }
0x2c: {  	s7 =	sld [smem:$0x3F8B]  }
0x2d: {  	s3 =	simm.s32 $0x108;
	s8 =	sld [smem:$0x3F8C]  }
0x2e: {  	s3 =	simm.s32 @!p0 $0x1082;
	s9 =	sld [smem:$0x3F8D]  }
0x2f: {  	lr =	sadd.s32 s0, s3;
	s0 =	sld [smem:$0x3F84]  }
0x30: {  	s3 =	sld [smem:$0x3F87]  }
0x31: {  	[smem:$0x3F90] =	sst s10  }
0x32: {  	s10 =	sld [smem:$0x3F8E];
	_ =	sdelay $0x3  }
0x33: {  	p0 =	seq.s32 s10, $0x1;
	s10 =	sld [smem:$0x3F90];
	_ =	sdelay $0x3  }
0x34: {  	[smem:$0x3F90] =	sst s10  }
0x35: {  	s10 =	sld [smem:$0x3F8F];
	_ =	sdelay $0x3  }
0x36: {  	p1 =	seq.s32 s10, $0x1;
	s10 =	sld [smem:$0x3F90];
	_ =	sdelay $0x3  }
0x37: {  	[smem:$0x3F90] =	sst s10  }
0x38: {  	s10 =	sld [smem:$0x3F91]  }
0x39: {  	_ = 	snop;
	(pc) =	sbr.ind lr, $3  }
0x3a: {  	_ = 	snop  }
0x3b: {  	_ = 	snop  }
0x3c: {  	p2 =	seq.s32 s10, $0x1;
	s10 =	sld [smem:$0x3F90]  }
0x3d: {  	_ =	shalt  }
0x3e: {  	_ =	shalt  }
0x3f: {  	_ =	shalt  }
0x40: {  	_ =	shalt  }
0x41: {  	_ =	shalt  }
0x42: {  	_ =	shalt  }
0x43: {  	_ =	shalt  }
0x44: {  	_ =	shalt  }
0x45: {  	_ =	shalt  }
0x46: {  	_ =	shalt  }
0x47: {  	_ =	shalt  }
0x48: {  	_ =	shalt  }
0x49: {  	_ =	shalt  }
0x4a: {  	_ =	shalt  }
0x4b: {  	_ =	shalt  }
0x4c: {  	_ =	shalt  }
0x4d: {  	_ =	shalt  }
0x4e: {  	_ =	shalt  }
0x4f: {  	_ =	shalt  }
0x50: {  	_ =	shalt  }
0x51: {  	_ =	shalt  }
0x52: {  	_ =	shalt  }
0x53: {  	_ =	shalt  }
0x54: {  	_ =	shalt  }
0x55: {  	_ =	shalt  }
0x56: {  	_ =	shalt  }
0x57: {  	_ =	shalt  }
0x58: {  	_ =	shalt  }
0x59: {  	_ =	shalt  }
0x5a: {  	_ =	shalt  }
0x5b: {  	_ =	shalt  }
0x5c: {  	_ =	shalt  }
0x5d: {  	_ =	shalt  }
0x5e: {  	_ =	shalt  }
0x5f: {  	_ =	shalt  }
0x60: {  	_ =	shalt  }
0x61: {  	_ =	shalt  }
0x62: {  	_ =	shalt  }
0x63: {  	_ =	shalt  }
0x64: {  	_ =	shalt  }
0x65: {  	_ =	shalt  }
0x66: {  	_ =	shalt  }
0x67: {  	_ =	shalt  }
0x68: {  	_ =	shalt  }
0x69: {  	_ =	shalt  }
0x6a: {  	_ =	shalt  }
0x6b: {  	_ =	shalt  }
0x6c: {  	_ =	shalt  }
0x6d: {  	_ =	shalt  }
0x6e: {  	_ =	shalt  }
0x6f: {  	_ =	shalt  }
0x70: {  	_ =	shalt  }
0x71: {  	_ =	shalt  }
0x72: {  	_ =	shalt  }
0x73: {  	_ =	shalt  }
0x74: {  	_ =	shalt  }
0x75: {  	_ =	shalt  }
0x76: {  	_ =	shalt  }
0x77: {  	_ =	shalt  }
0x78: {  	_ =	shalt  }
0x79: {  	_ =	shalt  }
0x7a: {  	_ =	shalt  }
0x7b: {  	_ =	shalt  }
0x7c: {  	_ =	shalt  }
0x7d: {  	_ =	shalt  }
0x7e: {  	_ =	shalt  }
0x7f: {  	_ =	shalt  }
0x80: {  	_ =	shalt  }
0x81: {  	_ =	shalt  }
0x82: {  	_ =	shalt  }
0x83: {  	_ =	shalt  }
0x84: {  	_ =	shalt  }
0x85: {  	_ =	shalt  }
0x86: {  	_ =	shalt  }
0x87: {  	_ =	shalt  }
.Lfunc_end0:
.L_simem_size_0:
called_computation.1_lowered:
.L_overlay_start_0:
0x88: {  	s2 =	sld [smem:$0x3FD9]  }
0x89: {  	s3 =	sld [smem:$0x3FFE];
	_ =	sdelay $0x1  }
0x8a: {  	s1 =	srdreg.scid  }
0x8b: {  	s0 =	sand.u32 $0x1, s1  }
0x8c: {  	s16 =	sshll.u32 s0, $0xA;
	s2 =	sadd.s32 s3, s2  }
0x8d: {  	s2 =	sadd.s32 s2, s16  }
0x8e: {  	[smem:$0x3F9C] =	sst s2  }
0x8f: {  	_ = 	snop  }
0x90: {  	(tm) =	ssettm $0x1  }
0x91: {  	s17 =	sld [smem:$0x3FFB];
	_ =	sdelay $0x3  }
0x92: {  	_ =	strace s17  }
0x93: {  	s2 =	sld [smem:$0x3FFC];
	_ =	sdelay $0x3  }
0x94: {  	_ =	strace s2  }
0x95: {  	s2 =	sld [smem:$0x3FFD];
	_ =	sdelay $0x3  }
0x96: {  	_ =	strace s2  }
0x97: {  	_ =	strace $0x8FFFFFFF  }
0x98: {  	s18 =	sld [smem:$0x3FDB];
	_ =	sdelay $0x1  }
0x99: {  	s19 =	simm.s32 $_scs_section_size  }
0x9a: {  	s4 =	simm.s32 $_size__tile_overlayer_lowered;
	s5 =	simm.s32 $_tile_overlayer_lowered  }
0x9b: {  	s22 =	simm.s32 $0x1BFF;
	s21 =	sshll.u32 s5, $0x1;
	s2 =	sadd.s32 s19, s18  }
0x9c: {  	s6 =	simm.s32 $0x0;
	s20 =	sshll.u32 s4, $0x1;
	s4 =	sadd.s32 s21, s2  }
0x9d: {  	[timem:s6], [sflag:s22] =	dma.local [hbm:s4], s20  }
0x9e: {  	_ =	swait.ge [sflag:s22], s20  }
0x9f: {  	s3 =	ssub.s32 $0x0, s20;
	[sflag:s22] =	ssyncset.done $0x0  }
0xa0: {  	[sflag:s22] =	ssyncadd.s32 s3;
	_ =	sdelay $0x1  }
0xa1: {  	s23 =	simm.s32 $0x1B8B  }
0xa2: {  	_ =	swait.ge [sflag:s23], $0x1  }
0xa3: {  	[sflag:s23] =	ssyncset.done $0x0  }
0xa4: {  	s25 =	simm.s32 $0x1B8E;
	s24 =	sld [smem:$0x3FFE];
	[sflag:s23] =	ssyncadd.s32 $0xFFFFFFFF  }
0xa5: {  	s26 =	simm.s32 $execute0_lowered;
	[smem:$0x3FD2] =	sst s25  }
0xa6: {  	s4 =	sshll.u32 s26, $0x1;
	_ =	strace $0x80000049;
	[dreg:$0x1] =	wrdreg $0xFFFFFFFF  }
0xa7: {  	s28 =	simm.s32 $_size_execute0_lowered;
	s2 =	sadd.s32 s2, s4;
	[dreg:$0x0] =	wrdreg $0x0  }
0xa8: {  	s4 =	sshll.u32 s28, $0x1;
	[dreg:$0x2] =	wrdreg s2  }
0xa9: {  	[dreg:$0x3] =	wrdreg s4  }
0xaa: {  	[dreg:$0x4] =	wrdreg $0xC0  }
0xab: {  	_ =	task [dreg:s6], $0x5FFFF  }
0xac: {  	[dreg:$0x1] =	wrdreg $0xFFFFFFFF  }
0xad: {  	[dreg:$0x0] =	wrdreg $0x60  }
0xae: {  	[dreg:$0x2] =	wrdreg s24  }
0xaf: {  	[dreg:$0x3] =	wrdreg $0x134000  }
0xb0: {  	[dreg:$0x4] =	wrdreg $0x94000  }
0xb1: {  	[dreg:$0x5] =	wrdreg $0x9  }
0xb2: {  	_ =	task.clear_ibuf [dreg:s6], $0x6FFFF;
	_ =	strace $0x90000049  }
0xb3: {  	s29 =	simm.s32 $0x9;
	_ =	strace $0x8000004B  }
0xb4: {  	_ =	swait.ge [sflag:s29], $0x1  }
0xb5: {  	[sflag:s29] =	ssyncadd.s32 $0xFFFFFFFF  }
0xb6: {  	_ =	strace $0x9000004B  }
0xb7: {  	_ =	sfence  }
0xb8: {  	s30 =	sld [smem:$0x0];
	_ =	sdelay $0x2  }
0xb9: {  	s31 =	sshll.u32 s1, $0xD;
	s1 =	sshrl.u32 s1, $0x2  }
0xba: {  	s3 =	sand.u32 $0x4000, s31;
	s1 =	sadd.s32 s1, s30  }
0xbb: {  	s0 =	sor.u32 s3, s0;
	s1 =	sshll.u32 s1, $0x11  }
0xbc: {  	s0 =	sor.u32 s1, s0  }
0xbd: {  	s0 =	sadd.s32 $0x8F2B, s0  }
0xbe: {  	[sflag:s0] =	ssyncadd.remote.s32 $0x1  }
0xbf: {  	_ =	sfence.sel $0xFFFF  }
0xc0: {  	[dreg:$0x0] =	wrdreg $0xFFFFFFFF;
	(pc) =	sbr.abs _section_cstart, $3  }
0xc1: {  	[dreg:$0x1] =	wrdreg $0xFFFFFFFF  }
0xc2: {  	_ =	task.clear_ibuf [dreg:s6], $0x2FFFF;
	_ =	strace $0x9FFFFFFF  }
0xc3: {  	(tm) =	ssettm $0x7FFFFFFF  }
tec
execute0_lowered:
.L_overlay_start_1:
0x0: {  	(tag) =	ssettag $0x1  }
0x1: {  	s7 =	rddreg [dreg:$0x0]  }
0x2: {  	s2 =	rddreg [dreg:$0x1]  }
0x3: {  	s0 =	srdreg.scid;
	s3 =	rddreg [dreg:$0x2];
	s4 =	simm.s32 $0x0  }
0x4: {  	s16 =	simm.s32 $0x80;
	s17 =	simm.s32 $0x5400;
	s18 =	simm.s32 $0x1  }
0x5: {  	s19 =	simm.s32 $0x7400;
	s20 =	simm.s32 $0x2;
	s21 =	simm.s32 $0x2A80  }
0x6: {  	s22 =	simm.s32 $0x3;
	s23 =	simm.s32 $0x100;
	s24 =	simm.s32 $0x4  }
0x7: {  	s25 =	simm.s32 $0x0;
	s6 =	sand.u32 $0x1, s0;
	s0 =	stileid.u32  }
0x8: {  	[smem:$0x7FF] =	sst s4;
	s1 =	sshll.u32 s6, $0x4;
	s8 =	smul.u32 $0x14000, s0  }
0x9: {  	s9 =	smul.u32 $0x140000, s6;
	s6 =	ssub.s32 $0x2, s6;
	s1 =	sor.u32 s0, s1  }
0xa: {  	s31 =	sshll.u32 s0, $0x6;
	s30 =	sshrl.u32 s6, $0x1;
	s5 =	smul.u32 $0x540, s1  }
0xb: {  	s1 =	rddreg [dreg:$0x3];
	_ =	strace $0x8000004A;
	s11 =	sshrl.u32 s8, $0x4  }
0xc: {  	s9 =	sadd.s32 s8, s9;
	s8 =	sshrl.u32 s8, $0x1;
	s13 =	ssub.s32 s6, s30  }
0xd: {  	s11 =	sadd.s32 s11, s7;
	s9 =	sshrl.u32 s9, $0x4;
	s14 =	sadd.s32 s8, s2  }
.Ltmp0:
0xe: {  	s15 =	sadd.s32 s8, s3;
	s10 =	sadd.s32 s5, s7;
	(pc) =	sbr.rel .LBB2_1-.Ltmp0, $4  }
0xf: {  	s5 =	sadd.s32 $0x24A00, s7;
	s12 =	sadd.s32 s9, s7;
	s6 =	sadd.s32 $0x112600, s11  }
0x10: {  	s7 =	sor.u32 $0x1C05, s31;
	s11 =	smax.u32 s13, $0x1;
	s13 =	simm.s32 $0x5  }
0x11: {  	s8 =	sadd.s32 $0x1A200, s10;
	s9 =	sadd.s32 $0xFA00, s10;
	s10 =	sadd.s32 $0x126600, s12  }
0x12: {  	s12 =	sshrl.u32 s14, $0x3;
	s14 =	sshrl.u32 s15, $0x3;
	s15 =	simm.s32 $0x2A00  }
.LBB2_4:
0x13: {  	_ =	swait.ge [sflag:s24], $0x2000  }
0x14: {  	[sflag:s24] =	ssyncset.done $0x0  }
0x15: {  	s25 =	sadd.s32 $0x1, s25;
	[sflag:s24] =	ssyncadd.s32 $0xFFFFE000  }
0x16: {  	p0 =	sne.s32 s25, s11;
	[bflag:$0x0] =	sbarrier.arrive $0xFFFF  }
0x17: {  	[hbm:s10], [sflag:s7] =	dma.local [spmem:s14], $0x1400  }
.Ltmp1:
0x18: {  	_ =	swait.ge [sflag:s13], $0x1400;
	(pc) =	sbr.rel @!p0 .LBB2_5-.Ltmp1, $3  }
0x19: {  	[sflag:s13] =	ssyncset.done $0x0  }
0x1a: {  	[sflag:s13] =	ssyncadd.s32 $0xFFFFEC00  }
0x1b: {  	[bflag:$0x0] =	sbarrier.arrive $0xFFFF;
	_ =	sdelay $0x1  }
.LBB2_1:
0x1c: {  	[spmem:s12], [sflag:s7] =	dma.local [hbm:s6], $0x1400  }
0x1d: {  	_ =	swait.ge [sflag:s13], $0x1400  }
0x1e: {  	[sflag:s13] =	ssyncset.done $0x0  }
0x1f: {  	[sflag:s13] =	ssyncadd.s32 $0xFFFFEC00  }
0x20: {  	[spmem:s14], [sflag:s7] =	dma.local [hbm:s5], $0x1400  }
0x21: {  	_ =	swait.ge [sflag:s13], $0x1400  }
0x22: {  	[sflag:s13] =	ssyncset.done $0x0  }
0x23: {  	[sflag:s13] =	ssyncadd.s32 $0xFFFFEC00  }
0x24: {  	[bflag:$0x0] =	sbarrier.arrive $0xFFFF  }
0x25: {  	[tilespmem:s4], [sflag:$0x5] =	stream.linear.gather [hbm4b:s8+s4], $0x2A00, $0x38;
	[tilespmem:$0x1D400] =	vst v63  }
0x26: {  	_ =	swait.ge [sflag:s13], $0x2A00  }
0x27: {  	[sflag:s13] =	ssyncset.done $0x0  }
0x28: {  	[sflag:s13] =	ssyncadd.s32 $0xFFFFD600  }
0x29: {  	[tilespmem:s15], [sflag:$0x5] =	stream.linear.gather [hbm4b:s9+s4], $0x2A00, $0x38;
	[tilespmem:$0x1D400] =	vst v63  }
0x2a: {  	_ =	swait.ge [sflag:s13], $0x2A00  }
0x2b: {  	[sflag:s13] =	ssyncset.done $0x0  }
0x2c: {  	[sflag:s13] =	ssyncadd.s32 $0xFFFFD600  }
0x2d: {  	[tilespmem:s17], [sflag:$0x1] =	stream.indirect.gather [spmem:s2], $0x40, s4, s16, $0xb8;
	[tilespmem:$0x1D400] =	vst v63  }
0x2e: {  	_ =	swait.ge [sflag:s18], $0x2000  }
0x2f: {  	[sflag:s18] =	ssyncset.done $0x0  }
0x30: {  	[sflag:s18] =	ssyncadd.s32 $0xFFFFE000  }
0x31: {  	[spmem:s3] =	stream.indirect.scatter.add.bf16 [tilespmem:s17], [sflag:$0x3], $0x40, s15, s16, $0xb8;
	[tilespmem:$0x1D400] =	vst v63  }
0x32: {  	_ = 	snop  }
0x33: {  	[tilespmem:s19], [sflag:$0x2] =	stream.indirect.gather [spmem:s2], $0x40, s16, s16, $0xb8;
	[tilespmem:$0x1D400] =	vst v63  }
0x34: {  	_ =	swait.ge [sflag:s20], $0x2000  }
0x35: {  	[sflag:s20] =	ssyncset.done $0x0  }
0x36: {  	[sflag:s20] =	ssyncadd.s32 $0xFFFFE000  }
0x37: {  	[spmem:s3] =	stream.indirect.scatter.add.bf16 [tilespmem:s19], [sflag:$0x4], $0x40, s21, s16, $0xb8;
	[tilespmem:$0x1D400] =	vst v63  }
0x38: {  	_ =	swait.ge [sflag:s22], $0x2000  }
0x39: {  	[sflag:s22] =	ssyncset.done $0x0  }
0x3a: {  	s26 =	simm.s32 $0xFFFF6000;
	[sflag:s22] =	ssyncadd.s32 $0xFFFFE000  }
0x3b: {  	[tilespmem:s17], [sflag:$0x1] =	stream.indirect.gather [spmem:s2], $0x40, s23, s16, $0xb8;
	[tilespmem:$0x1D400] =	vst v63  }
.LBB2_2:
0x3c: {  	_ =	swait.ge [sflag:s18], $0x2000  }
0x3d: {  	s28 =	sshra.s32 s26, $0x2;
	[sflag:s18] =	ssyncset.done $0x0  }
0x3e: {  	s29 =	sadd.s32 $0x5300, s28;
	[sflag:s18] =	ssyncadd.s32 $0xFFFFE000  }
0x3f: {  	[spmem:s3] =	stream.indirect.scatter.add.bf16 [tilespmem:s17], [sflag:$0x3], $0x40, s29, s16, $0xb8;
	[tilespmem:$0x1D400] =	vst v63  }
0x40: {  	_ =	swait.ge [sflag:s24], $0x2000  }
0x41: {  	[sflag:s24] =	ssyncset.done $0x0  }
0x42: {  	s30 =	sadd.s32 $0x2980, s28;
	[sflag:s24] =	ssyncadd.s32 $0xFFFFE000  }
0x43: {  	[tilespmem:s19], [sflag:$0x2] =	stream.indirect.gather [spmem:s2], $0x40, s30, s16, $0xb8;
	[tilespmem:$0x1D400] =	vst v63  }
0x44: {  	_ =	swait.ge [sflag:s20], $0x2000  }
0x45: {  	p0 =	seq.s32 s26, $0x0;
	[sflag:s20] =	ssyncset.done $0x0  }
.Ltmp2:
0x46: {  	s31 =	sadd.s32 $0x5380, s28;
	[sflag:s20] =	ssyncadd.s32 $0xFFFFE000;
	(pc) =	sbr.rel @p0 .LBB2_4-.Ltmp2, $4  }
0x47: {  	[spmem:s3] =	stream.indirect.scatter.add.bf16 [tilespmem:s19], [sflag:$0x4], $0x40, s31, s16, $0xb8;
	[tilespmem:$0x1D400] =	vst v63  }
0x48: {  	_ =	swait.ge [sflag:s22], $0x2000  }
0x49: {  	[sflag:s22] =	ssyncset.done $0x0  }
0x4a: {  	[sflag:s22] =	ssyncadd.s32 $0xFFFFE000  }
.Ltmp3:
0x4b: {  	(pc) =	sbr.rel .LBB2_2-.Ltmp3, $3  }
0x4c: {  	_ =	sdelay $0x1  }
0x4d: {  	s28 =	sadd.s32 $0x2A00, s28;
	s26 =	sadd.s32 $0x400, s26  }
0x4e: {  	[tilespmem:s17], [sflag:$0x1] =	stream.indirect.gather [spmem:s2], $0x40, s28, s16, $0xb8;
	[tilespmem:$0x1D400] =	vst v63  }
.LBB2_5:
0x4f: {  	_ =	sfence.sel $0x180000  }
0x50: {  	[bflag:$0x0] =	sbarrier.arrive $0xFFFF  }
0x51: {  	p0 =	sne.s32 s0, $0x0;
	_ =	strace $0x9000004A  }
0x52: {  	s0 =	sadd.s32 @!p0 $0x100000, s1;
	[bflag:$0x2] =	sbarrier.arrive $0xFFFF  }
0x53: {  	[sflag:s0] =	ssyncadd.tile.s32 @!p0 $0x1;
	_ =	shalt  }
.Lfunc_end2:
_tile_overlayer_lowered:
.L_overlay_start_2:
0x54: {  	(tag) =	ssettag $0x2  }
0x55: {  	s0 =	rddreg [dreg:$0x0];
	s2 =	stileid.u32  }
0x56: {  	s1 =	rddreg [dreg:$0x1];
	p0 =	sne.s32 s2, $0x0  }
0x57: {  	s3 =	rddreg [dreg:$0x2];
	[bflag:$0x3] =	sbarrier.arrive $0xFFFF;
	s2 =	simm.s32 @!p0 $0x1C05  }
0x58: {  	[timem:s3], [sflag:s2] =	dma.local @!p0 [hbm:s0], s1  }
0x59: {  	s0 =	simm.s32 @!p0 $0x5  }
0x5a: {  	_ =	swait.ge @!p0 [sflag:s0], s1  }
0x5b: {  	s1 =	ssub.s32 @!p0 $0x0, s1;
	[sflag:s0] =	ssyncset.done @!p0 $0x0  }
0x5c: {  	[sflag:s0] =	ssyncadd.s32 @!p0 s1  }
0x5d: {  	[bflag:$0x3] =	sbarrier.arrive $0xFFFF  }
0x5e: {  	_ =	shalt  }

// kernel: kernel.24.cloned.1.call-start
scs
__scs_entry_jumppad:
0x0: {  	(pc) =	sbr.rel $0x88, $3  }
0x1: {  	(tag) =	ssettag $0x0;
	lr =	simm.s32 $0x1  }
0x2: {  	[smem:$0x3F75] =	sst lr;
	_ =	strace $0xD0000000  }
0x3: {  	_ = 	snop  }
0x4: {  	_ = 	snop  }
0x5: {  	_ = 	snop  }
0x6: {  	_ = 	snop  }
0x7: {  	_ = 	snop  }
__scs_overlays_trampoline_lowered:
0x8: {  	[smem:$0x3F84] =	sst s0  }
0x9: {  	[smem:$0x3F85] =	sst s1  }
0xa: {  	[smem:$0x3F86] =	sst s2  }
0xb: {  	[smem:$0x3F87] =	sst s3  }
0xc: {  	[smem:$0x3F88] =	sst s4  }
0xd: {  	[smem:$0x3F89] =	sst s5  }
0xe: {  	[smem:$0x3F8A] =	sst s6  }
0xf: {  	[smem:$0x3F8B] =	sst s7  }
0x10: {  	[smem:$0x3F8C] =	sst s8  }
0x11: {  	[smem:$0x3F8D] =	sst s9;
	s0 =	simm.s32 @!p0 $0x0  }
0x12: {  	s1 =	sld [smem:$0x3F73];
	s0 =	simm.s32 @p0 $0x1  }
0x13: {  	[smem:$0x3F8E] =	sst s0;
	s0 =	simm.s32 @!p1 $0x0  }
0x14: {  	s2 =	sld [smem:$0x3F72];
	s0 =	simm.s32 @p1 $0x1  }
0x15: {  	[smem:$0x3F8F] =	sst s0;
	s0 =	simm.s32 @!p2 $0x0  }
0x16: {  	s3 =	sld [smem:$0x3FDB];
	s0 =	simm.s32 @p2 $0x1  }
0x17: {  	s4 =	simm.s32 $0x1BF5;
	[smem:$0x3F91] =	sst s0  }
0x18: {  	s0 =	sld [smem:$0x3F74];
	_ =	swait.ge [sflag:s4], $0x0  }
0x19: {  	s7 =	sld [smem:$0x3F75]  }
0x1a: {  	s8 =	sadd.s32 $0xFFFFE003, lr  }
0x1b: {  	s9 =	sadd.s32 $0xFFFFFEF7, lr;
	s5 =	simm.s32 $0xFFFFFFFF;
	p2 =	slt.u32 s8, $0xFFFFF086  }
0x1c: {  	p1 =	slt.u32 s9, $0xF7A;
	s5 =	simm.s32 @!p2 $0x0  }
0x1d: {  	s5 =	simm.s32 @p1 $0x1;
	p0 =	seq.s32 s7, s2  }
0x1e: {  	s7 =	smul.u32 @!p0 $0xF7A, s2;
	p2 =	seq.s32 @!p0 s5, $0x0  }
0x1f: {  	s9 =	smul.u32 $0xF7A, s1;
	s8 =	simm.s32 @!p0 $0x1BF5;
	p2 =	por !p2, p0  }
0x20: {  	[sflag:s8] =	ssyncset.s32 @!p0 $0xFFFFF086;
	s6 =	sadd.s32 @!p0 s3, s7;
	s7 =	simm.s32 @!p0 $0x108  }
0x21: {  	s3 =	sadd.s32 s3, s9;
	s6 =	sadd.s32 @!p0 $0x88, s6;
	s7 =	simm.s32 @p2 $0x1082  }
0x22: {  	[simem:s7], [sflag:s8] =	dma.local @!p0 [hbm:s6], $0xF7A  }
0x23: {  	s9 =	sor.u32 $0xD0000000, s2;
	s6 =	simm.s32 $0x108;
	_ =	swait.ge @!p0 [sflag:s8], $0x0  }
0x24: {  	s3 =	sadd.s32 $0x88, s3;
	s6 =	simm.s32 @!p1 $0x1082;
	[sflag:s4] =	ssyncset.s32 $0xFFFFF086  }
0x25: {  	[simem:s6], [sflag:s4] =	dma.local [hbm:s3], $0xF7A  }
0x26: {  	[smem:$0x3F75] =	sst s1;
	(tag) =	ssettag s2;
	_ =	strace s9  }
0x27: {  	s1 =	sld [smem:$0x3F85]  }
0x28: {  	s2 =	sld [smem:$0x3F86]  }
0x29: {  	s4 =	sld [smem:$0x3F88]  }
0x2a: {  	p0 =	seq.s32 s5, $0x0;
	s5 =	sld [smem:$0x3F89]  }
0x2b: {  	s6 =	sld [smem:$0x3F8A]  }
0x2c: {  	s7 =	sld [smem:$0x3F8B]  }
0x2d: {  	s3 =	simm.s32 $0x108;
	s8 =	sld [smem:$0x3F8C]  }
0x2e: {  	s3 =	simm.s32 @!p0 $0x1082;
	s9 =	sld [smem:$0x3F8D]  }
0x2f: {  	lr =	sadd.s32 s0, s3;
	s0 =	sld [smem:$0x3F84]  }
0x30: {  	s3 =	sld [smem:$0x3F87]  }
0x31: {  	[smem:$0x3F90] =	sst s10  }
0x32: {  	s10 =	sld [smem:$0x3F8E];
	_ =	sdelay $0x3  }
0x33: {  	p0 =	seq.s32 s10, $0x1;
	s10 =	sld [smem:$0x3F90];
	_ =	sdelay $0x3  }
0x34: {  	[smem:$0x3F90] =	sst s10  }
0x35: {  	s10 =	sld [smem:$0x3F8F];
	_ =	sdelay $0x3  }
0x36: {  	p1 =	seq.s32 s10, $0x1;
	s10 =	sld [smem:$0x3F90];
	_ =	sdelay $0x3  }
0x37: {  	[smem:$0x3F90] =	sst s10  }
0x38: {  	s10 =	sld [smem:$0x3F91]  }
0x39: {  	_ = 	snop;
	(pc) =	sbr.ind lr, $3  }
0x3a: {  	_ = 	snop  }
0x3b: {  	_ = 	snop  }
0x3c: {  	p2 =	seq.s32 s10, $0x1;
	s10 =	sld [smem:$0x3F90]  }
0x3d: {  	_ =	shalt  }
0x3e: {  	_ =	shalt  }
0x3f: {  	_ =	shalt  }
0x40: {  	_ =	shalt  }
0x41: {  	_ =	shalt  }
0x42: {  	_ =	shalt  }
0x43: {  	_ =	shalt  }
0x44: {  	_ =	shalt  }
0x45: {  	_ =	shalt  }
0x46: {  	_ =	shalt  }
0x47: {  	_ =	shalt  }
0x48: {  	_ =	shalt  }
0x49: {  	_ =	shalt  }
0x4a: {  	_ =	shalt  }
0x4b: {  	_ =	shalt  }
0x4c: {  	_ =	shalt  }
0x4d: {  	_ =	shalt  }
0x4e: {  	_ =	shalt  }
0x4f: {  	_ =	shalt  }
0x50: {  	_ =	shalt  }
0x51: {  	_ =	shalt  }
0x52: {  	_ =	shalt  }
0x53: {  	_ =	shalt  }
0x54: {  	_ =	shalt  }
0x55: {  	_ =	shalt  }
0x56: {  	_ =	shalt  }
0x57: {  	_ =	shalt  }
0x58: {  	_ =	shalt  }
0x59: {  	_ =	shalt  }
0x5a: {  	_ =	shalt  }
0x5b: {  	_ =	shalt  }
0x5c: {  	_ =	shalt  }
0x5d: {  	_ =	shalt  }
0x5e: {  	_ =	shalt  }
0x5f: {  	_ =	shalt  }
0x60: {  	_ =	shalt  }
0x61: {  	_ =	shalt  }
0x62: {  	_ =	shalt  }
0x63: {  	_ =	shalt  }
0x64: {  	_ =	shalt  }
0x65: {  	_ =	shalt  }
0x66: {  	_ =	shalt  }
0x67: {  	_ =	shalt  }
0x68: {  	_ =	shalt  }
0x69: {  	_ =	shalt  }
0x6a: {  	_ =	shalt  }
0x6b: {  	_ =	shalt  }
0x6c: {  	_ =	shalt  }
0x6d: {  	_ =	shalt  }
0x6e: {  	_ =	shalt  }
0x6f: {  	_ =	shalt  }
0x70: {  	_ =	shalt  }
0x71: {  	_ =	shalt  }
0x72: {  	_ =	shalt  }
0x73: {  	_ =	shalt  }
0x74: {  	_ =	shalt  }
0x75: {  	_ =	shalt  }
0x76: {  	_ =	shalt  }
0x77: {  	_ =	shalt  }
0x78: {  	_ =	shalt  }
0x79: {  	_ =	shalt  }
0x7a: {  	_ =	shalt  }
0x7b: {  	_ =	shalt  }
0x7c: {  	_ =	shalt  }
0x7d: {  	_ =	shalt  }
0x7e: {  	_ =	shalt  }
0x7f: {  	_ =	shalt  }
0x80: {  	_ =	shalt  }
0x81: {  	_ =	shalt  }
0x82: {  	_ =	shalt  }
0x83: {  	_ =	shalt  }
0x84: {  	_ =	shalt  }
0x85: {  	_ =	shalt  }
0x86: {  	_ =	shalt  }
0x87: {  	_ =	shalt  }
.Lfunc_end0:
.L_simem_size_0:
called_computation.2_lowered:
.L_overlay_start_0:
0x88: {  	s2 =	sld [smem:$0x3FD9]  }
0x89: {  	s3 =	sld [smem:$0x3FFE];
	_ =	sdelay $0x1  }
0x8a: {  	s1 =	srdreg.scid  }
0x8b: {  	s0 =	sand.u32 $0x1, s1  }
0x8c: {  	s16 =	sshll.u32 s0, $0xA;
	s2 =	sadd.s32 s3, s2  }
0x8d: {  	s2 =	sadd.s32 s2, s16  }
0x8e: {  	[smem:$0x3F9C] =	sst s2  }
0x8f: {  	_ = 	snop  }
0x90: {  	(tm) =	ssettm $0x1  }
0x91: {  	s17 =	sld [smem:$0x3FFB];
	_ =	sdelay $0x3  }
0x92: {  	_ =	strace s17  }
0x93: {  	s2 =	sld [smem:$0x3FFC];
	_ =	sdelay $0x3  }
0x94: {  	_ =	strace s2  }
0x95: {  	s2 =	sld [smem:$0x3FFD];
	_ =	sdelay $0x3  }
0x96: {  	_ =	strace s2  }
0x97: {  	_ =	strace $0x8FFFFFFF  }
0x98: {  	s18 =	sld [smem:$0x3FDB];
	_ =	sdelay $0x1  }
0x99: {  	s19 =	simm.s32 $_scs_section_size  }
0x9a: {  	s4 =	simm.s32 $_size__tile_overlayer_lowered;
	s5 =	simm.s32 $_tile_overlayer_lowered  }
0x9b: {  	s22 =	simm.s32 $0x1BFF;
	s21 =	sshll.u32 s5, $0x1;
	s2 =	sadd.s32 s19, s18  }
0x9c: {  	s6 =	simm.s32 $0x0;
	s20 =	sshll.u32 s4, $0x1;
	s4 =	sadd.s32 s21, s2  }
0x9d: {  	[timem:s6], [sflag:s22] =	dma.local [hbm:s4], s20  }
0x9e: {  	_ =	swait.ge [sflag:s22], s20  }
0x9f: {  	s3 =	ssub.s32 $0x0, s20;
	[sflag:s22] =	ssyncset.done $0x0  }
0xa0: {  	[sflag:s22] =	ssyncadd.s32 s3;
	_ =	sdelay $0x1  }
0xa1: {  	s23 =	simm.s32 $0x1B8B  }
0xa2: {  	_ =	swait.ge [sflag:s23], $0x1  }
0xa3: {  	[sflag:s23] =	ssyncset.done $0x0  }
0xa4: {  	s25 =	simm.s32 $0x1B8E;
	s24 =	sld [smem:$0x3FFE];
	[sflag:s23] =	ssyncadd.s32 $0xFFFFFFFF  }
0xa5: {  	s26 =	simm.s32 $execute0_lowered;
	[smem:$0x3FD2] =	sst s25  }
0xa6: {  	s4 =	sshll.u32 s26, $0x1;
	_ =	strace $0x8000004C;
	[dreg:$0x1] =	wrdreg $0xFFFFFFFF  }
0xa7: {  	s28 =	simm.s32 $_size_execute0_lowered;
	s2 =	sadd.s32 s2, s4;
	[dreg:$0x0] =	wrdreg $0x0  }
0xa8: {  	s4 =	sshll.u32 s28, $0x1;
	[dreg:$0x2] =	wrdreg s2  }
0xa9: {  	[dreg:$0x3] =	wrdreg s4  }
0xaa: {  	[dreg:$0x4] =	wrdreg $0xC0  }
0xab: {  	_ =	task [dreg:s6], $0x5FFFF  }
0xac: {  	[dreg:$0x1] =	wrdreg $0xFFFFFFFF  }
0xad: {  	[dreg:$0x0] =	wrdreg $0x60  }
0xae: {  	[dreg:$0x2] =	wrdreg s24  }
0xaf: {  	[dreg:$0x3] =	wrdreg $0x134000  }
0xb0: {  	[dreg:$0x4] =	wrdreg $0x94000  }
0xb1: {  	[dreg:$0x5] =	wrdreg $0x9  }
0xb2: {  	_ =	task.clear_ibuf [dreg:s6], $0x6FFFF;
	_ =	strace $0x9000004C  }
0xb3: {  	s29 =	simm.s32 $0x9;
	_ =	strace $0x8000004E  }
0xb4: {  	_ =	swait.ge [sflag:s29], $0x1  }
0xb5: {  	[sflag:s29] =	ssyncadd.s32 $0xFFFFFFFF  }
0xb6: {  	_ =	strace $0x9000004E  }
0xb7: {  	_ =	sfence  }
0xb8: {  	s30 =	sld [smem:$0x0];
	_ =	sdelay $0x2  }
0xb9: {  	s31 =	sshll.u32 s1, $0xD;
	s1 =	sshrl.u32 s1, $0x2  }
0xba: {  	s3 =	sand.u32 $0x4000, s31;
	s1 =	sadd.s32 s1, s30  }
0xbb: {  	s0 =	sor.u32 s3, s0;
	s1 =	sshll.u32 s1, $0x11  }
0xbc: {  	s0 =	sor.u32 s1, s0  }
0xbd: {  	s0 =	sadd.s32 $0x8F2B, s0  }
0xbe: {  	[sflag:s0] =	ssyncadd.remote.s32 $0x1  }
0xbf: {  	_ =	sfence.sel $0xFFFF  }
0xc0: {  	[dreg:$0x0] =	wrdreg $0xFFFFFFFF;
	(pc) =	sbr.abs _section_cstart, $3  }
0xc1: {  	[dreg:$0x1] =	wrdreg $0xFFFFFFFF  }
0xc2: {  	_ =	task.clear_ibuf [dreg:s6], $0x2FFFF;
	_ =	strace $0x9FFFFFFF  }
0xc3: {  	(tm) =	ssettm $0x7FFFFFFF  }
tec
execute0_lowered:
.L_overlay_start_1:
0x0: {  	(tag) =	ssettag $0x1  }
0x1: {  	s7 =	rddreg [dreg:$0x0]  }
0x2: {  	s2 =	rddreg [dreg:$0x1]  }
0x3: {  	s0 =	srdreg.scid;
	s3 =	rddreg [dreg:$0x2];
	s4 =	simm.s32 $0x0  }
0x4: {  	s16 =	simm.s32 $0x80;
	s17 =	simm.s32 $0x5400;
	s18 =	simm.s32 $0x1  }
0x5: {  	s19 =	simm.s32 $0x7400;
	s20 =	simm.s32 $0x2;
	s21 =	simm.s32 $0x2A80  }
0x6: {  	s22 =	simm.s32 $0x3;
	s23 =	simm.s32 $0x100;
	s24 =	simm.s32 $0x4  }
0x7: {  	s25 =	simm.s32 $0x0;
	s6 =	sand.u32 $0x1, s0;
	s0 =	stileid.u32  }
0x8: {  	[smem:$0x7FF] =	sst s4;
	s1 =	sshll.u32 s6, $0x4;
	s8 =	smul.u32 $0x14000, s0  }
0x9: {  	s9 =	smul.u32 $0x140000, s6;
	s6 =	ssub.s32 $0x2, s6;
	s1 =	sor.u32 s0, s1  }
0xa: {  	s31 =	sshll.u32 s0, $0x6;
	s30 =	sshrl.u32 s6, $0x1;
	s5 =	smul.u32 $0x540, s1  }
0xb: {  	s1 =	rddreg [dreg:$0x3];
	_ =	strace $0x8000004D;
	s11 =	sshrl.u32 s8, $0x4  }
0xc: {  	s9 =	sadd.s32 s8, s9;
	s8 =	sshrl.u32 s8, $0x1;
	s13 =	ssub.s32 s6, s30  }
0xd: {  	s11 =	sadd.s32 s11, s7;
	s9 =	sshrl.u32 s9, $0x4;
	s14 =	sadd.s32 s8, s2  }
.Ltmp0:
0xe: {  	s15 =	sadd.s32 s8, s3;
	s10 =	sadd.s32 s5, s7;
	(pc) =	sbr.rel .LBB2_1-.Ltmp0, $4  }
0xf: {  	s5 =	sadd.s32 $0x24A00, s7;
	s12 =	sadd.s32 s9, s7;
	s6 =	sadd.s32 $0x112600, s11  }
0x10: {  	s7 =	sor.u32 $0x1C05, s31;
	s11 =	smax.u32 s13, $0x1;
	s13 =	simm.s32 $0x5  }
0x11: {  	s8 =	sadd.s32 $0x1A200, s10;
	s9 =	sadd.s32 $0xFA00, s10;
	s10 =	sadd.s32 $0x126600, s12  }
0x12: {  	s12 =	sshrl.u32 s14, $0x3;
	s14 =	sshrl.u32 s15, $0x3;
	s15 =	simm.s32 $0x2A00  }
.LBB2_4:
0x13: {  	_ =	swait.ge [sflag:s24], $0x2000  }
0x14: {  	[sflag:s24] =	ssyncset.done $0x0  }
0x15: {  	s25 =	sadd.s32 $0x1, s25;
	[sflag:s24] =	ssyncadd.s32 $0xFFFFE000  }
0x16: {  	p0 =	sne.s32 s25, s11;
	[bflag:$0x0] =	sbarrier.arrive $0xFFFF  }
0x17: {  	[hbm:s10], [sflag:s7] =	dma.local [spmem:s14], $0x1400  }
.Ltmp1:
0x18: {  	_ =	swait.ge [sflag:s13], $0x1400;
	(pc) =	sbr.rel @!p0 .LBB2_5-.Ltmp1, $3  }
0x19: {  	[sflag:s13] =	ssyncset.done $0x0  }
0x1a: {  	[sflag:s13] =	ssyncadd.s32 $0xFFFFEC00  }
0x1b: {  	[bflag:$0x0] =	sbarrier.arrive $0xFFFF;
	_ =	sdelay $0x1  }
.LBB2_1:
0x1c: {  	[spmem:s12], [sflag:s7] =	dma.local [hbm:s6], $0x1400  }
0x1d: {  	_ =	swait.ge [sflag:s13], $0x1400  }
0x1e: {  	[sflag:s13] =	ssyncset.done $0x0  }
0x1f: {  	[sflag:s13] =	ssyncadd.s32 $0xFFFFEC00  }
0x20: {  	[spmem:s14], [sflag:s7] =	dma.local [hbm:s5], $0x1400  }
0x21: {  	_ =	swait.ge [sflag:s13], $0x1400  }
0x22: {  	[sflag:s13] =	ssyncset.done $0x0  }
0x23: {  	[sflag:s13] =	ssyncadd.s32 $0xFFFFEC00  }
0x24: {  	[bflag:$0x0] =	sbarrier.arrive $0xFFFF  }
0x25: {  	[tilespmem:s4], [sflag:$0x5] =	stream.linear.gather [hbm4b:s8+s4], $0x2A00, $0x38;
	[tilespmem:$0x1D400] =	vst v63  }
0x26: {  	_ =	swait.ge [sflag:s13], $0x2A00  }
0x27: {  	[sflag:s13] =	ssyncset.done $0x0  }
0x28: {  	[sflag:s13] =	ssyncadd.s32 $0xFFFFD600  }
0x29: {  	[tilespmem:s15], [sflag:$0x5] =	stream.linear.gather [hbm4b:s9+s4], $0x2A00, $0x38;
	[tilespmem:$0x1D400] =	vst v63  }
0x2a: {  	_ =	swait.ge [sflag:s13], $0x2A00  }
0x2b: {  	[sflag:s13] =	ssyncset.done $0x0  }
0x2c: {  	[sflag:s13] =	ssyncadd.s32 $0xFFFFD600  }
0x2d: {  	[tilespmem:s17], [sflag:$0x1] =	stream.indirect.gather [spmem:s2], $0x40, s4, s16, $0xb8;
	[tilespmem:$0x1D400] =	vst v63  }
0x2e: {  	_ =	swait.ge [sflag:s18], $0x2000  }
0x2f: {  	[sflag:s18] =	ssyncset.done $0x0  }
0x30: {  	[sflag:s18] =	ssyncadd.s32 $0xFFFFE000  }
0x31: {  	[spmem:s3] =	stream.indirect.scatter.add.bf16 [tilespmem:s17], [sflag:$0x3], $0x40, s15, s16, $0xb8;
	[tilespmem:$0x1D400] =	vst v63  }
0x32: {  	_ = 	snop  }
0x33: {  	[tilespmem:s19], [sflag:$0x2] =	stream.indirect.gather [spmem:s2], $0x40, s16, s16, $0xb8;
	[tilespmem:$0x1D400] =	vst v63  }
0x34: {  	_ =	swait.ge [sflag:s20], $0x2000  }
0x35: {  	[sflag:s20] =	ssyncset.done $0x0  }
0x36: {  	[sflag:s20] =	ssyncadd.s32 $0xFFFFE000  }
0x37: {  	[spmem:s3] =	stream.indirect.scatter.add.bf16 [tilespmem:s19], [sflag:$0x4], $0x40, s21, s16, $0xb8;
	[tilespmem:$0x1D400] =	vst v63  }
0x38: {  	_ =	swait.ge [sflag:s22], $0x2000  }
0x39: {  	[sflag:s22] =	ssyncset.done $0x0  }
0x3a: {  	s26 =	simm.s32 $0xFFFF6000;
	[sflag:s22] =	ssyncadd.s32 $0xFFFFE000  }
0x3b: {  	[tilespmem:s17], [sflag:$0x1] =	stream.indirect.gather [spmem:s2], $0x40, s23, s16, $0xb8;
	[tilespmem:$0x1D400] =	vst v63  }
.LBB2_2:
0x3c: {  	_ =	swait.ge [sflag:s18], $0x2000  }
0x3d: {  	s28 =	sshra.s32 s26, $0x2;
	[sflag:s18] =	ssyncset.done $0x0  }
0x3e: {  	s29 =	sadd.s32 $0x5300, s28;
	[sflag:s18] =	ssyncadd.s32 $0xFFFFE000  }
0x3f: {  	[spmem:s3] =	stream.indirect.scatter.add.bf16 [tilespmem:s17], [sflag:$0x3], $0x40, s29, s16, $0xb8;
	[tilespmem:$0x1D400] =	vst v63  }
0x40: {  	_ =	swait.ge [sflag:s24], $0x2000  }
0x41: {  	[sflag:s24] =	ssyncset.done $0x0  }
0x42: {  	s30 =	sadd.s32 $0x2980, s28;
	[sflag:s24] =	ssyncadd.s32 $0xFFFFE000  }
0x43: {  	[tilespmem:s19], [sflag:$0x2] =	stream.indirect.gather [spmem:s2], $0x40, s30, s16, $0xb8;
	[tilespmem:$0x1D400] =	vst v63  }
0x44: {  	_ =	swait.ge [sflag:s20], $0x2000  }
0x45: {  	p0 =	seq.s32 s26, $0x0;
	[sflag:s20] =	ssyncset.done $0x0  }
.Ltmp2:
0x46: {  	s31 =	sadd.s32 $0x5380, s28;
	[sflag:s20] =	ssyncadd.s32 $0xFFFFE000;
	(pc) =	sbr.rel @p0 .LBB2_4-.Ltmp2, $4  }
0x47: {  	[spmem:s3] =	stream.indirect.scatter.add.bf16 [tilespmem:s19], [sflag:$0x4], $0x40, s31, s16, $0xb8;
	[tilespmem:$0x1D400] =	vst v63  }
0x48: {  	_ =	swait.ge [sflag:s22], $0x2000  }
0x49: {  	[sflag:s22] =	ssyncset.done $0x0  }
0x4a: {  	[sflag:s22] =	ssyncadd.s32 $0xFFFFE000  }
.Ltmp3:
0x4b: {  	(pc) =	sbr.rel .LBB2_2-.Ltmp3, $3  }
0x4c: {  	_ =	sdelay $0x1  }
0x4d: {  	s28 =	sadd.s32 $0x2A00, s28;
	s26 =	sadd.s32 $0x400, s26  }
0x4e: {  	[tilespmem:s17], [sflag:$0x1] =	stream.indirect.gather [spmem:s2], $0x40, s28, s16, $0xb8;
	[tilespmem:$0x1D400] =	vst v63  }
.LBB2_5:
0x4f: {  	_ =	sfence.sel $0x180000  }
0x50: {  	[bflag:$0x0] =	sbarrier.arrive $0xFFFF  }
0x51: {  	p0 =	sne.s32 s0, $0x0;
	_ =	strace $0x9000004D  }
0x52: {  	s0 =	sadd.s32 @!p0 $0x100000, s1;
	[bflag:$0x2] =	sbarrier.arrive $0xFFFF  }
0x53: {  	[sflag:s0] =	ssyncadd.tile.s32 @!p0 $0x1;
	_ =	shalt  }
.Lfunc_end2:
_tile_overlayer_lowered:
.L_overlay_start_2:
0x54: {  	(tag) =	ssettag $0x2  }
0x55: {  	s0 =	rddreg [dreg:$0x0];
	s2 =	stileid.u32  }
0x56: {  	s1 =	rddreg [dreg:$0x1];
	p0 =	sne.s32 s2, $0x0  }
0x57: {  	s3 =	rddreg [dreg:$0x2];
	[bflag:$0x3] =	sbarrier.arrive $0xFFFF;
	s2 =	simm.s32 @!p0 $0x1C05  }
0x58: {  	[timem:s3], [sflag:s2] =	dma.local @!p0 [hbm:s0], s1  }
0x59: {  	s0 =	simm.s32 @!p0 $0x5  }
0x5a: {  	_ =	swait.ge @!p0 [sflag:s0], s1  }
0x5b: {  	s1 =	ssub.s32 @!p0 $0x0, s1;
	[sflag:s0] =	ssyncset.done @!p0 $0x0  }
0x5c: {  	[sflag:s0] =	ssyncadd.s32 @!p0 s1  }
0x5d: {  	[bflag:$0x3] =	sbarrier.arrive $0xFFFF  }
0x5e: {  	_ =	shalt  }

// kernel: kernel.27.cloned.1.call-start
scs
__scs_entry_jumppad:
0x0: {  	(pc) =	sbr.rel $0x88, $3  }
0x1: {  	(tag) =	ssettag $0x0;
	lr =	simm.s32 $0x1  }
0x2: {  	[smem:$0x3F75] =	sst lr;
	_ =	strace $0xD0000000  }
0x3: {  	_ = 	snop  }
0x4: {  	_ = 	snop  }
0x5: {  	_ = 	snop  }
0x6: {  	_ = 	snop  }
0x7: {  	_ = 	snop  }
__scs_overlays_trampoline_lowered:
0x8: {  	[smem:$0x3F84] =	sst s0  }
0x9: {  	[smem:$0x3F85] =	sst s1  }
0xa: {  	[smem:$0x3F86] =	sst s2  }
0xb: {  	[smem:$0x3F87] =	sst s3  }
0xc: {  	[smem:$0x3F88] =	sst s4  }
0xd: {  	[smem:$0x3F89] =	sst s5  }
0xe: {  	[smem:$0x3F8A] =	sst s6  }
0xf: {  	[smem:$0x3F8B] =	sst s7  }
0x10: {  	[smem:$0x3F8C] =	sst s8  }
0x11: {  	[smem:$0x3F8D] =	sst s9;
	s0 =	simm.s32 @!p0 $0x0  }
0x12: {  	s1 =	sld [smem:$0x3F73];
	s0 =	simm.s32 @p0 $0x1  }
0x13: {  	[smem:$0x3F8E] =	sst s0;
	s0 =	simm.s32 @!p1 $0x0  }
0x14: {  	s2 =	sld [smem:$0x3F72];
	s0 =	simm.s32 @p1 $0x1  }
0x15: {  	[smem:$0x3F8F] =	sst s0;
	s0 =	simm.s32 @!p2 $0x0  }
0x16: {  	s3 =	sld [smem:$0x3FDB];
	s0 =	simm.s32 @p2 $0x1  }
0x17: {  	s4 =	simm.s32 $0x1BF5;
	[smem:$0x3F91] =	sst s0  }
0x18: {  	s0 =	sld [smem:$0x3F74];
	_ =	swait.ge [sflag:s4], $0x0  }
0x19: {  	s7 =	sld [smem:$0x3F75]  }
0x1a: {  	s8 =	sadd.s32 $0xFFFFE003, lr  }
0x1b: {  	s9 =	sadd.s32 $0xFFFFFEF7, lr;
	s5 =	simm.s32 $0xFFFFFFFF;
	p2 =	slt.u32 s8, $0xFFFFF086  }
0x1c: {  	p1 =	slt.u32 s9, $0xF7A;
	s5 =	simm.s32 @!p2 $0x0  }
0x1d: {  	s5 =	simm.s32 @p1 $0x1;
	p0 =	seq.s32 s7, s2  }
0x1e: {  	s7 =	smul.u32 @!p0 $0xF7A, s2;
	p2 =	seq.s32 @!p0 s5, $0x0  }
0x1f: {  	s9 =	smul.u32 $0xF7A, s1;
	s8 =	simm.s32 @!p0 $0x1BF5;
	p2 =	por !p2, p0  }
0x20: {  	[sflag:s8] =	ssyncset.s32 @!p0 $0xFFFFF086;
	s6 =	sadd.s32 @!p0 s3, s7;
	s7 =	simm.s32 @!p0 $0x108  }
0x21: {  	s3 =	sadd.s32 s3, s9;
	s6 =	sadd.s32 @!p0 $0x88, s6;
	s7 =	simm.s32 @p2 $0x1082  }
0x22: {  	[simem:s7], [sflag:s8] =	dma.local @!p0 [hbm:s6], $0xF7A  }
0x23: {  	s9 =	sor.u32 $0xD0000000, s2;
	s6 =	simm.s32 $0x108;
	_ =	swait.ge @!p0 [sflag:s8], $0x0  }
0x24: {  	s3 =	sadd.s32 $0x88, s3;
	s6 =	simm.s32 @!p1 $0x1082;
	[sflag:s4] =	ssyncset.s32 $0xFFFFF086  }
0x25: {  	[simem:s6], [sflag:s4] =	dma.local [hbm:s3], $0xF7A  }
0x26: {  	[smem:$0x3F75] =	sst s1;
	(tag) =	ssettag s2;
	_ =	strace s9  }
0x27: {  	s1 =	sld [smem:$0x3F85]  }
0x28: {  	s2 =	sld [smem:$0x3F86]  }
0x29: {  	s4 =	sld [smem:$0x3F88]  }
0x2a: {  	p0 =	seq.s32 s5, $0x0;
	s5 =	sld [smem:$0x3F89]  }
0x2b: {  	s6 =	sld [smem:$0x3F8A]  }
0x2c: {  	s7 =	sld [smem:$0x3F8B]  }
0x2d: {  	s3 =	simm.s32 $0x108;
	s8 =	sld [smem:$0x3F8C]  }
0x2e: {  	s3 =	simm.s32 @!p0 $0x1082;
	s9 =	sld [smem:$0x3F8D]  }
0x2f: {  	lr =	sadd.s32 s0, s3;
	s0 =	sld [smem:$0x3F84]  }
0x30: {  	s3 =	sld [smem:$0x3F87]  }
0x31: {  	[smem:$0x3F90] =	sst s10  }
0x32: {  	s10 =	sld [smem:$0x3F8E];
	_ =	sdelay $0x3  }
0x33: {  	p0 =	seq.s32 s10, $0x1;
	s10 =	sld [smem:$0x3F90];
	_ =	sdelay $0x3  }
0x34: {  	[smem:$0x3F90] =	sst s10  }
0x35: {  	s10 =	sld [smem:$0x3F8F];
	_ =	sdelay $0x3  }
0x36: {  	p1 =	seq.s32 s10, $0x1;
	s10 =	sld [smem:$0x3F90];
	_ =	sdelay $0x3  }
0x37: {  	[smem:$0x3F90] =	sst s10  }
0x38: {  	s10 =	sld [smem:$0x3F91]  }
0x39: {  	_ = 	snop;
	(pc) =	sbr.ind lr, $3  }
0x3a: {  	_ = 	snop  }
0x3b: {  	_ = 	snop  }
0x3c: {  	p2 =	seq.s32 s10, $0x1;
	s10 =	sld [smem:$0x3F90]  }
0x3d: {  	_ =	shalt  }
0x3e: {  	_ =	shalt  }
0x3f: {  	_ =	shalt  }
0x40: {  	_ =	shalt  }
0x41: {  	_ =	shalt  }
0x42: {  	_ =	shalt  }
0x43: {  	_ =	shalt  }
0x44: {  	_ =	shalt  }
0x45: {  	_ =	shalt  }
0x46: {  	_ =	shalt  }
0x47: {  	_ =	shalt  }
0x48: {  	_ =	shalt  }
0x49: {  	_ =	shalt  }
0x4a: {  	_ =	shalt  }
0x4b: {  	_ =	shalt  }
0x4c: {  	_ =	shalt  }
0x4d: {  	_ =	shalt  }
0x4e: {  	_ =	shalt  }
0x4f: {  	_ =	shalt  }
0x50: {  	_ =	shalt  }
0x51: {  	_ =	shalt  }
0x52: {  	_ =	shalt  }
0x53: {  	_ =	shalt  }
0x54: {  	_ =	shalt  }
0x55: {  	_ =	shalt  }
0x56: {  	_ =	shalt  }
0x57: {  	_ =	shalt  }
0x58: {  	_ =	shalt  }
0x59: {  	_ =	shalt  }
0x5a: {  	_ =	shalt  }
0x5b: {  	_ =	shalt  }
0x5c: {  	_ =	shalt  }
0x5d: {  	_ =	shalt  }
0x5e: {  	_ =	shalt  }
0x5f: {  	_ =	shalt  }
0x60: {  	_ =	shalt  }
0x61: {  	_ =	shalt  }
0x62: {  	_ =	shalt  }
0x63: {  	_ =	shalt  }
0x64: {  	_ =	shalt  }
0x65: {  	_ =	shalt  }
0x66: {  	_ =	shalt  }
0x67: {  	_ =	shalt  }
0x68: {  	_ =	shalt  }
0x69: {  	_ =	shalt  }
0x6a: {  	_ =	shalt  }
0x6b: {  	_ =	shalt  }
0x6c: {  	_ =	shalt  }
0x6d: {  	_ =	shalt  }
0x6e: {  	_ =	shalt  }
0x6f: {  	_ =	shalt  }
0x70: {  	_ =	shalt  }
0x71: {  	_ =	shalt  }
0x72: {  	_ =	shalt  }
0x73: {  	_ =	shalt  }
0x74: {  	_ =	shalt  }
0x75: {  	_ =	shalt  }
0x76: {  	_ =	shalt  }
0x77: {  	_ =	shalt  }
0x78: {  	_ =	shalt  }
0x79: {  	_ =	shalt  }
0x7a: {  	_ =	shalt  }
0x7b: {  	_ =	shalt  }
0x7c: {  	_ =	shalt  }
0x7d: {  	_ =	shalt  }
0x7e: {  	_ =	shalt  }
0x7f: {  	_ =	shalt  }
0x80: {  	_ =	shalt  }
0x81: {  	_ =	shalt  }
0x82: {  	_ =	shalt  }
0x83: {  	_ =	shalt  }
0x84: {  	_ =	shalt  }
0x85: {  	_ =	shalt  }
0x86: {  	_ =	shalt  }
0x87: {  	_ =	shalt  }
.Lfunc_end0:
.L_simem_size_0:
called_computation.3_lowered:
.L_overlay_start_0:
0x88: {  	s2 =	sld [smem:$0x3FD9]  }
0x89: {  	s3 =	sld [smem:$0x3FFE];
	_ =	sdelay $0x1  }
0x8a: {  	s1 =	srdreg.scid  }
0x8b: {  	s0 =	sand.u32 $0x1, s1  }
0x8c: {  	s16 =	sshll.u32 s0, $0xA;
	s2 =	sadd.s32 s3, s2  }
0x8d: {  	s2 =	sadd.s32 s2, s16  }
0x8e: {  	[smem:$0x3F9C] =	sst s2  }
0x8f: {  	_ = 	snop  }
0x90: {  	(tm) =	ssettm $0x1  }
0x91: {  	s17 =	sld [smem:$0x3FFB];
	_ =	sdelay $0x3  }
0x92: {  	_ =	strace s17  }
0x93: {  	s2 =	sld [smem:$0x3FFC];
	_ =	sdelay $0x3  }
0x94: {  	_ =	strace s2  }
0x95: {  	s2 =	sld [smem:$0x3FFD];
	_ =	sdelay $0x3  }
0x96: {  	_ =	strace s2  }
0x97: {  	_ =	strace $0x8FFFFFFF  }
0x98: {  	s18 =	sld [smem:$0x3FDB];
	_ =	sdelay $0x1  }
0x99: {  	s19 =	simm.s32 $_scs_section_size  }
0x9a: {  	s4 =	simm.s32 $_size__tile_overlayer_lowered;
	s5 =	simm.s32 $_tile_overlayer_lowered  }
0x9b: {  	s22 =	simm.s32 $0x1BFF;
	s21 =	sshll.u32 s5, $0x1;
	s2 =	sadd.s32 s19, s18  }
0x9c: {  	s6 =	simm.s32 $0x0;
	s20 =	sshll.u32 s4, $0x1;
	s4 =	sadd.s32 s21, s2  }
0x9d: {  	[timem:s6], [sflag:s22] =	dma.local [hbm:s4], s20  }
0x9e: {  	_ =	swait.ge [sflag:s22], s20  }
0x9f: {  	s3 =	ssub.s32 $0x0, s20;
	[sflag:s22] =	ssyncset.done $0x0  }
0xa0: {  	[sflag:s22] =	ssyncadd.s32 s3;
	_ =	sdelay $0x1  }
0xa1: {  	s23 =	simm.s32 $0x1B8B  }
0xa2: {  	_ =	swait.ge [sflag:s23], $0x1  }
0xa3: {  	[sflag:s23] =	ssyncset.done $0x0  }
0xa4: {  	s25 =	simm.s32 $0x1B8E;
	s24 =	sld [smem:$0x3FFE];
	[sflag:s23] =	ssyncadd.s32 $0xFFFFFFFF  }
0xa5: {  	s26 =	simm.s32 $execute0_lowered;
	[smem:$0x3FD2] =	sst s25  }
0xa6: {  	s4 =	sshll.u32 s26, $0x1;
	_ =	strace $0x8000004F;
	[dreg:$0x1] =	wrdreg $0xFFFFFFFF  }
0xa7: {  	s28 =	simm.s32 $_size_execute0_lowered;
	s2 =	sadd.s32 s2, s4;
	[dreg:$0x0] =	wrdreg $0x0  }
0xa8: {  	s4 =	sshll.u32 s28, $0x1;
	[dreg:$0x2] =	wrdreg s2  }
0xa9: {  	[dreg:$0x3] =	wrdreg s4  }
0xaa: {  	[dreg:$0x4] =	wrdreg $0xC0  }
0xab: {  	_ =	task [dreg:s6], $0x5FFFF  }
0xac: {  	[dreg:$0x1] =	wrdreg $0xFFFFFFFF  }
0xad: {  	[dreg:$0x0] =	wrdreg $0x60  }
0xae: {  	[dreg:$0x2] =	wrdreg s24  }
0xaf: {  	[dreg:$0x3] =	wrdreg $0x134000  }
0xb0: {  	[dreg:$0x4] =	wrdreg $0x94000  }
0xb1: {  	[dreg:$0x5] =	wrdreg $0x9  }
0xb2: {  	_ =	task.clear_ibuf [dreg:s6], $0x6FFFF;
	_ =	strace $0x9000004F  }
0xb3: {  	s29 =	simm.s32 $0x9;
	_ =	strace $0x80000051  }
0xb4: {  	_ =	swait.ge [sflag:s29], $0x1  }
0xb5: {  	[sflag:s29] =	ssyncadd.s32 $0xFFFFFFFF  }
0xb6: {  	_ =	strace $0x90000051  }
0xb7: {  	_ =	sfence  }
0xb8: {  	s30 =	sld [smem:$0x0];
	_ =	sdelay $0x2  }
0xb9: {  	s31 =	sshll.u32 s1, $0xD;
	s1 =	sshrl.u32 s1, $0x2  }
0xba: {  	s3 =	sand.u32 $0x4000, s31;
	s1 =	sadd.s32 s1, s30  }
0xbb: {  	s0 =	sor.u32 s3, s0;
	s1 =	sshll.u32 s1, $0x11  }
0xbc: {  	s0 =	sor.u32 s1, s0  }
0xbd: {  	s0 =	sadd.s32 $0x8F2B, s0  }
0xbe: {  	[sflag:s0] =	ssyncadd.remote.s32 $0x1  }
0xbf: {  	_ =	sfence.sel $0xFFFF  }
0xc0: {  	[dreg:$0x0] =	wrdreg $0xFFFFFFFF;
	(pc) =	sbr.abs _section_cstart, $3  }
0xc1: {  	[dreg:$0x1] =	wrdreg $0xFFFFFFFF  }
0xc2: {  	_ =	task.clear_ibuf [dreg:s6], $0x2FFFF;
	_ =	strace $0x9FFFFFFF  }
0xc3: {  	(tm) =	ssettm $0x7FFFFFFF  }
tec
execute0_lowered:
.L_overlay_start_1:
0x0: {  	(tag) =	ssettag $0x1  }
0x1: {  	s7 =	rddreg [dreg:$0x0]  }
0x2: {  	s2 =	rddreg [dreg:$0x1]  }
0x3: {  	s0 =	srdreg.scid;
	s3 =	rddreg [dreg:$0x2];
	s4 =	simm.s32 $0x0  }
0x4: {  	s16 =	simm.s32 $0x80;
	s17 =	simm.s32 $0x5400;
	s18 =	simm.s32 $0x1  }
0x5: {  	s19 =	simm.s32 $0x7400;
	s20 =	simm.s32 $0x2;
	s21 =	simm.s32 $0x2A80  }
0x6: {  	s22 =	simm.s32 $0x3;
	s23 =	simm.s32 $0x100;
	s24 =	simm.s32 $0x4  }
0x7: {  	s25 =	simm.s32 $0x0;
	s6 =	sand.u32 $0x1, s0;
	s0 =	stileid.u32  }
0x8: {  	[smem:$0x7FF] =	sst s4;
	s1 =	sshll.u32 s6, $0x4;
	s8 =	smul.u32 $0x14000, s0  }
0x9: {  	s9 =	smul.u32 $0x140000, s6;
	s6 =	ssub.s32 $0x2, s6;
	s1 =	sor.u32 s0, s1  }
0xa: {  	s31 =	sshll.u32 s0, $0x6;
	s30 =	sshrl.u32 s6, $0x1;
	s5 =	smul.u32 $0x540, s1  }
0xb: {  	s1 =	rddreg [dreg:$0x3];
	_ =	strace $0x80000050;
	s11 =	sshrl.u32 s8, $0x4  }
0xc: {  	s9 =	sadd.s32 s8, s9;
	s8 =	sshrl.u32 s8, $0x1;
	s13 =	ssub.s32 s6, s30  }
0xd: {  	s11 =	sadd.s32 s11, s7;
	s9 =	sshrl.u32 s9, $0x4;
	s14 =	sadd.s32 s8, s2  }
.Ltmp0:
0xe: {  	s15 =	sadd.s32 s8, s3;
	s10 =	sadd.s32 s5, s7;
	(pc) =	sbr.rel .LBB2_1-.Ltmp0, $4  }
0xf: {  	s5 =	sadd.s32 $0x24A00, s7;
	s12 =	sadd.s32 s9, s7;
	s6 =	sadd.s32 $0x26200, s11  }
0x10: {  	s7 =	sor.u32 $0x1C05, s31;
	s11 =	smax.u32 s13, $0x1;
	s13 =	simm.s32 $0x5  }
0x11: {  	s8 =	sadd.s32 $0x1A200, s10;
	s9 =	sadd.s32 $0xFA00, s10;
	s10 =	sadd.s32 $0x112600, s12  }
0x12: {  	s12 =	sshrl.u32 s14, $0x3;
	s14 =	sshrl.u32 s15, $0x3;
	s15 =	simm.s32 $0x2A00  }
.LBB2_4:
0x13: {  	_ =	swait.ge [sflag:s24], $0x2000  }
0x14: {  	[sflag:s24] =	ssyncset.done $0x0  }
0x15: {  	s25 =	sadd.s32 $0x1, s25;
	[sflag:s24] =	ssyncadd.s32 $0xFFFFE000  }
0x16: {  	p0 =	sne.s32 s25, s11;
	[bflag:$0x0] =	sbarrier.arrive $0xFFFF  }
0x17: {  	[hbm:s10], [sflag:s7] =	dma.local [spmem:s14], $0x1400  }
.Ltmp1:
0x18: {  	_ =	swait.ge [sflag:s13], $0x1400;
	(pc) =	sbr.rel @!p0 .LBB2_5-.Ltmp1, $3  }
0x19: {  	[sflag:s13] =	ssyncset.done $0x0  }
0x1a: {  	[sflag:s13] =	ssyncadd.s32 $0xFFFFEC00  }
0x1b: {  	[bflag:$0x0] =	sbarrier.arrive $0xFFFF;
	_ =	sdelay $0x1  }
.LBB2_1:
0x1c: {  	[spmem:s12], [sflag:s7] =	dma.local [hbm:s6], $0x1400  }
0x1d: {  	_ =	swait.ge [sflag:s13], $0x1400  }
0x1e: {  	[sflag:s13] =	ssyncset.done $0x0  }
0x1f: {  	[sflag:s13] =	ssyncadd.s32 $0xFFFFEC00  }
0x20: {  	[spmem:s14], [sflag:s7] =	dma.local [hbm:s5], $0x1400  }
0x21: {  	_ =	swait.ge [sflag:s13], $0x1400  }
0x22: {  	[sflag:s13] =	ssyncset.done $0x0  }
0x23: {  	[sflag:s13] =	ssyncadd.s32 $0xFFFFEC00  }
0x24: {  	[bflag:$0x0] =	sbarrier.arrive $0xFFFF  }
0x25: {  	[tilespmem:s4], [sflag:$0x5] =	stream.linear.gather [hbm4b:s8+s4], $0x2A00, $0x38;
	[tilespmem:$0x1D400] =	vst v63  }
0x26: {  	_ =	swait.ge [sflag:s13], $0x2A00  }
0x27: {  	[sflag:s13] =	ssyncset.done $0x0  }
0x28: {  	[sflag:s13] =	ssyncadd.s32 $0xFFFFD600  }
0x29: {  	[tilespmem:s15], [sflag:$0x5] =	stream.linear.gather [hbm4b:s9+s4], $0x2A00, $0x38;
	[tilespmem:$0x1D400] =	vst v63  }
0x2a: {  	_ =	swait.ge [sflag:s13], $0x2A00  }
0x2b: {  	[sflag:s13] =	ssyncset.done $0x0  }
0x2c: {  	[sflag:s13] =	ssyncadd.s32 $0xFFFFD600  }
0x2d: {  	[tilespmem:s17], [sflag:$0x1] =	stream.indirect.gather [spmem:s2], $0x40, s4, s16, $0xb8;
	[tilespmem:$0x1D400] =	vst v63  }
0x2e: {  	_ =	swait.ge [sflag:s18], $0x2000  }
0x2f: {  	[sflag:s18] =	ssyncset.done $0x0  }
0x30: {  	[sflag:s18] =	ssyncadd.s32 $0xFFFFE000  }
0x31: {  	[spmem:s3] =	stream.indirect.scatter.add.bf16 [tilespmem:s17], [sflag:$0x3], $0x40, s15, s16, $0xb8;
	[tilespmem:$0x1D400] =	vst v63  }
0x32: {  	_ = 	snop  }
0x33: {  	[tilespmem:s19], [sflag:$0x2] =	stream.indirect.gather [spmem:s2], $0x40, s16, s16, $0xb8;
	[tilespmem:$0x1D400] =	vst v63  }
0x34: {  	_ =	swait.ge [sflag:s20], $0x2000  }
0x35: {  	[sflag:s20] =	ssyncset.done $0x0  }
0x36: {  	[sflag:s20] =	ssyncadd.s32 $0xFFFFE000  }
0x37: {  	[spmem:s3] =	stream.indirect.scatter.add.bf16 [tilespmem:s19], [sflag:$0x4], $0x40, s21, s16, $0xb8;
	[tilespmem:$0x1D400] =	vst v63  }
0x38: {  	_ =	swait.ge [sflag:s22], $0x2000  }
0x39: {  	[sflag:s22] =	ssyncset.done $0x0  }
0x3a: {  	s26 =	simm.s32 $0xFFFF6000;
	[sflag:s22] =	ssyncadd.s32 $0xFFFFE000  }
0x3b: {  	[tilespmem:s17], [sflag:$0x1] =	stream.indirect.gather [spmem:s2], $0x40, s23, s16, $0xb8;
	[tilespmem:$0x1D400] =	vst v63  }
.LBB2_2:
0x3c: {  	_ =	swait.ge [sflag:s18], $0x2000  }
0x3d: {  	s28 =	sshra.s32 s26, $0x2;
	[sflag:s18] =	ssyncset.done $0x0  }
0x3e: {  	s29 =	sadd.s32 $0x5300, s28;
	[sflag:s18] =	ssyncadd.s32 $0xFFFFE000  }
0x3f: {  	[spmem:s3] =	stream.indirect.scatter.add.bf16 [tilespmem:s17], [sflag:$0x3], $0x40, s29, s16, $0xb8;
	[tilespmem:$0x1D400] =	vst v63  }
0x40: {  	_ =	swait.ge [sflag:s24], $0x2000  }
0x41: {  	[sflag:s24] =	ssyncset.done $0x0  }
0x42: {  	s30 =	sadd.s32 $0x2980, s28;
	[sflag:s24] =	ssyncadd.s32 $0xFFFFE000  }
0x43: {  	[tilespmem:s19], [sflag:$0x2] =	stream.indirect.gather [spmem:s2], $0x40, s30, s16, $0xb8;
	[tilespmem:$0x1D400] =	vst v63  }
0x44: {  	_ =	swait.ge [sflag:s20], $0x2000  }
0x45: {  	p0 =	seq.s32 s26, $0x0;
	[sflag:s20] =	ssyncset.done $0x0  }
.Ltmp2:
0x46: {  	s31 =	sadd.s32 $0x5380, s28;
	[sflag:s20] =	ssyncadd.s32 $0xFFFFE000;
	(pc) =	sbr.rel @p0 .LBB2_4-.Ltmp2, $4  }
0x47: {  	[spmem:s3] =	stream.indirect.scatter.add.bf16 [tilespmem:s19], [sflag:$0x4], $0x40, s31, s16, $0xb8;
	[tilespmem:$0x1D400] =	vst v63  }
0x48: {  	_ =	swait.ge [sflag:s22], $0x2000  }
0x49: {  	[sflag:s22] =	ssyncset.done $0x0  }
0x4a: {  	[sflag:s22] =	ssyncadd.s32 $0xFFFFE000  }
.Ltmp3:
0x4b: {  	(pc) =	sbr.rel .LBB2_2-.Ltmp3, $3  }
0x4c: {  	_ =	sdelay $0x1  }
0x4d: {  	s28 =	sadd.s32 $0x2A00, s28;
	s26 =	sadd.s32 $0x400, s26  }
0x4e: {  	[tilespmem:s17], [sflag:$0x1] =	stream.indirect.gather [spmem:s2], $0x40, s28, s16, $0xb8;
	[tilespmem:$0x1D400] =	vst v63  }
.LBB2_5:
0x4f: {  	_ =	sfence.sel $0x180000  }
0x50: {  	[bflag:$0x0] =	sbarrier.arrive $0xFFFF  }
0x51: {  	p0 =	sne.s32 s0, $0x0;
	_ =	strace $0x90000050  }
0x52: {  	s0 =	sadd.s32 @!p0 $0x100000, s1;
	[bflag:$0x2] =	sbarrier.arrive $0xFFFF  }
0x53: {  	[sflag:s0] =	ssyncadd.tile.s32 @!p0 $0x1;
	_ =	shalt  }
.Lfunc_end2:
_tile_overlayer_lowered:
.L_overlay_start_2:
0x54: {  	(tag) =	ssettag $0x2  }
0x55: {  	s0 =	rddreg [dreg:$0x0];
	s2 =	stileid.u32  }
0x56: {  	s1 =	rddreg [dreg:$0x1];
	p0 =	sne.s32 s2, $0x0  }
0x57: {  	s3 =	rddreg [dreg:$0x2];
	[bflag:$0x3] =	sbarrier.arrive $0xFFFF;
	s2 =	simm.s32 @!p0 $0x1C05  }
0x58: {  	[timem:s3], [sflag:s2] =	dma.local @!p0 [hbm:s0], s1  }
0x59: {  	s0 =	simm.s32 @!p0 $0x5  }
0x5a: {  	_ =	swait.ge @!p0 [sflag:s0], s1  }
0x5b: {  	s1 =	ssub.s32 @!p0 $0x0, s1;
	[sflag:s0] =	ssyncset.done @!p0 $0x0  }
0x5c: {  	[sflag:s0] =	ssyncadd.s32 @!p0 s1  }
0x5d: {  	[bflag:$0x3] =	sbarrier.arrive $0xFFFF  }
0x5e: {  	_ =	shalt  }

</sc_bundles>
